<compile_context>
chip_gen: v7x
topology: tpu7x:2x2x1
jax: 0.10.2.dev20260603
libtpu: 0.0.44.dev20260713+nightly
codegen_flags: <defaults>
</compile_context>

<pallas_src>
import jax
import jax.numpy as jnp
from jax import lax
from jax.experimental import pallas as pl
from jax.experimental.pallas import tpu as pltpu
from jax.experimental.pallas import tpu_sc as plsc

N = 10000
E = 320000
D_IN = 128
H = 16
D_OUT = 128

NC = 2
NS = 16
NW = NC * NS
CHUNK = 128
NBUF = 4
CHUNKS_PER_TILE = 80
GROUPS = CHUNKS_PER_TILE // NBUF
E_PAD = CHUNKS_PER_TILE * CHUNK * NW
EDGES_PER_TILE = CHUNKS_PER_TILE * CHUNK
ROWS_PER_TILE = 632
NPAD = ROWS_PER_TILE * NS

_f32 = jnp.float32


def _fill_rows(ref, n_rows, value):
    row = jnp.full((16,), value, _f32)

    @pl.loop(0, n_rows)
    def _(r):
        ref[r, :] = row


def _hist_body(src_hbm, dst_hbm, outS_hbm, outD_hbm,
               si_all, di_all, ones_v, zbuf_v, accS, accD, semA, semB):
    cid = lax.axis_index("c")
    sid = lax.axis_index("s")
    wid = sid * NC + cid

    _fill_rows(zbuf_v, ROWS_PER_TILE, 0.0)
    _fill_rows(ones_v, CHUNK, 1.0)
    r0 = sid * ROWS_PER_TILE
    pltpu.sync_copy(src_hbm.at[wid], si_all)
    pltpu.sync_copy(dst_hbm.at[wid], di_all)
    pltpu.sync_copy(zbuf_v, accS.at[pl.ds(r0, ROWS_PER_TILE)])
    pltpu.sync_copy(zbuf_v, accD.at[pl.ds(r0, ROWS_PER_TILE)])
    plsc.subcore_barrier()

    @pl.loop(0, CHUNKS_PER_TILE)
    def _(k):
        pltpu.async_copy(ones_v, accS.at[si_all.at[k]], semA, add=True)
        pltpu.async_copy(ones_v, accD.at[di_all.at[k]], semB, add=True)

        @pl.when(k >= NBUF)
        def _():
            pltpu.make_async_copy(ones_v, accS.at[si_all.at[0]], semA).wait()
            pltpu.make_async_copy(ones_v, accD.at[di_all.at[0]], semB).wait()

    for _ in range(NBUF):
        pltpu.make_async_copy(ones_v, accS.at[si_all.at[0]], semA).wait()
        pltpu.make_async_copy(ones_v, accD.at[di_all.at[0]], semB).wait()

    plsc.subcore_barrier()
    pltpu.sync_copy(accS.at[pl.ds(r0, ROWS_PER_TILE)],
                    outS_hbm.at[cid, pl.ds(r0, ROWS_PER_TILE)])
    pltpu.sync_copy(accD.at[pl.ds(r0, ROWS_PER_TILE)],
                    outD_hbm.at[cid, pl.ds(r0, ROWS_PER_TILE)])


def _agg_body(h_hbm, src_hbm, dst_hbm, out_hbm,
              si_all, di_all, rows, zbuf_v, acc, sg, ss):
    cid = lax.axis_index("c")
    sid = lax.axis_index("s")
    wid = sid * NC + cid

    _fill_rows(zbuf_v, ROWS_PER_TILE, 0.0)
    r0 = sid * ROWS_PER_TILE
    pltpu.sync_copy(src_hbm.at[wid], si_all)
    pltpu.sync_copy(dst_hbm.at[wid], di_all)
    pltpu.sync_copy(zbuf_v, acc.at[pl.ds(r0, ROWS_PER_TILE)])
    plsc.subcore_barrier()

    def wait_gather(b):
        pltpu.make_async_copy(h_hbm.at[si_all.at[0]], rows[b], sg[b]).wait()

    def wait_scatter(b):
        pltpu.make_async_copy(rows[b], acc.at[di_all.at[0]], ss[b]).wait()

    for b in range(NBUF):
        pltpu.async_copy(h_hbm.at[si_all.at[b]], rows[b], sg[b])

    @pl.loop(0, GROUPS - 1)
    def _(g):
        k0 = g * NBUF
        for b in range(NBUF):
            wait_gather(b)
            pltpu.async_copy(rows[b], acc.at[di_all.at[k0 + b]], ss[b],
                             add=True)
        for b in range(NBUF):
            wait_scatter(b)
            pltpu.async_copy(h_hbm.at[si_all.at[k0 + NBUF + b]], rows[b],
                             sg[b])

    k0 = (GROUPS - 1) * NBUF
    for b in range(NBUF):
        wait_gather(b)
        pltpu.async_copy(rows[b], acc.at[di_all.at[k0 + b]], ss[b], add=True)
    for b in range(NBUF):
        wait_scatter(b)

    plsc.subcore_barrier()
    pltpu.sync_copy(acc.at[pl.ds(r0, ROWS_PER_TILE)],
                    out_hbm.at[cid, pl.ds(r0, ROWS_PER_TILE)])


def _make_sc_kernels():
    mesh = plsc.VectorSubcoreMesh(core_axis_name="c", subcore_axis_name="s")
    cp = pltpu.CompilerParams(use_tc_tiling_on_sc=False)
    deg_t = jax.ShapeDtypeStruct((NC, NPAD, H), _f32)
    idx_t = pltpu.VMEM((CHUNKS_PER_TILE, CHUNK), jnp.int32)
    hist = pl.kernel(
        _hist_body,
        out_type=(deg_t, deg_t),
        mesh=mesh,
        compiler_params=cp,
        scratch_types=[
            idx_t,
            idx_t,
            pltpu.VMEM((CHUNK, H), _f32),
            pltpu.VMEM((ROWS_PER_TILE, H), _f32),
            pltpu.VMEM_SHARED((NPAD, H), _f32),
            pltpu.VMEM_SHARED((NPAD, H), _f32),
            pltpu.SemaphoreType.DMA,
            pltpu.SemaphoreType.DMA,
        ],
    )
    agg = pl.kernel(
        _agg_body,
        out_type=deg_t,
        mesh=mesh,
        compiler_params=cp,
        scratch_types=[
            idx_t,
            idx_t,
            [pltpu.VMEM((CHUNK, H), _f32) for _ in range(NBUF)],
            pltpu.VMEM((ROWS_PER_TILE, H), _f32),
            pltpu.VMEM_SHARED((NPAD, H), _f32),
            [pltpu.SemaphoreType.DMA for _ in range(NBUF)],
            [pltpu.SemaphoreType.DMA for _ in range(NBUF)],
        ],
    )
    return hist, agg


_HIST, _AGG = _make_sc_kernels()

_BLK = NPAD // 8


def _mm1_body(x_ref, w_ref, dS_ref, o_ref):
    deg = dS_ref[0] + dS_ref[1]
    norm = lax.rsqrt(jnp.maximum(deg, 1.0))
    o_ref[...] = jnp.dot(x_ref[...], w_ref[...],
                         preferred_element_type=_f32) * norm


def _mid_body(a_ref, dD_ref, dS_ref, b_ref, o_ref):
    agg = a_ref[0] + a_ref[1]
    nD = lax.rsqrt(jnp.maximum(dD_ref[0] + dD_ref[1], 1.0))
    nS = lax.rsqrt(jnp.maximum(dS_ref[0] + dS_ref[1], 1.0))
    h = jnp.maximum(agg * nD + b_ref[...], 0.0)
    o_ref[...] = h * nS


def _out_body(a_ref, dD_ref, w_ref, b_ref, o_ref):
    agg = a_ref[0] + a_ref[1]
    nD = lax.rsqrt(jnp.maximum(dD_ref[0] + dD_ref[1], 1.0))[:, 0:1]
    o_ref[...] = jnp.dot(agg, w_ref[...],
                         preferred_element_type=_f32) * nD + b_ref[...]


_deg_spec = pl.BlockSpec((NC, _BLK, H), lambda i: (0, i, 0))

_MM1 = pl.pallas_call(
    _mm1_body,
    grid=(8,),
    in_specs=[
        pl.BlockSpec((_BLK, D_IN), lambda i: (i, 0)),
        pl.BlockSpec((D_IN, H), lambda i: (0, 0)),
        _deg_spec,
    ],
    out_specs=pl.BlockSpec((_BLK, H), lambda i: (i, 0)),
    out_shape=jax.ShapeDtypeStruct((NPAD, H), _f32),
)

_MID = pl.pallas_call(
    _mid_body,
    grid=(8,),
    in_specs=[_deg_spec, _deg_spec, _deg_spec,
              pl.BlockSpec((1, H), lambda i: (0, 0))],
    out_specs=pl.BlockSpec((_BLK, H), lambda i: (i, 0)),
    out_shape=jax.ShapeDtypeStruct((NPAD, H), _f32),
)

_OUT = pl.pallas_call(
    _out_body,
    grid=(8,),
    in_specs=[_deg_spec, _deg_spec,
              pl.BlockSpec((H, D_OUT), lambda i: (0, 0)),
              pl.BlockSpec((1, D_OUT), lambda i: (0, 0))],
    out_specs=pl.BlockSpec((_BLK, D_OUT), lambda i: (i, 0)),
    out_shape=jax.ShapeDtypeStruct((NPAD, D_OUT), _f32),
)


def kernel(node_feat, g, W1, b1, W2, b2):
    src = g[0]
    dst = g[1]
    pad = jnp.full((E_PAD - E,), N, jnp.int32)
    srcp = jnp.concatenate([src, pad]).reshape(NW, CHUNKS_PER_TILE, CHUNK)
    dstp = jnp.concatenate([dst, pad]).reshape(NW, CHUNKS_PER_TILE, CHUNK)
    x_pad = jnp.pad(node_feat, ((0, NPAD - N), (0, 0)))

    degS, degD = _HIST(srcp, dstp)

    h1s = _MM1(x_pad, W1, degS)
    agg1 = _AGG(h1s, srcp, dstp)
    h2s = _MID(agg1, degD, degS, b1.reshape(1, H))
    agg2 = _AGG(h2s, srcp, dstp)
    out = _OUT(agg2, degD, W2, b2.reshape(1, D_OUT))
    return out[:N]

# --- scband reference (transcript-rebuilt; emitter-appended) ---
"""Pipeline reference for scband-gcn-21784074125527 (READ-ONLY COPY).

The authoritative reference and input builder live on the scoring server;
editing this copy changes nothing except your own understanding.
"""

import jax, jax.numpy as jnp
import numpy as np

N = 10000
E = 320000
D_IN = 128
H = 16
D_OUT = 128


def setup_inputs(seed: int = 0) -> dict:
    key = jax.random.key(seed)
    k1, k2, k3, k4, k5, k6 = jax.random.split(key, 6)
    node_feat = jax.random.normal(k1, (N, D_IN), dtype=jnp.float32)
    g = jax.random.randint(k2, (2, E), 0, N, dtype=jnp.int32)
    W1 = jax.random.normal(k3, (D_IN, H), dtype=jnp.float32) * (1.0 / np.sqrt(D_IN))
    b1 = jnp.zeros((H,), dtype=jnp.float32)
    W2 = jax.random.normal(k4, (H, D_OUT), dtype=jnp.float32) * (1.0 / np.sqrt(H))
    b2 = jnp.zeros((D_OUT,), dtype=jnp.float32)
    return {"node_feat": node_feat, "g": g, "W1": W1, "b1": b1, "W2": W2, "b2": b2}


def _gcn_layer(h, src, dst, W, b, weight_first):
    # DGL GraphConv, norm='both':
    # scale src features by out_degree^{-1/2}, aggregate (sum) to dst,
    # scale result by in_degree^{-1/2}. Weight applied before aggregation
    # when in_feats > out_feats, else after.
    deg_out = jnp.clip(jnp.bincount(src, length=N), 1).astype(h.dtype)
    norm_src = deg_out ** (-0.5)
    h = h * norm_src[:, None]
    if weight_first:
        h = h @ W
    msgs = h[src]
    agg = jax.ops.segment_sum(msgs, dst, num_segments=N)
    if not weight_first:
        agg = agg @ W
    deg_in = jnp.clip(jnp.bincount(dst, length=N), 1).astype(agg.dtype)
    norm_dst = deg_in ** (-0.5)
    agg = agg * norm_dst[:, None]
    return agg + b


def reference(node_feat, g, W1, b1, W2, b2):
    src = g[0]
    dst = g[1]
    # layer 1: 128 -> 16 (in > out, weight applied first)
    h = _gcn_layer(node_feat, src, dst, W1, b1, weight_first=True)
    h = jax.nn.relu(h)
    # dropout is identity in eval mode
    # layer 2: 16 -> 128 (in < out, aggregate then weight)
    h = _gcn_layer(h, src, dst, W2, b2, weight_first=False)
    return h

if __name__ == "__main__":
    import jax
    _d = setup_inputs()
    print(jax.jit(kernel)(*tuple(_d.values())))

</pallas_src>

<mosaic_0001>
#map = affine_map<(d0, d1) -> (0, 0)>
#map1 = affine_map<(d0, d1) -> (0, 0, 0)>
module attributes {stable_mosaic.version = 14 : i64} {
  func.func @_agg_body(%arg0: i32, %arg1: i32, %arg2: memref<10112x16xf32, #tpu.memory_space<hbm>>, %arg3: memref<32x80x128xi32, #tpu.memory_space<hbm>>, %arg4: memref<32x80x128xi32, #tpu.memory_space<hbm>>, %arg5: memref<2x10112x16xf32, #tpu.memory_space<hbm>>, %arg6: memref<80x128xi32, #tpu.memory_space<vmem>>, %arg7: memref<80x128xi32, #tpu.memory_space<vmem>>, %arg8: memref<128x16xf32, #tpu.memory_space<vmem>>, %arg9: memref<128x16xf32, #tpu.memory_space<vmem>>, %arg10: memref<128x16xf32, #tpu.memory_space<vmem>>, %arg11: memref<128x16xf32, #tpu.memory_space<vmem>>, %arg12: memref<632x16xf32, #tpu.memory_space<vmem>>, %arg13: memref<10112x16xf32, #tpu.memory_space<vmem_shared>>, %arg14: memref<!tpu.dma_semaphore, #tpu.memory_space<semaphore_mem>>, %arg15: memref<!tpu.dma_semaphore, #tpu.memory_space<semaphore_mem>>, %arg16: memref<!tpu.dma_semaphore, #tpu.memory_space<semaphore_mem>>, %arg17: memref<!tpu.dma_semaphore, #tpu.memory_space<semaphore_mem>>, %arg18: memref<!tpu.dma_semaphore, #tpu.memory_space<semaphore_mem>>, %arg19: memref<!tpu.dma_semaphore, #tpu.memory_space<semaphore_mem>>, %arg20: memref<!tpu.dma_semaphore, #tpu.memory_space<semaphore_mem>>, %arg21: memref<!tpu.dma_semaphore, #tpu.memory_space<semaphore_mem>>) attributes {dimension_semantics = [#tpu.dimension_semantics<core_parallel>, #tpu.dimension_semantics<subcore_parallel>], iteration_bounds = array<i64: 2, 16>, scalar_prefetch = 0 : i64, scratch_operands = 16 : i64, tpu.core_type = #tpu.core_type<sc_vector_subcore>, window_params = [{transform_indices = #map}, {transform_indices = #map1}, {transform_indices = #map1}, {transform_indices = #map1}]} {
    %mul3A = arith.constant 2 : i32
    %mul3A_0 = arith.muli %arg1, %mul3A : i32
    %add3A = arith.addi %mul3A_0, %arg0 : i32
    %broadcast_in_dim3A = arith.constant 0.000000e+00 : f32
    %broadcast_in_dim3A_1 = vector.broadcast %broadcast_in_dim3A : f32 to vector<16xf32>
    %scan3A = arith.constant 0 : i32
    %scan3A_2 = arith.constant 632 : i32
    %scan3A_3 = arith.addi %scan3A, %scan3A_2 : i32
    %scan3A_4 = arith.constant 1 : i32
    scf.for %scan3A_124 = %scan3A to %scan3A_3 step %scan3A_4  : i32 {
      %mul3A_125 = arith.constant 1 : i32
      %mul3A_126 = arith.muli %scan3A_124, %mul3A_125 : i32
      %add3A_127 = arith.constant 0 : i32
      %add3A_128 = arith.addi %add3A_127, %mul3A_126 : i32
      %swap3A = arith.index_cast %add3A_128 : i32 to index
      %swap3A_129 = arith.constant 0 : index
      %swap3A_130 = tpu.vector_load %arg12[%swap3A, %swap3A_129] {strides = array<i32>} : memref<632x16xf32, #tpu.memory_space<vmem>>, vector<1x16xf32>,
      %swap3A_131 = vector.shape_cast %swap3A_130 : vector<1x16xf32> to vector<16xf32>
      %swap3A_132 = vector.shape_cast %broadcast_in_dim3A_1 : vector<16xf32> to vector<1x16xf32>
      tpu.vector_store %arg12[%swap3A, %swap3A_129], %swap3A_132 {strides = array<i32>} : memref<632x16xf32, #tpu.memory_space<vmem>>, vector<1x16xf32>,
    }
    %scan3A_5 = arith.constant 632 : i32
    %mul3A_6 = arith.constant 632 : i32
    %mul3A_7 = arith.muli %arg1, %mul3A_6 : i32
    "tpu.region"() ({
      %run_scoped3A = tpu.sem_alloc : memref<!tpu.dma_semaphore, #tpu.memory_space<semaphore_mem>>
      %dma_start3A_124 = arith.constant 0 : i32
      %dma_start3A_125 = arith.constant 0 : i32
      %dma_start3A_126 = tpu.memref_slice %arg3[%add3A, %dma_start3A_124, %dma_start3A_125] : memref<32x80x128xi32, #tpu.memory_space<hbm>> -> memref<1x80x128xi32, #tpu.memory_space<hbm>>
      %dma_start3A_127 = tpu.memref_squeeze %dma_start3A_126 : memref<1x80x128xi32, #tpu.memory_space<hbm>> -> memref<80x128xi32, #tpu.memory_space<hbm>>
      %dma_start3A_128 = arith.constant 0 : i32
      %dma_start3A_129 = arith.constant 0 : i32
      %dma_start3A_130 = tpu.memref_slice %arg3[%add3A, %dma_start3A_128, %dma_start3A_129] : memref<32x80x128xi32, #tpu.memory_space<hbm>> -> memref<1x80x128xi32, #tpu.memory_space<hbm>>
      %dma_start3A_131 = tpu.memref_squeeze %dma_start3A_130 : memref<1x80x128xi32, #tpu.memory_space<hbm>> -> memref<80x128xi32, #tpu.memory_space<hbm>>
      tpu.enqueue_dma source(%dma_start3A_131 : memref<80x128xi32, #tpu.memory_space<hbm>>) target(%arg6 : memref<80x128xi32, #tpu.memory_space<vmem>>) target_semaphore(%run_scoped3A : memref<!tpu.dma_semaphore, #tpu.memory_space<semaphore_mem>>)
      %dma_wait3A_132 = arith.constant 0 : i32
      %dma_wait3A_133 = arith.constant 0 : i32
      %dma_wait3A_134 = tpu.memref_slice %arg3[%add3A, %dma_wait3A_132, %dma_wait3A_133] : memref<32x80x128xi32, #tpu.memory_space<hbm>> -> memref<1x80x128xi32, #tpu.memory_space<hbm>>
      %dma_wait3A_135 = tpu.memref_squeeze %dma_wait3A_134 : memref<1x80x128xi32, #tpu.memory_space<hbm>> -> memref<80x128xi32, #tpu.memory_space<hbm>>
      %dma_wait3A_136 = arith.constant 0 : i32
      %dma_wait3A_137 = arith.constant 0 : i32
      %dma_wait3A_138 = tpu.memref_slice %arg3[%add3A, %dma_wait3A_136, %dma_wait3A_137] : memref<32x80x128xi32, #tpu.memory_space<hbm>> -> memref<1x80x128xi32, #tpu.memory_space<hbm>>
      %dma_wait3A_139 = tpu.memref_squeeze %dma_wait3A_138 : memref<1x80x128xi32, #tpu.memory_space<hbm>> -> memref<80x128xi32, #tpu.memory_space<hbm>>
      tpu.wait_dma2 semaphore(%run_scoped3A : memref<!tpu.dma_semaphore, #tpu.memory_space<semaphore_mem>>) src(%dma_wait3A_139 : memref<80x128xi32, #tpu.memory_space<hbm>>) dst(%arg6 : memref<80x128xi32, #tpu.memory_space<vmem>>)
      tpu.yield
    }) : () -> ()
    "tpu.region"() ({
      %run_scoped3A = tpu.sem_alloc : memref<!tpu.dma_semaphore, #tpu.memory_space<semaphore_mem>>
      %dma_start3A_124 = arith.constant 0 : i32
      %dma_start3A_125 = arith.constant 0 : i32
      %dma_start3A_126 = tpu.memref_slice %arg4[%add3A, %dma_start3A_124, %dma_start3A_125] : memref<32x80x128xi32, #tpu.memory_space<hbm>> -> memref<1x80x128xi32, #tpu.memory_space<hbm>>
      %dma_start3A_127 = tpu.memref_squeeze %dma_start3A_126 : memref<1x80x128xi32, #tpu.memory_space<hbm>> -> memref<80x128xi32, #tpu.memory_space<hbm>>
      %dma_start3A_128 = arith.constant 0 : i32
      %dma_start3A_129 = arith.constant 0 : i32
      %dma_start3A_130 = tpu.memref_slice %arg4[%add3A, %dma_start3A_128, %dma_start3A_129] : memref<32x80x128xi32, #tpu.memory_space<hbm>> -> memref<1x80x128xi32, #tpu.memory_space<hbm>>
      %dma_start3A_131 = tpu.memref_squeeze %dma_start3A_130 : memref<1x80x128xi32, #tpu.memory_space<hbm>> -> memref<80x128xi32, #tpu.memory_space<hbm>>
      tpu.enqueue_dma source(%dma_start3A_131 : memref<80x128xi32, #tpu.memory_space<hbm>>) target(%arg7 : memref<80x128xi32, #tpu.memory_space<vmem>>) target_semaphore(%run_scoped3A : memref<!tpu.dma_semaphore, #tpu.memory_space<semaphore_mem>>)
      %dma_wait3A_132 = arith.constant 0 : i32
      %dma_wait3A_133 = arith.constant 0 : i32
      %dma_wait3A_134 = tpu.memref_slice %arg4[%add3A, %dma_wait3A_132, %dma_wait3A_133] : memref<32x80x128xi32, #tpu.memory_space<hbm>> -> memref<1x80x128xi32, #tpu.memory_space<hbm>>
      %dma_wait3A_135 = tpu.memref_squeeze %dma_wait3A_134 : memref<1x80x128xi32, #tpu.memory_space<hbm>> -> memref<80x128xi32, #tpu.memory_space<hbm>>
      %dma_wait3A_136 = arith.constant 0 : i32
      %dma_wait3A_137 = arith.constant 0 : i32
      %dma_wait3A_138 = tpu.memref_slice %arg4[%add3A, %dma_wait3A_136, %dma_wait3A_137] : memref<32x80x128xi32, #tpu.memory_space<hbm>> -> memref<1x80x128xi32, #tpu.memory_space<hbm>>
      %dma_wait3A_139 = tpu.memref_squeeze %dma_wait3A_138 : memref<1x80x128xi32, #tpu.memory_space<hbm>> -> memref<80x128xi32, #tpu.memory_space<hbm>>
      tpu.wait_dma2 semaphore(%run_scoped3A : memref<!tpu.dma_semaphore, #tpu.memory_space<semaphore_mem>>) src(%dma_wait3A_139 : memref<80x128xi32, #tpu.memory_space<hbm>>) dst(%arg7 : memref<80x128xi32, #tpu.memory_space<vmem>>)
      tpu.yield
    }) : () -> ()
    "tpu.region"() ({
      %run_scoped3A = tpu.sem_alloc : memref<!tpu.dma_semaphore, #tpu.memory_space<semaphore_mem>>
      %dma_start3A_124 = arith.constant 0 : i32
      %dma_start3A_125 = tpu.memref_slice %arg13[%mul3A_7, %dma_start3A_124] : memref<10112x16xf32, #tpu.memory_space<vmem_shared>> -> memref<632x16xf32, #tpu.memory_space<vmem_shared>>
      %dma_start3A_126 = arith.constant 0 : i32
      %dma_start3A_127 = tpu.memref_slice %arg13[%mul3A_7, %dma_start3A_126] : memref<10112x16xf32, #tpu.memory_space<vmem_shared>> -> memref<632x16xf32, #tpu.memory_space<vmem_shared>>
      tpu.enqueue_dma source(%arg12 : memref<632x16xf32, #tpu.memory_space<vmem>>) target(%dma_start3A_127 : memref<632x16xf32, #tpu.memory_space<vmem_shared>>) target_semaphore(%run_scoped3A : memref<!tpu.dma_semaphore, #tpu.memory_space<semaphore_mem>>)
      %dma_wait3A_128 = arith.constant 0 : i32
      %dma_wait3A_129 = tpu.memref_slice %arg13[%mul3A_7, %dma_wait3A_128] : memref<10112x16xf32, #tpu.memory_space<vmem_shared>> -> memref<632x16xf32, #tpu.memory_space<vmem_shared>>
      %dma_wait3A_130 = arith.constant 0 : i32
      %dma_wait3A_131 = tpu.memref_slice %arg13[%mul3A_7, %dma_wait3A_130] : memref<10112x16xf32, #tpu.memory_space<vmem_shared>> -> memref<632x16xf32, #tpu.memory_space<vmem_shared>>
      tpu.wait_dma2 semaphore(%run_scoped3A : memref<!tpu.dma_semaphore, #tpu.memory_space<semaphore_mem>>) src(%arg12 : memref<632x16xf32, #tpu.memory_space<vmem>>) dst(%dma_wait3A_131 : memref<632x16xf32, #tpu.memory_space<vmem_shared>>)
      tpu.yield
    }) : () -> ()
    %barrier3A = arith.constant 0 : index
    tpu.barrier barrier_id(%barrier3A)
    %dma_start3A = arith.constant 0 : i32
    %dma_start3A_8 = arith.constant 0 : i32
    %dma_start3A_9 = tpu.memref_slice %arg6[%dma_start3A, %dma_start3A_8] : memref<80x128xi32, #tpu.memory_space<vmem>> -> memref<1x128xi32, #tpu.memory_space<vmem>>
    %dma_start3A_10 = tpu.memref_squeeze %dma_start3A_9 : memref<1x128xi32, #tpu.memory_space<vmem>> -> memref<128xi32, #tpu.memory_space<vmem>>
    %dma_start3A_11 = arith.constant 0 : i32
    %dma_start3A_12 = arith.constant 0 : i32
    %dma_start3A_13 = tpu.memref_slice %arg2[%dma_start3A_11, %dma_start3A_12] : memref<10112x16xf32, #tpu.memory_space<hbm>> -> memref<10112x16xf32, #tpu.memory_space<hbm>>
    tpu.enqueue_indirect_dma source(%dma_start3A_13 : memref<10112x16xf32, #tpu.memory_space<hbm>>) target(%arg8 : memref<128x16xf32, #tpu.memory_space<vmem>>) offsets(%dma_start3A_10 : memref<128xi32, #tpu.memory_space<vmem>>) semaphore(%arg14 : memref<!tpu.dma_semaphore, #tpu.memory_space<semaphore_mem>>)
    %dma_start3A_14 = arith.constant 1 : i32
    %dma_start3A_15 = arith.constant 0 : i32
    %dma_start3A_16 = tpu.memref_slice %arg6[%dma_start3A_14, %dma_start3A_15] : memref<80x128xi32, #tpu.memory_space<vmem>> -> memref<1x128xi32, #tpu.memory_space<vmem>>
    %dma_start3A_17 = tpu.memref_squeeze %dma_start3A_16 : memref<1x128xi32, #tpu.memory_space<vmem>> -> memref<128xi32, #tpu.memory_space<vmem>>
    %dma_start3A_18 = arith.constant 0 : i32
    %dma_start3A_19 = arith.constant 0 : i32
    %dma_start3A_20 = tpu.memref_slice %arg2[%dma_start3A_18, %dma_start3A_19] : memref<10112x16xf32, #tpu.memory_space<hbm>> -> memref<10112x16xf32, #tpu.memory_space<hbm>>
    tpu.enqueue_indirect_dma source(%dma_start3A_20 : memref<10112x16xf32, #tpu.memory_space<hbm>>) target(%arg9 : memref<128x16xf32, #tpu.memory_space<vmem>>) offsets(%dma_start3A_17 : memref<128xi32, #tpu.memory_space<vmem>>) semaphore(%arg15 : memref<!tpu.dma_semaphore, #tpu.memory_space<semaphore_mem>>)
    %dma_start3A_21 = arith.constant 2 : i32
    %dma_start3A_22 = arith.constant 0 : i32
    %dma_start3A_23 = tpu.memref_slice %arg6[%dma_start3A_21, %dma_start3A_22] : memref<80x128xi32, #tpu.memory_space<vmem>> -> memref<1x128xi32, #tpu.memory_space<vmem>>
    %dma_start3A_24 = tpu.memref_squeeze %dma_start3A_23 : memref<1x128xi32, #tpu.memory_space<vmem>> -> memref<128xi32, #tpu.memory_space<vmem>>
    %dma_start3A_25 = arith.constant 0 : i32
    %dma_start3A_26 = arith.constant 0 : i32
    %dma_start3A_27 = tpu.memref_slice %arg2[%dma_start3A_25, %dma_start3A_26] : memref<10112x16xf32, #tpu.memory_space<hbm>> -> memref<10112x16xf32, #tpu.memory_space<hbm>>
    tpu.enqueue_indirect_dma source(%dma_start3A_27 : memref<10112x16xf32, #tpu.memory_space<hbm>>) target(%arg10 : memref<128x16xf32, #tpu.memory_space<vmem>>) offsets(%dma_start3A_24 : memref<128xi32, #tpu.memory_space<vmem>>) semaphore(%arg16 : memref<!tpu.dma_semaphore, #tpu.memory_space<semaphore_mem>>)
    %dma_start3A_28 = arith.constant 3 : i32
    %dma_start3A_29 = arith.constant 0 : i32
    %dma_start3A_30 = tpu.memref_slice %arg6[%dma_start3A_28, %dma_start3A_29] : memref<80x128xi32, #tpu.memory_space<vmem>> -> memref<1x128xi32, #tpu.memory_space<vmem>>
    %dma_start3A_31 = tpu.memref_squeeze %dma_start3A_30 : memref<1x128xi32, #tpu.memory_space<vmem>> -> memref<128xi32, #tpu.memory_space<vmem>>
    %dma_start3A_32 = arith.constant 0 : i32
    %dma_start3A_33 = arith.constant 0 : i32
    %dma_start3A_34 = tpu.memref_slice %arg2[%dma_start3A_32, %dma_start3A_33] : memref<10112x16xf32, #tpu.memory_space<hbm>> -> memref<10112x16xf32, #tpu.memory_space<hbm>>
    tpu.enqueue_indirect_dma source(%dma_start3A_34 : memref<10112x16xf32, #tpu.memory_space<hbm>>) target(%arg11 : memref<128x16xf32, #tpu.memory_space<vmem>>) offsets(%dma_start3A_31 : memref<128xi32, #tpu.memory_space<vmem>>) semaphore(%arg17 : memref<!tpu.dma_semaphore, #tpu.memory_space<semaphore_mem>>)
    %scan3A_35 = arith.constant 0 : i32
    %scan3A_36 = arith.constant 19 : i32
    %scan3A_37 = arith.addi %scan3A_35, %scan3A_36 : i32
    %scan3A_38 = arith.constant 1 : i32
    scf.for %scan3A_124 = %scan3A_35 to %scan3A_37 step %scan3A_38  : i32 {
      %mul3A_125 = arith.constant 1 : i32
      %mul3A_126 = arith.muli %scan3A_124, %mul3A_125 : i32
      %add3A_127 = arith.constant 0 : i32
      %add3A_128 = arith.addi %add3A_127, %mul3A_126 : i32
      %mul3A_129 = arith.constant 4 : i32
      %mul3A_130 = arith.muli %add3A_128, %mul3A_129 : i32
      %dma_wait3A_131 = arith.constant 0 : i32
      %dma_wait3A_132 = arith.constant 0 : i32
      %dma_wait3A_133 = tpu.memref_slice %arg6[%dma_wait3A_131, %dma_wait3A_132] : memref<80x128xi32, #tpu.memory_space<vmem>> -> memref<1x128xi32, #tpu.memory_space<vmem>>
      %dma_wait3A_134 = tpu.memref_squeeze %dma_wait3A_133 : memref<1x128xi32, #tpu.memory_space<vmem>> -> memref<128xi32, #tpu.memory_space<vmem>>
      %dma_wait3A_135 = arith.constant 0 : i32
      %dma_wait3A_136 = arith.constant 0 : i32
      %dma_wait3A_137 = tpu.memref_slice %arg2[%dma_wait3A_135, %dma_wait3A_136] : memref<10112x16xf32, #tpu.memory_space<hbm>> -> memref<10112x16xf32, #tpu.memory_space<hbm>>
      tpu.wait_indirect_dma semaphore(%arg14 : memref<!tpu.dma_semaphore, #tpu.memory_space<semaphore_mem>>) src(%dma_wait3A_137 : memref<10112x16xf32, #tpu.memory_space<hbm>>) dst(%arg8 : memref<128x16xf32, #tpu.memory_space<vmem>>)
      %add3A_138 = arith.constant 0 : i32
      %add3A_139 = arith.addi %mul3A_130, %add3A_138 : i32
      %dma_start3A_140 = arith.constant 0 : i32
      %dma_start3A_141 = tpu.memref_slice %arg7[%add3A_139, %dma_start3A_140] : memref<80x128xi32, #tpu.memory_space<vmem>> -> memref<1x128xi32, #tpu.memory_space<vmem>>
      %dma_start3A_142 = tpu.memref_squeeze %dma_start3A_141 : memref<1x128xi32, #tpu.memory_space<vmem>> -> memref<128xi32, #tpu.memory_space<vmem>>
      %dma_start3A_143 = arith.constant 0 : i32
      %dma_start3A_144 = arith.constant 0 : i32
      %dma_start3A_145 = tpu.memref_slice %arg13[%dma_start3A_143, %dma_start3A_144] : memref<10112x16xf32, #tpu.memory_space<vmem_shared>> -> memref<10112x16xf32, #tpu.memory_space<vmem_shared>>
      tpu.enqueue_indirect_dma source(%arg8 : memref<128x16xf32, #tpu.memory_space<vmem>>) target(%dma_start3A_145 : memref<10112x16xf32, #tpu.memory_space<vmem_shared>>) offsets(%dma_start3A_142 : memref<128xi32, #tpu.memory_space<vmem>>) semaphore(%arg18 : memref<!tpu.dma_semaphore, #tpu.memory_space<semaphore_mem>>) {add = true}
      %dma_wait3A_146 = arith.constant 0 : i32
      %dma_wait3A_147 = arith.constant 0 : i32
      %dma_wait3A_148 = tpu.memref_slice %arg6[%dma_wait3A_146, %dma_wait3A_147] : memref<80x128xi32, #tpu.memory_space<vmem>> -> memref<1x128xi32, #tpu.memory_space<vmem>>
      %dma_wait3A_149 = tpu.memref_squeeze %dma_wait3A_148 : memref<1x128xi32, #tpu.memory_space<vmem>> -> memref<128xi32, #tpu.memory_space<vmem>>
      %dma_wait3A_150 = arith.constant 0 : i32
      %dma_wait3A_151 = arith.constant 0 : i32
      %dma_wait3A_152 = tpu.memref_slice %arg2[%dma_wait3A_150, %dma_wait3A_151] : memref<10112x16xf32, #tpu.memory_space<hbm>> -> memref<10112x16xf32, #tpu.memory_space<hbm>>
      tpu.wait_indirect_dma semaphore(%arg15 : memref<!tpu.dma_semaphore, #tpu.memory_space<semaphore_mem>>) src(%dma_wait3A_152 : memref<10112x16xf32, #tpu.memory_space<hbm>>) dst(%arg9 : memref<128x16xf32, #tpu.memory_space<vmem>>)
      %add3A_153 = arith.constant 1 : i32
      %add3A_154 = arith.addi %mul3A_130, %add3A_153 : i32
      %dma_start3A_155 = arith.constant 0 : i32
      %dma_start3A_156 = tpu.memref_slice %arg7[%add3A_154, %dma_start3A_155] : memref<80x128xi32, #tpu.memory_space<vmem>> -> memref<1x128xi32, #tpu.memory_space<vmem>>
      %dma_start3A_157 = tpu.memref_squeeze %dma_start3A_156 : memref<1x128xi32, #tpu.memory_space<vmem>> -> memref<128xi32, #tpu.memory_space<vmem>>
      %dma_start3A_158 = arith.constant 0 : i32
      %dma_start3A_159 = arith.constant 0 : i32
      %dma_start3A_160 = tpu.memref_slice %arg13[%dma_start3A_158, %dma_start3A_159] : memref<10112x16xf32, #tpu.memory_space<vmem_shared>> -> memref<10112x16xf32, #tpu.memory_space<vmem_shared>>
      tpu.enqueue_indirect_dma source(%arg9 : memref<128x16xf32, #tpu.memory_space<vmem>>) target(%dma_start3A_160 : memref<10112x16xf32, #tpu.memory_space<vmem_shared>>) offsets(%dma_start3A_157 : memref<128xi32, #tpu.memory_space<vmem>>) semaphore(%arg19 : memref<!tpu.dma_semaphore, #tpu.memory_space<semaphore_mem>>) {add = true}
      %dma_wait3A_161 = arith.constant 0 : i32
      %dma_wait3A_162 = arith.constant 0 : i32
      %dma_wait3A_163 = tpu.memref_slice %arg6[%dma_wait3A_161, %dma_wait3A_162] : memref<80x128xi32, #tpu.memory_space<vmem>> -> memref<1x128xi32, #tpu.memory_space<vmem>>
      %dma_wait3A_164 = tpu.memref_squeeze %dma_wait3A_163 : memref<1x128xi32, #tpu.memory_space<vmem>> -> memref<128xi32, #tpu.memory_space<vmem>>
      %dma_wait3A_165 = arith.constant 0 : i32
      %dma_wait3A_166 = arith.constant 0 : i32
      %dma_wait3A_167 = tpu.memref_slice %arg2[%dma_wait3A_165, %dma_wait3A_166] : memref<10112x16xf32, #tpu.memory_space<hbm>> -> memref<10112x16xf32, #tpu.memory_space<hbm>>
      tpu.wait_indirect_dma semaphore(%arg16 : memref<!tpu.dma_semaphore, #tpu.memory_space<semaphore_mem>>) src(%dma_wait3A_167 : memref<10112x16xf32, #tpu.memory_space<hbm>>) dst(%arg10 : memref<128x16xf32, #tpu.memory_space<vmem>>)
      %add3A_168 = arith.constant 2 : i32
      %add3A_169 = arith.addi %mul3A_130, %add3A_168 : i32
      %dma_start3A_170 = arith.constant 0 : i32
      %dma_start3A_171 = tpu.memref_slice %arg7[%add3A_169, %dma_start3A_170] : memref<80x128xi32, #tpu.memory_space<vmem>> -> memref<1x128xi32, #tpu.memory_space<vmem>>
      %dma_start3A_172 = tpu.memref_squeeze %dma_start3A_171 : memref<1x128xi32, #tpu.memory_space<vmem>> -> memref<128xi32, #tpu.memory_space<vmem>>
      %dma_start3A_173 = arith.constant 0 : i32
      %dma_start3A_174 = arith.constant 0 : i32
      %dma_start3A_175 = tpu.memref_slice %arg13[%dma_start3A_173, %dma_start3A_174] : memref<10112x16xf32, #tpu.memory_space<vmem_shared>> -> memref<10112x16xf32, #tpu.memory_space<vmem_shared>>
      tpu.enqueue_indirect_dma source(%arg10 : memref<128x16xf32, #tpu.memory_space<vmem>>) target(%dma_start3A_175 : memref<10112x16xf32, #tpu.memory_space<vmem_shared>>) offsets(%dma_start3A_172 : memref<128xi32, #tpu.memory_space<vmem>>) semaphore(%arg20 : memref<!tpu.dma_semaphore, #tpu.memory_space<semaphore_mem>>) {add = true}
      %dma_wait3A_176 = arith.constant 0 : i32
      %dma_wait3A_177 = arith.constant 0 : i32
      %dma_wait3A_178 = tpu.memref_slice %arg6[%dma_wait3A_176, %dma_wait3A_177] : memref<80x128xi32, #tpu.memory_space<vmem>> -> memref<1x128xi32, #tpu.memory_space<vmem>>
      %dma_wait3A_179 = tpu.memref_squeeze %dma_wait3A_178 : memref<1x128xi32, #tpu.memory_space<vmem>> -> memref<128xi32, #tpu.memory_space<vmem>>
      %dma_wait3A_180 = arith.constant 0 : i32
      %dma_wait3A_181 = arith.constant 0 : i32
      %dma_wait3A_182 = tpu.memref_slice %arg2[%dma_wait3A_180, %dma_wait3A_181] : memref<10112x16xf32, #tpu.memory_space<hbm>> -> memref<10112x16xf32, #tpu.memory_space<hbm>>
      tpu.wait_indirect_dma semaphore(%arg17 : memref<!tpu.dma_semaphore, #tpu.memory_space<semaphore_mem>>) src(%dma_wait3A_182 : memref<10112x16xf32, #tpu.memory_space<hbm>>) dst(%arg11 : memref<128x16xf32, #tpu.memory_space<vmem>>)
      %add3A_183 = arith.constant 3 : i32
      %add3A_184 = arith.addi %mul3A_130, %add3A_183 : i32
      %dma_start3A_185 = arith.constant 0 : i32
      %dma_start3A_186 = tpu.memref_slice %arg7[%add3A_184, %dma_start3A_185] : memref<80x128xi32, #tpu.memory_space<vmem>> -> memref<1x128xi32, #tpu.memory_space<vmem>>
      %dma_start3A_187 = tpu.memref_squeeze %dma_start3A_186 : memref<1x128xi32, #tpu.memory_space<vmem>> -> memref<128xi32, #tpu.memory_space<vmem>>
      %dma_start3A_188 = arith.constant 0 : i32
      %dma_start3A_189 = arith.constant 0 : i32
      %dma_start3A_190 = tpu.memref_slice %arg13[%dma_start3A_188, %dma_start3A_189] : memref<10112x16xf32, #tpu.memory_space<vmem_shared>> -> memref<10112x16xf32, #tpu.memory_space<vmem_shared>>
      tpu.enqueue_indirect_dma source(%arg11 : memref<128x16xf32, #tpu.memory_space<vmem>>) target(%dma_start3A_190 : memref<10112x16xf32, #tpu.memory_space<vmem_shared>>) offsets(%dma_start3A_187 : memref<128xi32, #tpu.memory_space<vmem>>) semaphore(%arg21 : memref<!tpu.dma_semaphore, #tpu.memory_space<semaphore_mem>>) {add = true}
      %dma_wait3A_191 = arith.constant 0 : i32
      %dma_wait3A_192 = arith.constant 0 : i32
      %dma_wait3A_193 = tpu.memref_slice %arg7[%dma_wait3A_191, %dma_wait3A_192] : memref<80x128xi32, #tpu.memory_space<vmem>> -> memref<1x128xi32, #tpu.memory_space<vmem>>
      %dma_wait3A_194 = tpu.memref_squeeze %dma_wait3A_193 : memref<1x128xi32, #tpu.memory_space<vmem>> -> memref<128xi32, #tpu.memory_space<vmem>>
      %dma_wait3A_195 = arith.constant 0 : i32
      %dma_wait3A_196 = arith.constant 0 : i32
      %dma_wait3A_197 = tpu.memref_slice %arg13[%dma_wait3A_195, %dma_wait3A_196] : memref<10112x16xf32, #tpu.memory_space<vmem_shared>> -> memref<10112x16xf32, #tpu.memory_space<vmem_shared>>
      tpu.wait_indirect_dma semaphore(%arg18 : memref<!tpu.dma_semaphore, #tpu.memory_space<semaphore_mem>>) src(%arg8 : memref<128x16xf32, #tpu.memory_space<vmem>>) dst(%dma_wait3A_197 : memref<10112x16xf32, #tpu.memory_space<vmem_shared>>)
      %add3A_198 = arith.constant 4 : i32
      %add3A_199 = arith.addi %mul3A_130, %add3A_198 : i32
      %add3A_200 = arith.constant 0 : i32
      %add3A_201 = arith.addi %add3A_199, %add3A_200 : i32
      %dma_start3A_202 = arith.constant 0 : i32
      %dma_start3A_203 = tpu.memref_slice %arg6[%add3A_201, %dma_start3A_202] : memref<80x128xi32, #tpu.memory_space<vmem>> -> memref<1x128xi32, #tpu.memory_space<vmem>>
      %dma_start3A_204 = tpu.memref_squeeze %dma_start3A_203 : memref<1x128xi32, #tpu.memory_space<vmem>> -> memref<128xi32, #tpu.memory_space<vmem>>
      %dma_start3A_205 = arith.constant 0 : i32
      %dma_start3A_206 = arith.constant 0 : i32
      %dma_start3A_207 = tpu.memref_slice %arg2[%dma_start3A_205, %dma_start3A_206] : memref<10112x16xf32, #tpu.memory_space<hbm>> -> memref<10112x16xf32, #tpu.memory_space<hbm>>
      tpu.enqueue_indirect_dma source(%dma_start3A_207 : memref<10112x16xf32, #tpu.memory_space<hbm>>) target(%arg8 : memref<128x16xf32, #tpu.memory_space<vmem>>) offsets(%dma_start3A_204 : memref<128xi32, #tpu.memory_space<vmem>>) semaphore(%arg14 : memref<!tpu.dma_semaphore, #tpu.memory_space<semaphore_mem>>)
      %dma_wait3A_208 = arith.constant 0 : i32
      %dma_wait3A_209 = arith.constant 0 : i32
      %dma_wait3A_210 = tpu.memref_slice %arg7[%dma_wait3A_208, %dma_wait3A_209] : memref<80x128xi32, #tpu.memory_space<vmem>> -> memref<1x128xi32, #tpu.memory_space<vmem>>
      %dma_wait3A_211 = tpu.memref_squeeze %dma_wait3A_210 : memref<1x128xi32, #tpu.memory_space<vmem>> -> memref<128xi32, #tpu.memory_space<vmem>>
      %dma_wait3A_212 = arith.constant 0 : i32
      %dma_wait3A_213 = arith.constant 0 : i32
      %dma_wait3A_214 = tpu.memref_slice %arg13[%dma_wait3A_212, %dma_wait3A_213] : memref<10112x16xf32, #tpu.memory_space<vmem_shared>> -> memref<10112x16xf32, #tpu.memory_space<vmem_shared>>
      tpu.wait_indirect_dma semaphore(%arg19 : memref<!tpu.dma_semaphore, #tpu.memory_space<semaphore_mem>>) src(%arg9 : memref<128x16xf32, #tpu.memory_space<vmem>>) dst(%dma_wait3A_214 : memref<10112x16xf32, #tpu.memory_space<vmem_shared>>)
      %add3A_215 = arith.constant 4 : i32
      %add3A_216 = arith.addi %mul3A_130, %add3A_215 : i32
      %add3A_217 = arith.constant 1 : i32
      %add3A_218 = arith.addi %add3A_216, %add3A_217 : i32
      %dma_start3A_219 = arith.constant 0 : i32
      %dma_start3A_220 = tpu.memref_slice %arg6[%add3A_218, %dma_start3A_219] : memref<80x128xi32, #tpu.memory_space<vmem>> -> memref<1x128xi32, #tpu.memory_space<vmem>>
      %dma_start3A_221 = tpu.memref_squeeze %dma_start3A_220 : memref<1x128xi32, #tpu.memory_space<vmem>> -> memref<128xi32, #tpu.memory_space<vmem>>
      %dma_start3A_222 = arith.constant 0 : i32
      %dma_start3A_223 = arith.constant 0 : i32
      %dma_start3A_224 = tpu.memref_slice %arg2[%dma_start3A_222, %dma_start3A_223] : memref<10112x16xf32, #tpu.memory_space<hbm>> -> memref<10112x16xf32, #tpu.memory_space<hbm>>
      tpu.enqueue_indirect_dma source(%dma_start3A_224 : memref<10112x16xf32, #tpu.memory_space<hbm>>) target(%arg9 : memref<128x16xf32, #tpu.memory_space<vmem>>) offsets(%dma_start3A_221 : memref<128xi32, #tpu.memory_space<vmem>>) semaphore(%arg15 : memref<!tpu.dma_semaphore, #tpu.memory_space<semaphore_mem>>)
      %dma_wait3A_225 = arith.constant 0 : i32
      %dma_wait3A_226 = arith.constant 0 : i32
      %dma_wait3A_227 = tpu.memref_slice %arg7[%dma_wait3A_225, %dma_wait3A_226] : memref<80x128xi32, #tpu.memory_space<vmem>> -> memref<1x128xi32, #tpu.memory_space<vmem>>
      %dma_wait3A_228 = tpu.memref_squeeze %dma_wait3A_227 : memref<1x128xi32, #tpu.memory_space<vmem>> -> memref<128xi32, #tpu.memory_space<vmem>>
      %dma_wait3A_229 = arith.constant 0 : i32
      %dma_wait3A_230 = arith.constant 0 : i32
      %dma_wait3A_231 = tpu.memref_slice %arg13[%dma_wait3A_229, %dma_wait3A_230] : memref<10112x16xf32, #tpu.memory_space<vmem_shared>> -> memref<10112x16xf32, #tpu.memory_space<vmem_shared>>
      tpu.wait_indirect_dma semaphore(%arg20 : memref<!tpu.dma_semaphore, #tpu.memory_space<semaphore_mem>>) src(%arg10 : memref<128x16xf32, #tpu.memory_space<vmem>>) dst(%dma_wait3A_231 : memref<10112x16xf32, #tpu.memory_space<vmem_shared>>)
      %add3A_232 = arith.constant 4 : i32
      %add3A_233 = arith.addi %mul3A_130, %add3A_232 : i32
      %add3A_234 = arith.constant 2 : i32
      %add3A_235 = arith.addi %add3A_233, %add3A_234 : i32
      %dma_start3A_236 = arith.constant 0 : i32
      %dma_start3A_237 = tpu.memref_slice %arg6[%add3A_235, %dma_start3A_236] : memref<80x128xi32, #tpu.memory_space<vmem>> -> memref<1x128xi32, #tpu.memory_space<vmem>>
      %dma_start3A_238 = tpu.memref_squeeze %dma_start3A_237 : memref<1x128xi32, #tpu.memory_space<vmem>> -> memref<128xi32, #tpu.memory_space<vmem>>
      %dma_start3A_239 = arith.constant 0 : i32
      %dma_start3A_240 = arith.constant 0 : i32
      %dma_start3A_241 = tpu.memref_slice %arg2[%dma_start3A_239, %dma_start3A_240] : memref<10112x16xf32, #tpu.memory_space<hbm>> -> memref<10112x16xf32, #tpu.memory_space<hbm>>
      tpu.enqueue_indirect_dma source(%dma_start3A_241 : memref<10112x16xf32, #tpu.memory_space<hbm>>) target(%arg10 : memref<128x16xf32, #tpu.memory_space<vmem>>) offsets(%dma_start3A_238 : memref<128xi32, #tpu.memory_space<vmem>>) semaphore(%arg16 : memref<!tpu.dma_semaphore, #tpu.memory_space<semaphore_mem>>)
      %dma_wait3A_242 = arith.constant 0 : i32
      %dma_wait3A_243 = arith.constant 0 : i32
      %dma_wait3A_244 = tpu.memref_slice %arg7[%dma_wait3A_242, %dma_wait3A_243] : memref<80x128xi32, #tpu.memory_space<vmem>> -> memref<1x128xi32, #tpu.memory_space<vmem>>
      %dma_wait3A_245 = tpu.memref_squeeze %dma_wait3A_244 : memref<1x128xi32, #tpu.memory_space<vmem>> -> memref<128xi32, #tpu.memory_space<vmem>>
      %dma_wait3A_246 = arith.constant 0 : i32
      %dma_wait3A_247 = arith.constant 0 : i32
      %dma_wait3A_248 = tpu.memref_slice %arg13[%dma_wait3A_246, %dma_wait3A_247] : memref<10112x16xf32, #tpu.memory_space<vmem_shared>> -> memref<10112x16xf32, #tpu.memory_space<vmem_shared>>
      tpu.wait_indirect_dma semaphore(%arg21 : memref<!tpu.dma_semaphore, #tpu.memory_space<semaphore_mem>>) src(%arg11 : memref<128x16xf32, #tpu.memory_space<vmem>>) dst(%dma_wait3A_248 : memref<10112x16xf32, #tpu.memory_space<vmem_shared>>)
      %add3A_249 = arith.constant 4 : i32
      %add3A_250 = arith.addi %mul3A_130, %add3A_249 : i32
      %add3A_251 = arith.constant 3 : i32
      %add3A_252 = arith.addi %add3A_250, %add3A_251 : i32
      %dma_start3A_253 = arith.constant 0 : i32
      %dma_start3A_254 = tpu.memref_slice %arg6[%add3A_252, %dma_start3A_253] : memref<80x128xi32, #tpu.memory_space<vmem>> -> memref<1x128xi32, #tpu.memory_space<vmem>>
      %dma_start3A_255 = tpu.memref_squeeze %dma_start3A_254 : memref<1x128xi32, #tpu.memory_space<vmem>> -> memref<128xi32, #tpu.memory_space<vmem>>
      %dma_start3A_256 = arith.constant 0 : i32
      %dma_start3A_257 = arith.constant 0 : i32
      %dma_start3A_258 = tpu.memref_slice %arg2[%dma_start3A_256, %dma_start3A_257] : memref<10112x16xf32, #tpu.memory_space<hbm>> -> memref<10112x16xf32, #tpu.memory_space<hbm>>
      tpu.enqueue_indirect_dma source(%dma_start3A_258 : memref<10112x16xf32, #tpu.memory_space<hbm>>) target(%arg11 : memref<128x16xf32, #tpu.memory_space<vmem>>) offsets(%dma_start3A_255 : memref<128xi32, #tpu.memory_space<vmem>>) semaphore(%arg17 : memref<!tpu.dma_semaphore, #tpu.memory_space<semaphore_mem>>)
    }
    %scan3A_39 = arith.constant 19 : i32
    %dma_wait3A = arith.constant 0 : i32
    %dma_wait3A_40 = arith.constant 0 : i32
    %dma_wait3A_41 = tpu.memref_slice %arg6[%dma_wait3A, %dma_wait3A_40] : memref<80x128xi32, #tpu.memory_space<vmem>> -> memref<1x128xi32, #tpu.memory_space<vmem>>
    %dma_wait3A_42 = tpu.memref_squeeze %dma_wait3A_41 : memref<1x128xi32, #tpu.memory_space<vmem>> -> memref<128xi32, #tpu.memory_space<vmem>>
    %dma_wait3A_43 = arith.constant 0 : i32
    %dma_wait3A_44 = arith.constant 0 : i32
    %dma_wait3A_45 = tpu.memref_slice %arg2[%dma_wait3A_43, %dma_wait3A_44] : memref<10112x16xf32, #tpu.memory_space<hbm>> -> memref<10112x16xf32, #tpu.memory_space<hbm>>
    tpu.wait_indirect_dma semaphore(%arg14 : memref<!tpu.dma_semaphore, #tpu.memory_space<semaphore_mem>>) src(%dma_wait3A_45 : memref<10112x16xf32, #tpu.memory_space<hbm>>) dst(%arg8 : memref<128x16xf32, #tpu.memory_space<vmem>>)
    %dma_start3A_46 = arith.constant 76 : i32
    %dma_start3A_47 = arith.constant 0 : i32
    %dma_start3A_48 = tpu.memref_slice %arg7[%dma_start3A_46, %dma_start3A_47] : memref<80x128xi32, #tpu.memory_space<vmem>> -> memref<1x128xi32, #tpu.memory_space<vmem>>
    %dma_start3A_49 = tpu.memref_squeeze %dma_start3A_48 : memref<1x128xi32, #tpu.memory_space<vmem>> -> memref<128xi32, #tpu.memory_space<vmem>>
    %dma_start3A_50 = arith.constant 0 : i32
    %dma_start3A_51 = arith.constant 0 : i32
    %dma_start3A_52 = tpu.memref_slice %arg13[%dma_start3A_50, %dma_start3A_51] : memref<10112x16xf32, #tpu.memory_space<vmem_shared>> -> memref<10112x16xf32, #tpu.memory_space<vmem_shared>>
    tpu.enqueue_indirect_dma source(%arg8 : memref<128x16xf32, #tpu.memory_space<vmem>>) target(%dma_start3A_52 : memref<10112x16xf32, #tpu.memory_space<vmem_shared>>) offsets(%dma_start3A_49 : memref<128xi32, #tpu.memory_space<vmem>>) semaphore(%arg18 : memref<!tpu.dma_semaphore, #tpu.memory_space<semaphore_mem>>) {add = true}
    %dma_wait3A_53 = arith.constant 0 : i32
    %dma_wait3A_54 = arith.constant 0 : i32
    %dma_wait3A_55 = tpu.memref_slice %arg6[%dma_wait3A_53, %dma_wait3A_54] : memref<80x128xi32, #tpu.memory_space<vmem>> -> memref<1x128xi32, #tpu.memory_space<vmem>>
    %dma_wait3A_56 = tpu.memref_squeeze %dma_wait3A_55 : memref<1x128xi32, #tpu.memory_space<vmem>> -> memref<128xi32, #tpu.memory_space<vmem>>
    %dma_wait3A_57 = arith.constant 0 : i32
    %dma_wait3A_58 = arith.constant 0 : i32
    %dma_wait3A_59 = tpu.memref_slice %arg2[%dma_wait3A_57, %dma_wait3A_58] : memref<10112x16xf32, #tpu.memory_space<hbm>> -> memref<10112x16xf32, #tpu.memory_space<hbm>>
    tpu.wait_indirect_dma semaphore(%arg15 : memref<!tpu.dma_semaphore, #tpu.memory_space<semaphore_mem>>) src(%dma_wait3A_59 : memref<10112x16xf32, #tpu.memory_space<hbm>>) dst(%arg9 : memref<128x16xf32, #tpu.memory_space<vmem>>)
    %dma_start3A_60 = arith.constant 77 : i32
    %dma_start3A_61 = arith.constant 0 : i32
    %dma_start3A_62 = tpu.memref_slice %arg7[%dma_start3A_60, %dma_start3A_61] : memref<80x128xi32, #tpu.memory_space<vmem>> -> memref<1x128xi32, #tpu.memory_space<vmem>>
    %dma_start3A_63 = tpu.memref_squeeze %dma_start3A_62 : memref<1x128xi32, #tpu.memory_space<vmem>> -> memref<128xi32, #tpu.memory_space<vmem>>
    %dma_start3A_64 = arith.constant 0 : i32
    %dma_start3A_65 = arith.constant 0 : i32
    %dma_start3A_66 = tpu.memref_slice %arg13[%dma_start3A_64, %dma_start3A_65] : memref<10112x16xf32, #tpu.memory_space<vmem_shared>> -> memref<10112x16xf32, #tpu.memory_space<vmem_shared>>
    tpu.enqueue_indirect_dma source(%arg9 : memref<128x16xf32, #tpu.memory_space<vmem>>) target(%dma_start3A_66 : memref<10112x16xf32, #tpu.memory_space<vmem_shared>>) offsets(%dma_start3A_63 : memref<128xi32, #tpu.memory_space<vmem>>) semaphore(%arg19 : memref<!tpu.dma_semaphore, #tpu.memory_space<semaphore_mem>>) {add = true}
    %dma_wait3A_67 = arith.constant 0 : i32
    %dma_wait3A_68 = arith.constant 0 : i32
    %dma_wait3A_69 = tpu.memref_slice %arg6[%dma_wait3A_67, %dma_wait3A_68] : memref<80x128xi32, #tpu.memory_space<vmem>> -> memref<1x128xi32, #tpu.memory_space<vmem>>
    %dma_wait3A_70 = tpu.memref_squeeze %dma_wait3A_69 : memref<1x128xi32, #tpu.memory_space<vmem>> -> memref<128xi32, #tpu.memory_space<vmem>>
    %dma_wait3A_71 = arith.constant 0 : i32
    %dma_wait3A_72 = arith.constant 0 : i32
    %dma_wait3A_73 = tpu.memref_slice %arg2[%dma_wait3A_71, %dma_wait3A_72] : memref<10112x16xf32, #tpu.memory_space<hbm>> -> memref<10112x16xf32, #tpu.memory_space<hbm>>
    tpu.wait_indirect_dma semaphore(%arg16 : memref<!tpu.dma_semaphore, #tpu.memory_space<semaphore_mem>>) src(%dma_wait3A_73 : memref<10112x16xf32, #tpu.memory_space<hbm>>) dst(%arg10 : memref<128x16xf32, #tpu.memory_space<vmem>>)
    %dma_start3A_74 = arith.constant 78 : i32
    %dma_start3A_75 = arith.constant 0 : i32
    %dma_start3A_76 = tpu.memref_slice %arg7[%dma_start3A_74, %dma_start3A_75] : memref<80x128xi32, #tpu.memory_space<vmem>> -> memref<1x128xi32, #tpu.memory_space<vmem>>
    %dma_start3A_77 = tpu.memref_squeeze %dma_start3A_76 : memref<1x128xi32, #tpu.memory_space<vmem>> -> memref<128xi32, #tpu.memory_space<vmem>>
    %dma_start3A_78 = arith.constant 0 : i32
    %dma_start3A_79 = arith.constant 0 : i32
    %dma_start3A_80 = tpu.memref_slice %arg13[%dma_start3A_78, %dma_start3A_79] : memref<10112x16xf32, #tpu.memory_space<vmem_shared>> -> memref<10112x16xf32, #tpu.memory_space<vmem_shared>>
    tpu.enqueue_indirect_dma source(%arg10 : memref<128x16xf32, #tpu.memory_space<vmem>>) target(%dma_start3A_80 : memref<10112x16xf32, #tpu.memory_space<vmem_shared>>) offsets(%dma_start3A_77 : memref<128xi32, #tpu.memory_space<vmem>>) semaphore(%arg20 : memref<!tpu.dma_semaphore, #tpu.memory_space<semaphore_mem>>) {add = true}
    %dma_wait3A_81 = arith.constant 0 : i32
    %dma_wait3A_82 = arith.constant 0 : i32
    %dma_wait3A_83 = tpu.memref_slice %arg6[%dma_wait3A_81, %dma_wait3A_82] : memref<80x128xi32, #tpu.memory_space<vmem>> -> memref<1x128xi32, #tpu.memory_space<vmem>>
    %dma_wait3A_84 = tpu.memref_squeeze %dma_wait3A_83 : memref<1x128xi32, #tpu.memory_space<vmem>> -> memref<128xi32, #tpu.memory_space<vmem>>
    %dma_wait3A_85 = arith.constant 0 : i32
    %dma_wait3A_86 = arith.constant 0 : i32
    %dma_wait3A_87 = tpu.memref_slice %arg2[%dma_wait3A_85, %dma_wait3A_86] : memref<10112x16xf32, #tpu.memory_space<hbm>> -> memref<10112x16xf32, #tpu.memory_space<hbm>>
    tpu.wait_indirect_dma semaphore(%arg17 : memref<!tpu.dma_semaphore, #tpu.memory_space<semaphore_mem>>) src(%dma_wait3A_87 : memref<10112x16xf32, #tpu.memory_space<hbm>>) dst(%arg11 : memref<128x16xf32, #tpu.memory_space<vmem>>)
    %dma_start3A_88 = arith.constant 79 : i32
    %dma_start3A_89 = arith.constant 0 : i32
    %dma_start3A_90 = tpu.memref_slice %arg7[%dma_start3A_88, %dma_start3A_89] : memref<80x128xi32, #tpu.memory_space<vmem>> -> memref<1x128xi32, #tpu.memory_space<vmem>>
    %dma_start3A_91 = tpu.memref_squeeze %dma_start3A_90 : memref<1x128xi32, #tpu.memory_space<vmem>> -> memref<128xi32, #tpu.memory_space<vmem>>
    %dma_start3A_92 = arith.constant 0 : i32
    %dma_start3A_93 = arith.constant 0 : i32
    %dma_start3A_94 = tpu.memref_slice %arg13[%dma_start3A_92, %dma_start3A_93] : memref<10112x16xf32, #tpu.memory_space<vmem_shared>> -> memref<10112x16xf32, #tpu.memory_space<vmem_shared>>
    tpu.enqueue_indirect_dma source(%arg11 : memref<128x16xf32, #tpu.memory_space<vmem>>) target(%dma_start3A_94 : memref<10112x16xf32, #tpu.memory_space<vmem_shared>>) offsets(%dma_start3A_91 : memref<128xi32, #tpu.memory_space<vmem>>) semaphore(%arg21 : memref<!tpu.dma_semaphore, #tpu.memory_space<semaphore_mem>>) {add = true}
    %dma_wait3A_95 = arith.constant 0 : i32
    %dma_wait3A_96 = arith.constant 0 : i32
    %dma_wait3A_97 = tpu.memref_slice %arg7[%dma_wait3A_95, %dma_wait3A_96] : memref<80x128xi32, #tpu.memory_space<vmem>> -> memref<1x128xi32, #tpu.memory_space<vmem>>
    %dma_wait3A_98 = tpu.memref_squeeze %dma_wait3A_97 : memref<1x128xi32, #tpu.memory_space<vmem>> -> memref<128xi32, #tpu.memory_space<vmem>>
    %dma_wait3A_99 = arith.constant 0 : i32
    %dma_wait3A_100 = arith.constant 0 : i32
    %dma_wait3A_101 = tpu.memref_slice %arg13[%dma_wait3A_99, %dma_wait3A_100] : memref<10112x16xf32, #tpu.memory_space<vmem_shared>> -> memref<10112x16xf32, #tpu.memory_space<vmem_shared>>
    tpu.wait_indirect_dma semaphore(%arg18 : memref<!tpu.dma_semaphore, #tpu.memory_space<semaphore_mem>>) src(%arg8 : memref<128x16xf32, #tpu.memory_space<vmem>>) dst(%dma_wait3A_101 : memref<10112x16xf32, #tpu.memory_space<vmem_shared>>)
    %dma_wait3A_102 = arith.constant 0 : i32
    %dma_wait3A_103 = arith.constant 0 : i32
    %dma_wait3A_104 = tpu.memref_slice %arg7[%dma_wait3A_102, %dma_wait3A_103] : memref<80x128xi32, #tpu.memory_space<vmem>> -> memref<1x128xi32, #tpu.memory_space<vmem>>
    %dma_wait3A_105 = tpu.memref_squeeze %dma_wait3A_104 : memref<1x128xi32, #tpu.memory_space<vmem>> -> memref<128xi32, #tpu.memory_space<vmem>>
    %dma_wait3A_106 = arith.constant 0 : i32
    %dma_wait3A_107 = arith.constant 0 : i32
    %dma_wait3A_108 = tpu.memref_slice %arg13[%dma_wait3A_106, %dma_wait3A_107] : memref<10112x16xf32, #tpu.memory_space<vmem_shared>> -> memref<10112x16xf32, #tpu.memory_space<vmem_shared>>
    tpu.wait_indirect_dma semaphore(%arg19 : memref<!tpu.dma_semaphore, #tpu.memory_space<semaphore_mem>>) src(%arg9 : memref<128x16xf32, #tpu.memory_space<vmem>>) dst(%dma_wait3A_108 : memref<10112x16xf32, #tpu.memory_space<vmem_shared>>)
    %dma_wait3A_109 = arith.constant 0 : i32
    %dma_wait3A_110 = arith.constant 0 : i32
    %dma_wait3A_111 = tpu.memref_slice %arg7[%dma_wait3A_109, %dma_wait3A_110] : memref<80x128xi32, #tpu.memory_space<vmem>> -> memref<1x128xi32, #tpu.memory_space<vmem>>
    %dma_wait3A_112 = tpu.memref_squeeze %dma_wait3A_111 : memref<1x128xi32, #tpu.memory_space<vmem>> -> memref<128xi32, #tpu.memory_space<vmem>>
    %dma_wait3A_113 = arith.constant 0 : i32
    %dma_wait3A_114 = arith.constant 0 : i32
    %dma_wait3A_115 = tpu.memref_slice %arg13[%dma_wait3A_113, %dma_wait3A_114] : memref<10112x16xf32, #tpu.memory_space<vmem_shared>> -> memref<10112x16xf32, #tpu.memory_space<vmem_shared>>
    tpu.wait_indirect_dma semaphore(%arg20 : memref<!tpu.dma_semaphore, #tpu.memory_space<semaphore_mem>>) src(%arg10 : memref<128x16xf32, #tpu.memory_space<vmem>>) dst(%dma_wait3A_115 : memref<10112x16xf32, #tpu.memory_space<vmem_shared>>)
    %dma_wait3A_116 = arith.constant 0 : i32
    %dma_wait3A_117 = arith.constant 0 : i32
    %dma_wait3A_118 = tpu.memref_slice %arg7[%dma_wait3A_116, %dma_wait3A_117] : memref<80x128xi32, #tpu.memory_space<vmem>> -> memref<1x128xi32, #tpu.memory_space<vmem>>
    %dma_wait3A_119 = tpu.memref_squeeze %dma_wait3A_118 : memref<1x128xi32, #tpu.memory_space<vmem>> -> memref<128xi32, #tpu.memory_space<vmem>>
    %dma_wait3A_120 = arith.constant 0 : i32
    %dma_wait3A_121 = arith.constant 0 : i32
    %dma_wait3A_122 = tpu.memref_slice %arg13[%dma_wait3A_120, %dma_wait3A_121] : memref<10112x16xf32, #tpu.memory_space<vmem_shared>> -> memref<10112x16xf32, #tpu.memory_space<vmem_shared>>
    tpu.wait_indirect_dma semaphore(%arg21 : memref<!tpu.dma_semaphore, #tpu.memory_space<semaphore_mem>>) src(%arg11 : memref<128x16xf32, #tpu.memory_space<vmem>>) dst(%dma_wait3A_122 : memref<10112x16xf32, #tpu.memory_space<vmem_shared>>)
    %barrier3A_123 = arith.constant 0 : index
    tpu.barrier barrier_id(%barrier3A_123)
    "tpu.region"() ({
      %run_scoped3A = tpu.sem_alloc : memref<!tpu.dma_semaphore, #tpu.memory_space<semaphore_mem>>
      %dma_start3A_124 = arith.constant 0 : i32
      %dma_start3A_125 = tpu.memref_slice %arg5[%arg0, %mul3A_7, %dma_start3A_124] : memref<2x10112x16xf32, #tpu.memory_space<hbm>> -> memref<1x632x16xf32, #tpu.memory_space<hbm>>
      %dma_start3A_126 = tpu.memref_squeeze %dma_start3A_125 : memref<1x632x16xf32, #tpu.memory_space<hbm>> -> memref<632x16xf32, #tpu.memory_space<hbm>>
      %dma_start3A_127 = arith.constant 0 : i32
      %dma_start3A_128 = tpu.memref_slice %arg13[%mul3A_7, %dma_start3A_127] : memref<10112x16xf32, #tpu.memory_space<vmem_shared>> -> memref<632x16xf32, #tpu.memory_space<vmem_shared>>
      tpu.enqueue_dma source(%dma_start3A_128 : memref<632x16xf32, #tpu.memory_space<vmem_shared>>) target(%dma_start3A_126 : memref<632x16xf32, #tpu.memory_space<hbm>>) target_semaphore(%run_scoped3A : memref<!tpu.dma_semaphore, #tpu.memory_space<semaphore_mem>>)
      %dma_wait3A_129 = arith.constant 0 : i32
      %dma_wait3A_130 = tpu.memref_slice %arg5[%arg0, %mul3A_7, %dma_wait3A_129] : memref<2x10112x16xf32, #tpu.memory_space<hbm>> -> memref<1x632x16xf32, #tpu.memory_space<hbm>>
      %dma_wait3A_131 = tpu.memref_squeeze %dma_wait3A_130 : memref<1x632x16xf32, #tpu.memory_space<hbm>> -> memref<632x16xf32, #tpu.memory_space<hbm>>
      %dma_wait3A_132 = arith.constant 0 : i32
      %dma_wait3A_133 = tpu.memref_slice %arg13[%mul3A_7, %dma_wait3A_132] : memref<10112x16xf32, #tpu.memory_space<vmem_shared>> -> memref<632x16xf32, #tpu.memory_space<vmem_shared>>
      tpu.wait_dma2 semaphore(%run_scoped3A : memref<!tpu.dma_semaphore, #tpu.memory_space<semaphore_mem>>) src(%dma_wait3A_133 : memref<632x16xf32, #tpu.memory_space<vmem_shared>>) dst(%dma_wait3A_131 : memref<632x16xf32, #tpu.memory_space<hbm>>)
      tpu.yield
    }) : () -> ()
    return
  }
}

#map = affine_map<(d0, d1) -> (0, 0, 0)>
module attributes {stable_mosaic.version = 14 : i64} {
  func.func @_hist_body(%arg0: i32, %arg1: i32, %arg2: memref<32x80x128xi32, #tpu.memory_space<hbm>>, %arg3: memref<32x80x128xi32, #tpu.memory_space<hbm>>, %arg4: memref<2x10112x16xf32, #tpu.memory_space<hbm>>, %arg5: memref<2x10112x16xf32, #tpu.memory_space<hbm>>, %arg6: memref<80x128xi32, #tpu.memory_space<vmem>>, %arg7: memref<80x128xi32, #tpu.memory_space<vmem>>, %arg8: memref<128x16xf32, #tpu.memory_space<vmem>>, %arg9: memref<632x16xf32, #tpu.memory_space<vmem>>, %arg10: memref<10112x16xf32, #tpu.memory_space<vmem_shared>>, %arg11: memref<10112x16xf32, #tpu.memory_space<vmem_shared>>, %arg12: memref<!tpu.dma_semaphore, #tpu.memory_space<semaphore_mem>>, %arg13: memref<!tpu.dma_semaphore, #tpu.memory_space<semaphore_mem>>) attributes {dimension_semantics = [#tpu.dimension_semantics<core_parallel>, #tpu.dimension_semantics<subcore_parallel>], iteration_bounds = array<i64: 2, 16>, scalar_prefetch = 0 : i64, scratch_operands = 8 : i64, tpu.core_type = #tpu.core_type<sc_vector_subcore>, window_params = [{transform_indices = #map}, {transform_indices = #map}, {transform_indices = #map}, {transform_indices = #map}]} {
    %mul3A = arith.constant 2 : i32
    %mul3A_0 = arith.muli %arg1, %mul3A : i32
    %add3A = arith.addi %mul3A_0, %arg0 : i32
    %broadcast_in_dim3A = arith.constant 0.000000e+00 : f32
    %broadcast_in_dim3A_1 = vector.broadcast %broadcast_in_dim3A : f32 to vector<16xf32>
    %scan3A = arith.constant 0 : i32
    %scan3A_2 = arith.constant 632 : i32
    %scan3A_3 = arith.addi %scan3A, %scan3A_2 : i32
    %scan3A_4 = arith.constant 1 : i32
    scf.for %scan3A_76 = %scan3A to %scan3A_3 step %scan3A_4  : i32 {
      %mul3A_77 = arith.constant 1 : i32
      %mul3A_78 = arith.muli %scan3A_76, %mul3A_77 : i32
      %add3A_79 = arith.constant 0 : i32
      %add3A_80 = arith.addi %add3A_79, %mul3A_78 : i32
      %swap3A = arith.index_cast %add3A_80 : i32 to index
      %swap3A_81 = arith.constant 0 : index
      %swap3A_82 = tpu.vector_load %arg9[%swap3A, %swap3A_81] {strides = array<i32>} : memref<632x16xf32, #tpu.memory_space<vmem>>, vector<1x16xf32>,
      %swap3A_83 = vector.shape_cast %swap3A_82 : vector<1x16xf32> to vector<16xf32>
      %swap3A_84 = vector.shape_cast %broadcast_in_dim3A_1 : vector<16xf32> to vector<1x16xf32>
      tpu.vector_store %arg9[%swap3A, %swap3A_81], %swap3A_84 {strides = array<i32>} : memref<632x16xf32, #tpu.memory_space<vmem>>, vector<1x16xf32>,
    }
    %scan3A_5 = arith.constant 632 : i32
    %broadcast_in_dim3A_6 = arith.constant 1.000000e+00 : f32
    %broadcast_in_dim3A_7 = vector.broadcast %broadcast_in_dim3A_6 : f32 to vector<16xf32>
    %scan3A_8 = arith.constant 0 : i32
    %scan3A_9 = arith.constant 128 : i32
    %scan3A_10 = arith.addi %scan3A_8, %scan3A_9 : i32
    %scan3A_11 = arith.constant 1 : i32
    scf.for %scan3A_76 = %scan3A_8 to %scan3A_10 step %scan3A_11  : i32 {
      %mul3A_77 = arith.constant 1 : i32
      %mul3A_78 = arith.muli %scan3A_76, %mul3A_77 : i32
      %add3A_79 = arith.constant 0 : i32
      %add3A_80 = arith.addi %add3A_79, %mul3A_78 : i32
      %swap3A = arith.index_cast %add3A_80 : i32 to index
      %swap3A_81 = arith.constant 0 : index
      %swap3A_82 = tpu.vector_load %arg8[%swap3A, %swap3A_81] {strides = array<i32>} : memref<128x16xf32, #tpu.memory_space<vmem>>, vector<1x16xf32>,
      %swap3A_83 = vector.shape_cast %swap3A_82 : vector<1x16xf32> to vector<16xf32>
      %swap3A_84 = vector.shape_cast %broadcast_in_dim3A_7 : vector<16xf32> to vector<1x16xf32>
      tpu.vector_store %arg8[%swap3A, %swap3A_81], %swap3A_84 {strides = array<i32>} : memref<128x16xf32, #tpu.memory_space<vmem>>, vector<1x16xf32>,
    }
    %scan3A_12 = arith.constant 128 : i32
    %mul3A_13 = arith.constant 632 : i32
    %mul3A_14 = arith.muli %arg1, %mul3A_13 : i32
    "tpu.region"() ({
      %run_scoped3A = tpu.sem_alloc : memref<!tpu.dma_semaphore, #tpu.memory_space<semaphore_mem>>
      %dma_start3A = arith.constant 0 : i32
      %dma_start3A_76 = arith.constant 0 : i32
      %dma_start3A_77 = tpu.memref_slice %arg2[%add3A, %dma_start3A, %dma_start3A_76] : memref<32x80x128xi32, #tpu.memory_space<hbm>> -> memref<1x80x128xi32, #tpu.memory_space<hbm>>
      %dma_start3A_78 = tpu.memref_squeeze %dma_start3A_77 : memref<1x80x128xi32, #tpu.memory_space<hbm>> -> memref<80x128xi32, #tpu.memory_space<hbm>>
      %dma_start3A_79 = arith.constant 0 : i32
      %dma_start3A_80 = arith.constant 0 : i32
      %dma_start3A_81 = tpu.memref_slice %arg2[%add3A, %dma_start3A_79, %dma_start3A_80] : memref<32x80x128xi32, #tpu.memory_space<hbm>> -> memref<1x80x128xi32, #tpu.memory_space<hbm>>
      %dma_start3A_82 = tpu.memref_squeeze %dma_start3A_81 : memref<1x80x128xi32, #tpu.memory_space<hbm>> -> memref<80x128xi32, #tpu.memory_space<hbm>>
      tpu.enqueue_dma source(%dma_start3A_82 : memref<80x128xi32, #tpu.memory_space<hbm>>) target(%arg6 : memref<80x128xi32, #tpu.memory_space<vmem>>) target_semaphore(%run_scoped3A : memref<!tpu.dma_semaphore, #tpu.memory_space<semaphore_mem>>)
      %dma_wait3A_83 = arith.constant 0 : i32
      %dma_wait3A_84 = arith.constant 0 : i32
      %dma_wait3A_85 = tpu.memref_slice %arg2[%add3A, %dma_wait3A_83, %dma_wait3A_84] : memref<32x80x128xi32, #tpu.memory_space<hbm>> -> memref<1x80x128xi32, #tpu.memory_space<hbm>>
      %dma_wait3A_86 = tpu.memref_squeeze %dma_wait3A_85 : memref<1x80x128xi32, #tpu.memory_space<hbm>> -> memref<80x128xi32, #tpu.memory_space<hbm>>
      %dma_wait3A_87 = arith.constant 0 : i32
      %dma_wait3A_88 = arith.constant 0 : i32
      %dma_wait3A_89 = tpu.memref_slice %arg2[%add3A, %dma_wait3A_87, %dma_wait3A_88] : memref<32x80x128xi32, #tpu.memory_space<hbm>> -> memref<1x80x128xi32, #tpu.memory_space<hbm>>
      %dma_wait3A_90 = tpu.memref_squeeze %dma_wait3A_89 : memref<1x80x128xi32, #tpu.memory_space<hbm>> -> memref<80x128xi32, #tpu.memory_space<hbm>>
      tpu.wait_dma2 semaphore(%run_scoped3A : memref<!tpu.dma_semaphore, #tpu.memory_space<semaphore_mem>>) src(%dma_wait3A_90 : memref<80x128xi32, #tpu.memory_space<hbm>>) dst(%arg6 : memref<80x128xi32, #tpu.memory_space<vmem>>)
      tpu.yield
    }) : () -> ()
    "tpu.region"() ({
      %run_scoped3A = tpu.sem_alloc : memref<!tpu.dma_semaphore, #tpu.memory_space<semaphore_mem>>
      %dma_start3A = arith.constant 0 : i32
      %dma_start3A_76 = arith.constant 0 : i32
      %dma_start3A_77 = tpu.memref_slice %arg3[%add3A, %dma_start3A, %dma_start3A_76] : memref<32x80x128xi32, #tpu.memory_space<hbm>> -> memref<1x80x128xi32, #tpu.memory_space<hbm>>
      %dma_start3A_78 = tpu.memref_squeeze %dma_start3A_77 : memref<1x80x128xi32, #tpu.memory_space<hbm>> -> memref<80x128xi32, #tpu.memory_space<hbm>>
      %dma_start3A_79 = arith.constant 0 : i32
      %dma_start3A_80 = arith.constant 0 : i32
      %dma_start3A_81 = tpu.memref_slice %arg3[%add3A, %dma_start3A_79, %dma_start3A_80] : memref<32x80x128xi32, #tpu.memory_space<hbm>> -> memref<1x80x128xi32, #tpu.memory_space<hbm>>
      %dma_start3A_82 = tpu.memref_squeeze %dma_start3A_81 : memref<1x80x128xi32, #tpu.memory_space<hbm>> -> memref<80x128xi32, #tpu.memory_space<hbm>>
      tpu.enqueue_dma source(%dma_start3A_82 : memref<80x128xi32, #tpu.memory_space<hbm>>) target(%arg7 : memref<80x128xi32, #tpu.memory_space<vmem>>) target_semaphore(%run_scoped3A : memref<!tpu.dma_semaphore, #tpu.memory_space<semaphore_mem>>)
      %dma_wait3A_83 = arith.constant 0 : i32
      %dma_wait3A_84 = arith.constant 0 : i32
      %dma_wait3A_85 = tpu.memref_slice %arg3[%add3A, %dma_wait3A_83, %dma_wait3A_84] : memref<32x80x128xi32, #tpu.memory_space<hbm>> -> memref<1x80x128xi32, #tpu.memory_space<hbm>>
      %dma_wait3A_86 = tpu.memref_squeeze %dma_wait3A_85 : memref<1x80x128xi32, #tpu.memory_space<hbm>> -> memref<80x128xi32, #tpu.memory_space<hbm>>
      %dma_wait3A_87 = arith.constant 0 : i32
      %dma_wait3A_88 = arith.constant 0 : i32
      %dma_wait3A_89 = tpu.memref_slice %arg3[%add3A, %dma_wait3A_87, %dma_wait3A_88] : memref<32x80x128xi32, #tpu.memory_space<hbm>> -> memref<1x80x128xi32, #tpu.memory_space<hbm>>
      %dma_wait3A_90 = tpu.memref_squeeze %dma_wait3A_89 : memref<1x80x128xi32, #tpu.memory_space<hbm>> -> memref<80x128xi32, #tpu.memory_space<hbm>>
      tpu.wait_dma2 semaphore(%run_scoped3A : memref<!tpu.dma_semaphore, #tpu.memory_space<semaphore_mem>>) src(%dma_wait3A_90 : memref<80x128xi32, #tpu.memory_space<hbm>>) dst(%arg7 : memref<80x128xi32, #tpu.memory_space<vmem>>)
      tpu.yield
    }) : () -> ()
    "tpu.region"() ({
      %run_scoped3A = tpu.sem_alloc : memref<!tpu.dma_semaphore, #tpu.memory_space<semaphore_mem>>
      %dma_start3A = arith.constant 0 : i32
      %dma_start3A_76 = tpu.memref_slice %arg10[%mul3A_14, %dma_start3A] : memref<10112x16xf32, #tpu.memory_space<vmem_shared>> -> memref<632x16xf32, #tpu.memory_space<vmem_shared>>
      %dma_start3A_77 = arith.constant 0 : i32
      %dma_start3A_78 = tpu.memref_slice %arg10[%mul3A_14, %dma_start3A_77] : memref<10112x16xf32, #tpu.memory_space<vmem_shared>> -> memref<632x16xf32, #tpu.memory_space<vmem_shared>>
      tpu.enqueue_dma source(%arg9 : memref<632x16xf32, #tpu.memory_space<vmem>>) target(%dma_start3A_78 : memref<632x16xf32, #tpu.memory_space<vmem_shared>>) target_semaphore(%run_scoped3A : memref<!tpu.dma_semaphore, #tpu.memory_space<semaphore_mem>>)
      %dma_wait3A_79 = arith.constant 0 : i32
      %dma_wait3A_80 = tpu.memref_slice %arg10[%mul3A_14, %dma_wait3A_79] : memref<10112x16xf32, #tpu.memory_space<vmem_shared>> -> memref<632x16xf32, #tpu.memory_space<vmem_shared>>
      %dma_wait3A_81 = arith.constant 0 : i32
      %dma_wait3A_82 = tpu.memref_slice %arg10[%mul3A_14, %dma_wait3A_81] : memref<10112x16xf32, #tpu.memory_space<vmem_shared>> -> memref<632x16xf32, #tpu.memory_space<vmem_shared>>
      tpu.wait_dma2 semaphore(%run_scoped3A : memref<!tpu.dma_semaphore, #tpu.memory_space<semaphore_mem>>) src(%arg9 : memref<632x16xf32, #tpu.memory_space<vmem>>) dst(%dma_wait3A_82 : memref<632x16xf32, #tpu.memory_space<vmem_shared>>)
      tpu.yield
    }) : () -> ()
    "tpu.region"() ({
      %run_scoped3A = tpu.sem_alloc : memref<!tpu.dma_semaphore, #tpu.memory_space<semaphore_mem>>
      %dma_start3A = arith.constant 0 : i32
      %dma_start3A_76 = tpu.memref_slice %arg11[%mul3A_14, %dma_start3A] : memref<10112x16xf32, #tpu.memory_space<vmem_shared>> -> memref<632x16xf32, #tpu.memory_space<vmem_shared>>
      %dma_start3A_77 = arith.constant 0 : i32
      %dma_start3A_78 = tpu.memref_slice %arg11[%mul3A_14, %dma_start3A_77] : memref<10112x16xf32, #tpu.memory_space<vmem_shared>> -> memref<632x16xf32, #tpu.memory_space<vmem_shared>>
      tpu.enqueue_dma source(%arg9 : memref<632x16xf32, #tpu.memory_space<vmem>>) target(%dma_start3A_78 : memref<632x16xf32, #tpu.memory_space<vmem_shared>>) target_semaphore(%run_scoped3A : memref<!tpu.dma_semaphore, #tpu.memory_space<semaphore_mem>>)
      %dma_wait3A_79 = arith.constant 0 : i32
      %dma_wait3A_80 = tpu.memref_slice %arg11[%mul3A_14, %dma_wait3A_79] : memref<10112x16xf32, #tpu.memory_space<vmem_shared>> -> memref<632x16xf32, #tpu.memory_space<vmem_shared>>
      %dma_wait3A_81 = arith.constant 0 : i32
      %dma_wait3A_82 = tpu.memref_slice %arg11[%mul3A_14, %dma_wait3A_81] : memref<10112x16xf32, #tpu.memory_space<vmem_shared>> -> memref<632x16xf32, #tpu.memory_space<vmem_shared>>
      tpu.wait_dma2 semaphore(%run_scoped3A : memref<!tpu.dma_semaphore, #tpu.memory_space<semaphore_mem>>) src(%arg9 : memref<632x16xf32, #tpu.memory_space<vmem>>) dst(%dma_wait3A_82 : memref<632x16xf32, #tpu.memory_space<vmem_shared>>)
      tpu.yield
    }) : () -> ()
    %barrier3A = arith.constant 0 : index
    tpu.barrier barrier_id(%barrier3A)
    %scan3A_15 = arith.constant 0 : i32
    %scan3A_16 = arith.constant 80 : i32
    %scan3A_17 = arith.addi %scan3A_15, %scan3A_16 : i32
    %scan3A_18 = arith.constant 1 : i32
    scf.for %scan3A_76 = %scan3A_15 to %scan3A_17 step %scan3A_18  : i32 {
      %mul3A_77 = arith.constant 1 : i32
      %mul3A_78 = arith.muli %scan3A_76, %mul3A_77 : i32
      %add3A_79 = arith.constant 0 : i32
      %add3A_80 = arith.addi %add3A_79, %mul3A_78 : i32
      %dma_start3A = arith.constant 0 : i32
      %dma_start3A_81 = tpu.memref_slice %arg6[%add3A_80, %dma_start3A] : memref<80x128xi32, #tpu.memory_space<vmem>> -> memref<1x128xi32, #tpu.memory_space<vmem>>
      %dma_start3A_82 = tpu.memref_squeeze %dma_start3A_81 : memref<1x128xi32, #tpu.memory_space<vmem>> -> memref<128xi32, #tpu.memory_space<vmem>>
      %dma_start3A_83 = arith.constant 0 : i32
      %dma_start3A_84 = arith.constant 0 : i32
      %dma_start3A_85 = tpu.memref_slice %arg10[%dma_start3A_83, %dma_start3A_84] : memref<10112x16xf32, #tpu.memory_space<vmem_shared>> -> memref<10112x16xf32, #tpu.memory_space<vmem_shared>>
      tpu.enqueue_indirect_dma source(%arg8 : memref<128x16xf32, #tpu.memory_space<vmem>>) target(%dma_start3A_85 : memref<10112x16xf32, #tpu.memory_space<vmem_shared>>) offsets(%dma_start3A_82 : memref<128xi32, #tpu.memory_space<vmem>>) semaphore(%arg12 : memref<!tpu.dma_semaphore, #tpu.memory_space<semaphore_mem>>) {add = true}
      %dma_start3A_86 = arith.constant 0 : i32
      %dma_start3A_87 = tpu.memref_slice %arg7[%add3A_80, %dma_start3A_86] : memref<80x128xi32, #tpu.memory_space<vmem>> -> memref<1x128xi32, #tpu.memory_space<vmem>>
      %dma_start3A_88 = tpu.memref_squeeze %dma_start3A_87 : memref<1x128xi32, #tpu.memory_space<vmem>> -> memref<128xi32, #tpu.memory_space<vmem>>
      %dma_start3A_89 = arith.constant 0 : i32
      %dma_start3A_90 = arith.constant 0 : i32
      %dma_start3A_91 = tpu.memref_slice %arg11[%dma_start3A_89, %dma_start3A_90] : memref<10112x16xf32, #tpu.memory_space<vmem_shared>> -> memref<10112x16xf32, #tpu.memory_space<vmem_shared>>
      tpu.enqueue_indirect_dma source(%arg8 : memref<128x16xf32, #tpu.memory_space<vmem>>) target(%dma_start3A_91 : memref<10112x16xf32, #tpu.memory_space<vmem_shared>>) offsets(%dma_start3A_88 : memref<128xi32, #tpu.memory_space<vmem>>) semaphore(%arg13 : memref<!tpu.dma_semaphore, #tpu.memory_space<semaphore_mem>>) {add = true}
      %ge3A = arith.constant 4 : i32
      %ge3A_92 = arith.cmpi sge, %add3A_80, %ge3A : i32
      %convert_element_type3A = arith.extui %ge3A_92 : i1 to i32
      %cond3A = arith.constant 0 : i32
      %cond3A_93 = arith.cmpi ne, %convert_element_type3A, %cond3A : i32
      scf.if %cond3A_93 {
        %dma_wait3A_94 = arith.constant 0 : i32
        %dma_wait3A_95 = arith.constant 0 : i32
        %dma_wait3A_96 = tpu.memref_slice %arg6[%dma_wait3A_94, %dma_wait3A_95] : memref<80x128xi32, #tpu.memory_space<vmem>> -> memref<1x128xi32, #tpu.memory_space<vmem>>
        %dma_wait3A_97 = tpu.memref_squeeze %dma_wait3A_96 : memref<1x128xi32, #tpu.memory_space<vmem>> -> memref<128xi32, #tpu.memory_space<vmem>>
        %dma_wait3A_98 = arith.constant 0 : i32
        %dma_wait3A_99 = arith.constant 0 : i32
        %dma_wait3A_100 = tpu.memref_slice %arg10[%dma_wait3A_98, %dma_wait3A_99] : memref<10112x16xf32, #tpu.memory_space<vmem_shared>> -> memref<10112x16xf32, #tpu.memory_space<vmem_shared>>
        tpu.wait_indirect_dma semaphore(%arg12 : memref<!tpu.dma_semaphore, #tpu.memory_space<semaphore_mem>>) src(%arg8 : memref<128x16xf32, #tpu.memory_space<vmem>>) dst(%dma_wait3A_100 : memref<10112x16xf32, #tpu.memory_space<vmem_shared>>)
        %dma_wait3A_101 = arith.constant 0 : i32
        %dma_wait3A_102 = arith.constant 0 : i32
        %dma_wait3A_103 = tpu.memref_slice %arg7[%dma_wait3A_101, %dma_wait3A_102] : memref<80x128xi32, #tpu.memory_space<vmem>> -> memref<1x128xi32, #tpu.memory_space<vmem>>
        %dma_wait3A_104 = tpu.memref_squeeze %dma_wait3A_103 : memref<1x128xi32, #tpu.memory_space<vmem>> -> memref<128xi32, #tpu.memory_space<vmem>>
        %dma_wait3A_105 = arith.constant 0 : i32
        %dma_wait3A_106 = arith.constant 0 : i32
        %dma_wait3A_107 = tpu.memref_slice %arg11[%dma_wait3A_105, %dma_wait3A_106] : memref<10112x16xf32, #tpu.memory_space<vmem_shared>> -> memref<10112x16xf32, #tpu.memory_space<vmem_shared>>
        tpu.wait_indirect_dma semaphore(%arg13 : memref<!tpu.dma_semaphore, #tpu.memory_space<semaphore_mem>>) src(%arg8 : memref<128x16xf32, #tpu.memory_space<vmem>>) dst(%dma_wait3A_107 : memref<10112x16xf32, #tpu.memory_space<vmem_shared>>)
      } else {
      }
    }
    %scan3A_19 = arith.constant 80 : i32
    %dma_wait3A = arith.constant 0 : i32
    %dma_wait3A_20 = arith.constant 0 : i32
    %dma_wait3A_21 = tpu.memref_slice %arg6[%dma_wait3A, %dma_wait3A_20] : memref<80x128xi32, #tpu.memory_space<vmem>> -> memref<1x128xi32, #tpu.memory_space<vmem>>
    %dma_wait3A_22 = tpu.memref_squeeze %dma_wait3A_21 : memref<1x128xi32, #tpu.memory_space<vmem>> -> memref<128xi32, #tpu.memory_space<vmem>>
    %dma_wait3A_23 = arith.constant 0 : i32
    %dma_wait3A_24 = arith.constant 0 : i32
    %dma_wait3A_25 = tpu.memref_slice %arg10[%dma_wait3A_23, %dma_wait3A_24] : memref<10112x16xf32, #tpu.memory_space<vmem_shared>> -> memref<10112x16xf32, #tpu.memory_space<vmem_shared>>
    tpu.wait_indirect_dma semaphore(%arg12 : memref<!tpu.dma_semaphore, #tpu.memory_space<semaphore_mem>>) src(%arg8 : memref<128x16xf32, #tpu.memory_space<vmem>>) dst(%dma_wait3A_25 : memref<10112x16xf32, #tpu.memory_space<vmem_shared>>)
    %dma_wait3A_26 = arith.constant 0 : i32
    %dma_wait3A_27 = arith.constant 0 : i32
    %dma_wait3A_28 = tpu.memref_slice %arg7[%dma_wait3A_26, %dma_wait3A_27] : memref<80x128xi32, #tpu.memory_space<vmem>> -> memref<1x128xi32, #tpu.memory_space<vmem>>
    %dma_wait3A_29 = tpu.memref_squeeze %dma_wait3A_28 : memref<1x128xi32, #tpu.memory_space<vmem>> -> memref<128xi32, #tpu.memory_space<vmem>>
    %dma_wait3A_30 = arith.constant 0 : i32
    %dma_wait3A_31 = arith.constant 0 : i32
    %dma_wait3A_32 = tpu.memref_slice %arg11[%dma_wait3A_30, %dma_wait3A_31] : memref<10112x16xf32, #tpu.memory_space<vmem_shared>> -> memref<10112x16xf32, #tpu.memory_space<vmem_shared>>
    tpu.wait_indirect_dma semaphore(%arg13 : memref<!tpu.dma_semaphore, #tpu.memory_space<semaphore_mem>>) src(%arg8 : memref<128x16xf32, #tpu.memory_space<vmem>>) dst(%dma_wait3A_32 : memref<10112x16xf32, #tpu.memory_space<vmem_shared>>)
    %dma_wait3A_33 = arith.constant 0 : i32
    %dma_wait3A_34 = arith.constant 0 : i32
    %dma_wait3A_35 = tpu.memref_slice %arg6[%dma_wait3A_33, %dma_wait3A_34] : memref<80x128xi32, #tpu.memory_space<vmem>> -> memref<1x128xi32, #tpu.memory_space<vmem>>
    %dma_wait3A_36 = tpu.memref_squeeze %dma_wait3A_35 : memref<1x128xi32, #tpu.memory_space<vmem>> -> memref<128xi32, #tpu.memory_space<vmem>>
    %dma_wait3A_37 = arith.constant 0 : i32
    %dma_wait3A_38 = arith.constant 0 : i32
    %dma_wait3A_39 = tpu.memref_slice %arg10[%dma_wait3A_37, %dma_wait3A_38] : memref<10112x16xf32, #tpu.memory_space<vmem_shared>> -> memref<10112x16xf32, #tpu.memory_space<vmem_shared>>
    tpu.wait_indirect_dma semaphore(%arg12 : memref<!tpu.dma_semaphore, #tpu.memory_space<semaphore_mem>>) src(%arg8 : memref<128x16xf32, #tpu.memory_space<vmem>>) dst(%dma_wait3A_39 : memref<10112x16xf32, #tpu.memory_space<vmem_shared>>)
    %dma_wait3A_40 = arith.constant 0 : i32
    %dma_wait3A_41 = arith.constant 0 : i32
    %dma_wait3A_42 = tpu.memref_slice %arg7[%dma_wait3A_40, %dma_wait3A_41] : memref<80x128xi32, #tpu.memory_space<vmem>> -> memref<1x128xi32, #tpu.memory_space<vmem>>
    %dma_wait3A_43 = tpu.memref_squeeze %dma_wait3A_42 : memref<1x128xi32, #tpu.memory_space<vmem>> -> memref<128xi32, #tpu.memory_space<vmem>>
    %dma_wait3A_44 = arith.constant 0 : i32
    %dma_wait3A_45 = arith.constant 0 : i32
    %dma_wait3A_46 = tpu.memref_slice %arg11[%dma_wait3A_44, %dma_wait3A_45] : memref<10112x16xf32, #tpu.memory_space<vmem_shared>> -> memref<10112x16xf32, #tpu.memory_space<vmem_shared>>
    tpu.wait_indirect_dma semaphore(%arg13 : memref<!tpu.dma_semaphore, #tpu.memory_space<semaphore_mem>>) src(%arg8 : memref<128x16xf32, #tpu.memory_space<vmem>>) dst(%dma_wait3A_46 : memref<10112x16xf32, #tpu.memory_space<vmem_shared>>)
    %dma_wait3A_47 = arith.constant 0 : i32
    %dma_wait3A_48 = arith.constant 0 : i32
    %dma_wait3A_49 = tpu.memref_slice %arg6[%dma_wait3A_47, %dma_wait3A_48] : memref<80x128xi32, #tpu.memory_space<vmem>> -> memref<1x128xi32, #tpu.memory_space<vmem>>
    %dma_wait3A_50 = tpu.memref_squeeze %dma_wait3A_49 : memref<1x128xi32, #tpu.memory_space<vmem>> -> memref<128xi32, #tpu.memory_space<vmem>>
    %dma_wait3A_51 = arith.constant 0 : i32
    %dma_wait3A_52 = arith.constant 0 : i32
    %dma_wait3A_53 = tpu.memref_slice %arg10[%dma_wait3A_51, %dma_wait3A_52] : memref<10112x16xf32, #tpu.memory_space<vmem_shared>> -> memref<10112x16xf32, #tpu.memory_space<vmem_shared>>
    tpu.wait_indirect_dma semaphore(%arg12 : memref<!tpu.dma_semaphore, #tpu.memory_space<semaphore_mem>>) src(%arg8 : memref<128x16xf32, #tpu.memory_space<vmem>>) dst(%dma_wait3A_53 : memref<10112x16xf32, #tpu.memory_space<vmem_shared>>)
    %dma_wait3A_54 = arith.constant 0 : i32
    %dma_wait3A_55 = arith.constant 0 : i32
    %dma_wait3A_56 = tpu.memref_slice %arg7[%dma_wait3A_54, %dma_wait3A_55] : memref<80x128xi32, #tpu.memory_space<vmem>> -> memref<1x128xi32, #tpu.memory_space<vmem>>
    %dma_wait3A_57 = tpu.memref_squeeze %dma_wait3A_56 : memref<1x128xi32, #tpu.memory_space<vmem>> -> memref<128xi32, #tpu.memory_space<vmem>>
    %dma_wait3A_58 = arith.constant 0 : i32
    %dma_wait3A_59 = arith.constant 0 : i32
    %dma_wait3A_60 = tpu.memref_slice %arg11[%dma_wait3A_58, %dma_wait3A_59] : memref<10112x16xf32, #tpu.memory_space<vmem_shared>> -> memref<10112x16xf32, #tpu.memory_space<vmem_shared>>
    tpu.wait_indirect_dma semaphore(%arg13 : memref<!tpu.dma_semaphore, #tpu.memory_space<semaphore_mem>>) src(%arg8 : memref<128x16xf32, #tpu.memory_space<vmem>>) dst(%dma_wait3A_60 : memref<10112x16xf32, #tpu.memory_space<vmem_shared>>)
    %dma_wait3A_61 = arith.constant 0 : i32
    %dma_wait3A_62 = arith.constant 0 : i32
    %dma_wait3A_63 = tpu.memref_slice %arg6[%dma_wait3A_61, %dma_wait3A_62] : memref<80x128xi32, #tpu.memory_space<vmem>> -> memref<1x128xi32, #tpu.memory_space<vmem>>
    %dma_wait3A_64 = tpu.memref_squeeze %dma_wait3A_63 : memref<1x128xi32, #tpu.memory_space<vmem>> -> memref<128xi32, #tpu.memory_space<vmem>>
    %dma_wait3A_65 = arith.constant 0 : i32
    %dma_wait3A_66 = arith.constant 0 : i32
    %dma_wait3A_67 = tpu.memref_slice %arg10[%dma_wait3A_65, %dma_wait3A_66] : memref<10112x16xf32, #tpu.memory_space<vmem_shared>> -> memref<10112x16xf32, #tpu.memory_space<vmem_shared>>
    tpu.wait_indirect_dma semaphore(%arg12 : memref<!tpu.dma_semaphore, #tpu.memory_space<semaphore_mem>>) src(%arg8 : memref<128x16xf32, #tpu.memory_space<vmem>>) dst(%dma_wait3A_67 : memref<10112x16xf32, #tpu.memory_space<vmem_shared>>)
    %dma_wait3A_68 = arith.constant 0 : i32
    %dma_wait3A_69 = arith.constant 0 : i32
    %dma_wait3A_70 = tpu.memref_slice %arg7[%dma_wait3A_68, %dma_wait3A_69] : memref<80x128xi32, #tpu.memory_space<vmem>> -> memref<1x128xi32, #tpu.memory_space<vmem>>
    %dma_wait3A_71 = tpu.memref_squeeze %dma_wait3A_70 : memref<1x128xi32, #tpu.memory_space<vmem>> -> memref<128xi32, #tpu.memory_space<vmem>>
    %dma_wait3A_72 = arith.constant 0 : i32
    %dma_wait3A_73 = arith.constant 0 : i32
    %dma_wait3A_74 = tpu.memref_slice %arg11[%dma_wait3A_72, %dma_wait3A_73] : memref<10112x16xf32, #tpu.memory_space<vmem_shared>> -> memref<10112x16xf32, #tpu.memory_space<vmem_shared>>
    tpu.wait_indirect_dma semaphore(%arg13 : memref<!tpu.dma_semaphore, #tpu.memory_space<semaphore_mem>>) src(%arg8 : memref<128x16xf32, #tpu.memory_space<vmem>>) dst(%dma_wait3A_74 : memref<10112x16xf32, #tpu.memory_space<vmem_shared>>)
    %barrier3A_75 = arith.constant 0 : index
    tpu.barrier barrier_id(%barrier3A_75)
    "tpu.region"() ({
      %run_scoped3A = tpu.sem_alloc : memref<!tpu.dma_semaphore, #tpu.memory_space<semaphore_mem>>
      %dma_start3A = arith.constant 0 : i32
      %dma_start3A_76 = tpu.memref_slice %arg4[%arg0, %mul3A_14, %dma_start3A] : memref<2x10112x16xf32, #tpu.memory_space<hbm>> -> memref<1x632x16xf32, #tpu.memory_space<hbm>>
      %dma_start3A_77 = tpu.memref_squeeze %dma_start3A_76 : memref<1x632x16xf32, #tpu.memory_space<hbm>> -> memref<632x16xf32, #tpu.memory_space<hbm>>
      %dma_start3A_78 = arith.constant 0 : i32
      %dma_start3A_79 = tpu.memref_slice %arg10[%mul3A_14, %dma_start3A_78] : memref<10112x16xf32, #tpu.memory_space<vmem_shared>> -> memref<632x16xf32, #tpu.memory_space<vmem_shared>>
      tpu.enqueue_dma source(%dma_start3A_79 : memref<632x16xf32, #tpu.memory_space<vmem_shared>>) target(%dma_start3A_77 : memref<632x16xf32, #tpu.memory_space<hbm>>) target_semaphore(%run_scoped3A : memref<!tpu.dma_semaphore, #tpu.memory_space<semaphore_mem>>)
      %dma_wait3A_80 = arith.constant 0 : i32
      %dma_wait3A_81 = tpu.memref_slice %arg4[%arg0, %mul3A_14, %dma_wait3A_80] : memref<2x10112x16xf32, #tpu.memory_space<hbm>> -> memref<1x632x16xf32, #tpu.memory_space<hbm>>
      %dma_wait3A_82 = tpu.memref_squeeze %dma_wait3A_81 : memref<1x632x16xf32, #tpu.memory_space<hbm>> -> memref<632x16xf32, #tpu.memory_space<hbm>>
      %dma_wait3A_83 = arith.constant 0 : i32
      %dma_wait3A_84 = tpu.memref_slice %arg10[%mul3A_14, %dma_wait3A_83] : memref<10112x16xf32, #tpu.memory_space<vmem_shared>> -> memref<632x16xf32, #tpu.memory_space<vmem_shared>>
      tpu.wait_dma2 semaphore(%run_scoped3A : memref<!tpu.dma_semaphore, #tpu.memory_space<semaphore_mem>>) src(%dma_wait3A_84 : memref<632x16xf32, #tpu.memory_space<vmem_shared>>) dst(%dma_wait3A_82 : memref<632x16xf32, #tpu.memory_space<hbm>>)
      tpu.yield
    }) : () -> ()
    "tpu.region"() ({
      %run_scoped3A = tpu.sem_alloc : memref<!tpu.dma_semaphore, #tpu.memory_space<semaphore_mem>>
      %dma_start3A = arith.constant 0 : i32
      %dma_start3A_76 = tpu.memref_slice %arg5[%arg0, %mul3A_14, %dma_start3A] : memref<2x10112x16xf32, #tpu.memory_space<hbm>> -> memref<1x632x16xf32, #tpu.memory_space<hbm>>
      %dma_start3A_77 = tpu.memref_squeeze %dma_start3A_76 : memref<1x632x16xf32, #tpu.memory_space<hbm>> -> memref<632x16xf32, #tpu.memory_space<hbm>>
      %dma_start3A_78 = arith.constant 0 : i32
      %dma_start3A_79 = tpu.memref_slice %arg11[%mul3A_14, %dma_start3A_78] : memref<10112x16xf32, #tpu.memory_space<vmem_shared>> -> memref<632x16xf32, #tpu.memory_space<vmem_shared>>
      tpu.enqueue_dma source(%dma_start3A_79 : memref<632x16xf32, #tpu.memory_space<vmem_shared>>) target(%dma_start3A_77 : memref<632x16xf32, #tpu.memory_space<hbm>>) target_semaphore(%run_scoped3A : memref<!tpu.dma_semaphore, #tpu.memory_space<semaphore_mem>>)
      %dma_wait3A_80 = arith.constant 0 : i32
      %dma_wait3A_81 = tpu.memref_slice %arg5[%arg0, %mul3A_14, %dma_wait3A_80] : memref<2x10112x16xf32, #tpu.memory_space<hbm>> -> memref<1x632x16xf32, #tpu.memory_space<hbm>>
      %dma_wait3A_82 = tpu.memref_squeeze %dma_wait3A_81 : memref<1x632x16xf32, #tpu.memory_space<hbm>> -> memref<632x16xf32, #tpu.memory_space<hbm>>
      %dma_wait3A_83 = arith.constant 0 : i32
      %dma_wait3A_84 = tpu.memref_slice %arg11[%mul3A_14, %dma_wait3A_83] : memref<10112x16xf32, #tpu.memory_space<vmem_shared>> -> memref<632x16xf32, #tpu.memory_space<vmem_shared>>
      tpu.wait_dma2 semaphore(%run_scoped3A : memref<!tpu.dma_semaphore, #tpu.memory_space<semaphore_mem>>) src(%dma_wait3A_84 : memref<632x16xf32, #tpu.memory_space<vmem_shared>>) dst(%dma_wait3A_82 : memref<632x16xf32, #tpu.memory_space<hbm>>)
      tpu.yield
    }) : () -> ()
    return
  }
}

#map = affine_map<(d0, d1) -> (0, 0)>
#map1 = affine_map<(d0, d1) -> (0, 0, 0)>
module attributes {stable_mosaic.version = 14 : i64} {
  func.func @_agg_body(%arg0: i32, %arg1: i32, %arg2: memref<10112x16xf32, #tpu.memory_space<hbm>>, %arg3: memref<32x80x128xi32, #tpu.memory_space<hbm>>, %arg4: memref<32x80x128xi32, #tpu.memory_space<hbm>>, %arg5: memref<2x10112x16xf32, #tpu.memory_space<hbm>>, %arg6: memref<80x128xi32, #tpu.memory_space<vmem>>, %arg7: memref<80x128xi32, #tpu.memory_space<vmem>>, %arg8: memref<128x16xf32, #tpu.memory_space<vmem>>, %arg9: memref<128x16xf32, #tpu.memory_space<vmem>>, %arg10: memref<128x16xf32, #tpu.memory_space<vmem>>, %arg11: memref<128x16xf32, #tpu.memory_space<vmem>>, %arg12: memref<632x16xf32, #tpu.memory_space<vmem>>, %arg13: memref<10112x16xf32, #tpu.memory_space<vmem_shared>>, %arg14: memref<!tpu.dma_semaphore, #tpu.memory_space<semaphore_mem>>, %arg15: memref<!tpu.dma_semaphore, #tpu.memory_space<semaphore_mem>>, %arg16: memref<!tpu.dma_semaphore, #tpu.memory_space<semaphore_mem>>, %arg17: memref<!tpu.dma_semaphore, #tpu.memory_space<semaphore_mem>>, %arg18: memref<!tpu.dma_semaphore, #tpu.memory_space<semaphore_mem>>, %arg19: memref<!tpu.dma_semaphore, #tpu.memory_space<semaphore_mem>>, %arg20: memref<!tpu.dma_semaphore, #tpu.memory_space<semaphore_mem>>, %arg21: memref<!tpu.dma_semaphore, #tpu.memory_space<semaphore_mem>>) attributes {dimension_semantics = [#tpu.dimension_semantics<core_parallel>, #tpu.dimension_semantics<subcore_parallel>], iteration_bounds = array<i64: 2, 16>, scalar_prefetch = 0 : i64, scratch_operands = 16 : i64, tpu.core_type = #tpu.core_type<sc_vector_subcore>, window_params = [{transform_indices = #map}, {transform_indices = #map1}, {transform_indices = #map1}, {transform_indices = #map1}]} {
    %mul3A = arith.constant 2 : i32
    %mul3A_0 = arith.muli %arg1, %mul3A : i32
    %add3A = arith.addi %mul3A_0, %arg0 : i32
    %broadcast_in_dim3A = arith.constant 0.000000e+00 : f32
    %broadcast_in_dim3A_1 = vector.broadcast %broadcast_in_dim3A : f32 to vector<16xf32>
    %scan3A = arith.constant 0 : i32
    %scan3A_2 = arith.constant 632 : i32
    %scan3A_3 = arith.addi %scan3A, %scan3A_2 : i32
    %scan3A_4 = arith.constant 1 : i32
    scf.for %scan3A_124 = %scan3A to %scan3A_3 step %scan3A_4  : i32 {
      %mul3A_125 = arith.constant 1 : i32
      %mul3A_126 = arith.muli %scan3A_124, %mul3A_125 : i32
      %add3A_127 = arith.constant 0 : i32
      %add3A_128 = arith.addi %add3A_127, %mul3A_126 : i32
      %swap3A = arith.index_cast %add3A_128 : i32 to index
      %swap3A_129 = arith.constant 0 : index
      %swap3A_130 = tpu.vector_load %arg12[%swap3A, %swap3A_129] {strides = array<i32>} : memref<632x16xf32, #tpu.memory_space<vmem>>, vector<1x16xf32>,
      %swap3A_131 = vector.shape_cast %swap3A_130 : vector<1x16xf32> to vector<16xf32>
      %swap3A_132 = vector.shape_cast %broadcast_in_dim3A_1 : vector<16xf32> to vector<1x16xf32>
      tpu.vector_store %arg12[%swap3A, %swap3A_129], %swap3A_132 {strides = array<i32>} : memref<632x16xf32, #tpu.memory_space<vmem>>, vector<1x16xf32>,
    }
    %scan3A_5 = arith.constant 632 : i32
    %mul3A_6 = arith.constant 632 : i32
    %mul3A_7 = arith.muli %arg1, %mul3A_6 : i32
    "tpu.region"() ({
      %run_scoped3A = tpu.sem_alloc : memref<!tpu.dma_semaphore, #tpu.memory_space<semaphore_mem>>
      %dma_start3A_124 = arith.constant 0 : i32
      %dma_start3A_125 = arith.constant 0 : i32
      %dma_start3A_126 = tpu.memref_slice %arg3[%add3A, %dma_start3A_124, %dma_start3A_125] : memref<32x80x128xi32, #tpu.memory_space<hbm>> -> memref<1x80x128xi32, #tpu.memory_space<hbm>>
      %dma_start3A_127 = tpu.memref_squeeze %dma_start3A_126 : memref<1x80x128xi32, #tpu.memory_space<hbm>> -> memref<80x128xi32, #tpu.memory_space<hbm>>
      %dma_start3A_128 = arith.constant 0 : i32
      %dma_start3A_129 = arith.constant 0 : i32
      %dma_start3A_130 = tpu.memref_slice %arg3[%add3A, %dma_start3A_128, %dma_start3A_129] : memref<32x80x128xi32, #tpu.memory_space<hbm>> -> memref<1x80x128xi32, #tpu.memory_space<hbm>>
      %dma_start3A_131 = tpu.memref_squeeze %dma_start3A_130 : memref<1x80x128xi32, #tpu.memory_space<hbm>> -> memref<80x128xi32, #tpu.memory_space<hbm>>
      tpu.enqueue_dma source(%dma_start3A_131 : memref<80x128xi32, #tpu.memory_space<hbm>>) target(%arg6 : memref<80x128xi32, #tpu.memory_space<vmem>>) target_semaphore(%run_scoped3A : memref<!tpu.dma_semaphore, #tpu.memory_space<semaphore_mem>>)
      %dma_wait3A_132 = arith.constant 0 : i32
      %dma_wait3A_133 = arith.constant 0 : i32
      %dma_wait3A_134 = tpu.memref_slice %arg3[%add3A, %dma_wait3A_132, %dma_wait3A_133] : memref<32x80x128xi32, #tpu.memory_space<hbm>> -> memref<1x80x128xi32, #tpu.memory_space<hbm>>
      %dma_wait3A_135 = tpu.memref_squeeze %dma_wait3A_134 : memref<1x80x128xi32, #tpu.memory_space<hbm>> -> memref<80x128xi32, #tpu.memory_space<hbm>>
      %dma_wait3A_136 = arith.constant 0 : i32
      %dma_wait3A_137 = arith.constant 0 : i32
      %dma_wait3A_138 = tpu.memref_slice %arg3[%add3A, %dma_wait3A_136, %dma_wait3A_137] : memref<32x80x128xi32, #tpu.memory_space<hbm>> -> memref<1x80x128xi32, #tpu.memory_space<hbm>>
      %dma_wait3A_139 = tpu.memref_squeeze %dma_wait3A_138 : memref<1x80x128xi32, #tpu.memory_space<hbm>> -> memref<80x128xi32, #tpu.memory_space<hbm>>
      tpu.wait_dma2 semaphore(%run_scoped3A : memref<!tpu.dma_semaphore, #tpu.memory_space<semaphore_mem>>) src(%dma_wait3A_139 : memref<80x128xi32, #tpu.memory_space<hbm>>) dst(%arg6 : memref<80x128xi32, #tpu.memory_space<vmem>>)
      tpu.yield
    }) : () -> ()
    "tpu.region"() ({
      %run_scoped3A = tpu.sem_alloc : memref<!tpu.dma_semaphore, #tpu.memory_space<semaphore_mem>>
      %dma_start3A_124 = arith.constant 0 : i32
      %dma_start3A_125 = arith.constant 0 : i32
      %dma_start3A_126 = tpu.memref_slice %arg4[%add3A, %dma_start3A_124, %dma_start3A_125] : memref<32x80x128xi32, #tpu.memory_space<hbm>> -> memref<1x80x128xi32, #tpu.memory_space<hbm>>
      %dma_start3A_127 = tpu.memref_squeeze %dma_start3A_126 : memref<1x80x128xi32, #tpu.memory_space<hbm>> -> memref<80x128xi32, #tpu.memory_space<hbm>>
      %dma_start3A_128 = arith.constant 0 : i32
      %dma_start3A_129 = arith.constant 0 : i32
      %dma_start3A_130 = tpu.memref_slice %arg4[%add3A, %dma_start3A_128, %dma_start3A_129] : memref<32x80x128xi32, #tpu.memory_space<hbm>> -> memref<1x80x128xi32, #tpu.memory_space<hbm>>
      %dma_start3A_131 = tpu.memref_squeeze %dma_start3A_130 : memref<1x80x128xi32, #tpu.memory_space<hbm>> -> memref<80x128xi32, #tpu.memory_space<hbm>>
      tpu.enqueue_dma source(%dma_start3A_131 : memref<80x128xi32, #tpu.memory_space<hbm>>) target(%arg7 : memref<80x128xi32, #tpu.memory_space<vmem>>) target_semaphore(%run_scoped3A : memref<!tpu.dma_semaphore, #tpu.memory_space<semaphore_mem>>)
      %dma_wait3A_132 = arith.constant 0 : i32
      %dma_wait3A_133 = arith.constant 0 : i32
      %dma_wait3A_134 = tpu.memref_slice %arg4[%add3A, %dma_wait3A_132, %dma_wait3A_133] : memref<32x80x128xi32, #tpu.memory_space<hbm>> -> memref<1x80x128xi32, #tpu.memory_space<hbm>>
      %dma_wait3A_135 = tpu.memref_squeeze %dma_wait3A_134 : memref<1x80x128xi32, #tpu.memory_space<hbm>> -> memref<80x128xi32, #tpu.memory_space<hbm>>
      %dma_wait3A_136 = arith.constant 0 : i32
      %dma_wait3A_137 = arith.constant 0 : i32
      %dma_wait3A_138 = tpu.memref_slice %arg4[%add3A, %dma_wait3A_136, %dma_wait3A_137] : memref<32x80x128xi32, #tpu.memory_space<hbm>> -> memref<1x80x128xi32, #tpu.memory_space<hbm>>
      %dma_wait3A_139 = tpu.memref_squeeze %dma_wait3A_138 : memref<1x80x128xi32, #tpu.memory_space<hbm>> -> memref<80x128xi32, #tpu.memory_space<hbm>>
      tpu.wait_dma2 semaphore(%run_scoped3A : memref<!tpu.dma_semaphore, #tpu.memory_space<semaphore_mem>>) src(%dma_wait3A_139 : memref<80x128xi32, #tpu.memory_space<hbm>>) dst(%arg7 : memref<80x128xi32, #tpu.memory_space<vmem>>)
      tpu.yield
    }) : () -> ()
    "tpu.region"() ({
      %run_scoped3A = tpu.sem_alloc : memref<!tpu.dma_semaphore, #tpu.memory_space<semaphore_mem>>
      %dma_start3A_124 = arith.constant 0 : i32
      %dma_start3A_125 = tpu.memref_slice %arg13[%mul3A_7, %dma_start3A_124] : memref<10112x16xf32, #tpu.memory_space<vmem_shared>> -> memref<632x16xf32, #tpu.memory_space<vmem_shared>>
      %dma_start3A_126 = arith.constant 0 : i32
      %dma_start3A_127 = tpu.memref_slice %arg13[%mul3A_7, %dma_start3A_126] : memref<10112x16xf32, #tpu.memory_space<vmem_shared>> -> memref<632x16xf32, #tpu.memory_space<vmem_shared>>
      tpu.enqueue_dma source(%arg12 : memref<632x16xf32, #tpu.memory_space<vmem>>) target(%dma_start3A_127 : memref<632x16xf32, #tpu.memory_space<vmem_shared>>) target_semaphore(%run_scoped3A : memref<!tpu.dma_semaphore, #tpu.memory_space<semaphore_mem>>)
      %dma_wait3A_128 = arith.constant 0 : i32
      %dma_wait3A_129 = tpu.memref_slice %arg13[%mul3A_7, %dma_wait3A_128] : memref<10112x16xf32, #tpu.memory_space<vmem_shared>> -> memref<632x16xf32, #tpu.memory_space<vmem_shared>>
      %dma_wait3A_130 = arith.constant 0 : i32
      %dma_wait3A_131 = tpu.memref_slice %arg13[%mul3A_7, %dma_wait3A_130] : memref<10112x16xf32, #tpu.memory_space<vmem_shared>> -> memref<632x16xf32, #tpu.memory_space<vmem_shared>>
      tpu.wait_dma2 semaphore(%run_scoped3A : memref<!tpu.dma_semaphore, #tpu.memory_space<semaphore_mem>>) src(%arg12 : memref<632x16xf32, #tpu.memory_space<vmem>>) dst(%dma_wait3A_131 : memref<632x16xf32, #tpu.memory_space<vmem_shared>>)
      tpu.yield
    }) : () -> ()
    %barrier3A = arith.constant 0 : index
    tpu.barrier barrier_id(%barrier3A)
    %dma_start3A = arith.constant 0 : i32
    %dma_start3A_8 = arith.constant 0 : i32
    %dma_start3A_9 = tpu.memref_slice %arg6[%dma_start3A, %dma_start3A_8] : memref<80x128xi32, #tpu.memory_space<vmem>> -> memref<1x128xi32, #tpu.memory_space<vmem>>
    %dma_start3A_10 = tpu.memref_squeeze %dma_start3A_9 : memref<1x128xi32, #tpu.memory_space<vmem>> -> memref<128xi32, #tpu.memory_space<vmem>>
    %dma_start3A_11 = arith.constant 0 : i32
    %dma_start3A_12 = arith.constant 0 : i32
    %dma_start3A_13 = tpu.memref_slice %arg2[%dma_start3A_11, %dma_start3A_12] : memref<10112x16xf32, #tpu.memory_space<hbm>> -> memref<10112x16xf32, #tpu.memory_space<hbm>>
    tpu.enqueue_indirect_dma source(%dma_start3A_13 : memref<10112x16xf32, #tpu.memory_space<hbm>>) target(%arg8 : memref<128x16xf32, #tpu.memory_space<vmem>>) offsets(%dma_start3A_10 : memref<128xi32, #tpu.memory_space<vmem>>) semaphore(%arg14 : memref<!tpu.dma_semaphore, #tpu.memory_space<semaphore_mem>>)
    %dma_start3A_14 = arith.constant 1 : i32
    %dma_start3A_15 = arith.constant 0 : i32
    %dma_start3A_16 = tpu.memref_slice %arg6[%dma_start3A_14, %dma_start3A_15] : memref<80x128xi32, #tpu.memory_space<vmem>> -> memref<1x128xi32, #tpu.memory_space<vmem>>
    %dma_start3A_17 = tpu.memref_squeeze %dma_start3A_16 : memref<1x128xi32, #tpu.memory_space<vmem>> -> memref<128xi32, #tpu.memory_space<vmem>>
    %dma_start3A_18 = arith.constant 0 : i32
    %dma_start3A_19 = arith.constant 0 : i32
    %dma_start3A_20 = tpu.memref_slice %arg2[%dma_start3A_18, %dma_start3A_19] : memref<10112x16xf32, #tpu.memory_space<hbm>> -> memref<10112x16xf32, #tpu.memory_space<hbm>>
    tpu.enqueue_indirect_dma source(%dma_start3A_20 : memref<10112x16xf32, #tpu.memory_space<hbm>>) target(%arg9 : memref<128x16xf32, #tpu.memory_space<vmem>>) offsets(%dma_start3A_17 : memref<128xi32, #tpu.memory_space<vmem>>) semaphore(%arg15 : memref<!tpu.dma_semaphore, #tpu.memory_space<semaphore_mem>>)
    %dma_start3A_21 = arith.constant 2 : i32
    %dma_start3A_22 = arith.constant 0 : i32
    %dma_start3A_23 = tpu.memref_slice %arg6[%dma_start3A_21, %dma_start3A_22] : memref<80x128xi32, #tpu.memory_space<vmem>> -> memref<1x128xi32, #tpu.memory_space<vmem>>
    %dma_start3A_24 = tpu.memref_squeeze %dma_start3A_23 : memref<1x128xi32, #tpu.memory_space<vmem>> -> memref<128xi32, #tpu.memory_space<vmem>>
    %dma_start3A_25 = arith.constant 0 : i32
    %dma_start3A_26 = arith.constant 0 : i32
    %dma_start3A_27 = tpu.memref_slice %arg2[%dma_start3A_25, %dma_start3A_26] : memref<10112x16xf32, #tpu.memory_space<hbm>> -> memref<10112x16xf32, #tpu.memory_space<hbm>>
    tpu.enqueue_indirect_dma source(%dma_start3A_27 : memref<10112x16xf32, #tpu.memory_space<hbm>>) target(%arg10 : memref<128x16xf32, #tpu.memory_space<vmem>>) offsets(%dma_start3A_24 : memref<128xi32, #tpu.memory_space<vmem>>) semaphore(%arg16 : memref<!tpu.dma_semaphore, #tpu.memory_space<semaphore_mem>>)
    %dma_start3A_28 = arith.constant 3 : i32
    %dma_start3A_29 = arith.constant 0 : i32
    %dma_start3A_30 = tpu.memref_slice %arg6[%dma_start3A_28, %dma_start3A_29] : memref<80x128xi32, #tpu.memory_space<vmem>> -> memref<1x128xi32, #tpu.memory_space<vmem>>
    %dma_start3A_31 = tpu.memref_squeeze %dma_start3A_30 : memref<1x128xi32, #tpu.memory_space<vmem>> -> memref<128xi32, #tpu.memory_space<vmem>>
    %dma_start3A_32 = arith.constant 0 : i32
    %dma_start3A_33 = arith.constant 0 : i32
    %dma_start3A_34 = tpu.memref_slice %arg2[%dma_start3A_32, %dma_start3A_33] : memref<10112x16xf32, #tpu.memory_space<hbm>> -> memref<10112x16xf32, #tpu.memory_space<hbm>>
    tpu.enqueue_indirect_dma source(%dma_start3A_34 : memref<10112x16xf32, #tpu.memory_space<hbm>>) target(%arg11 : memref<128x16xf32, #tpu.memory_space<vmem>>) offsets(%dma_start3A_31 : memref<128xi32, #tpu.memory_space<vmem>>) semaphore(%arg17 : memref<!tpu.dma_semaphore, #tpu.memory_space<semaphore_mem>>)
    %scan3A_35 = arith.constant 0 : i32
    %scan3A_36 = arith.constant 19 : i32
    %scan3A_37 = arith.addi %scan3A_35, %scan3A_36 : i32
    %scan3A_38 = arith.constant 1 : i32
    scf.for %scan3A_124 = %scan3A_35 to %scan3A_37 step %scan3A_38  : i32 {
      %mul3A_125 = arith.constant 1 : i32
      %mul3A_126 = arith.muli %scan3A_124, %mul3A_125 : i32
      %add3A_127 = arith.constant 0 : i32
      %add3A_128 = arith.addi %add3A_127, %mul3A_126 : i32
      %mul3A_129 = arith.constant 4 : i32
      %mul3A_130 = arith.muli %add3A_128, %mul3A_129 : i32
      %dma_wait3A_131 = arith.constant 0 : i32
      %dma_wait3A_132 = arith.constant 0 : i32
      %dma_wait3A_133 = tpu.memref_slice %arg6[%dma_wait3A_131, %dma_wait3A_132] : memref<80x128xi32, #tpu.memory_space<vmem>> -> memref<1x128xi32, #tpu.memory_space<vmem>>
      %dma_wait3A_134 = tpu.memref_squeeze %dma_wait3A_133 : memref<1x128xi32, #tpu.memory_space<vmem>> -> memref<128xi32, #tpu.memory_space<vmem>>
      %dma_wait3A_135 = arith.constant 0 : i32
      %dma_wait3A_136 = arith.constant 0 : i32
      %dma_wait3A_137 = tpu.memref_slice %arg2[%dma_wait3A_135, %dma_wait3A_136] : memref<10112x16xf32, #tpu.memory_space<hbm>> -> memref<10112x16xf32, #tpu.memory_space<hbm>>
      tpu.wait_indirect_dma semaphore(%arg14 : memref<!tpu.dma_semaphore, #tpu.memory_space<semaphore_mem>>) src(%dma_wait3A_137 : memref<10112x16xf32, #tpu.memory_space<hbm>>) dst(%arg8 : memref<128x16xf32, #tpu.memory_space<vmem>>)
      %add3A_138 = arith.constant 0 : i32
      %add3A_139 = arith.addi %mul3A_130, %add3A_138 : i32
      %dma_start3A_140 = arith.constant 0 : i32
      %dma_start3A_141 = tpu.memref_slice %arg7[%add3A_139, %dma_start3A_140] : memref<80x128xi32, #tpu.memory_space<vmem>> -> memref<1x128xi32, #tpu.memory_space<vmem>>
      %dma_start3A_142 = tpu.memref_squeeze %dma_start3A_141 : memref<1x128xi32, #tpu.memory_space<vmem>> -> memref<128xi32, #tpu.memory_space<vmem>>
      %dma_start3A_143 = arith.constant 0 : i32
      %dma_start3A_144 = arith.constant 0 : i32
      %dma_start3A_145 = tpu.memref_slice %arg13[%dma_start3A_143, %dma_start3A_144] : memref<10112x16xf32, #tpu.memory_space<vmem_shared>> -> memref<10112x16xf32, #tpu.memory_space<vmem_shared>>
      tpu.enqueue_indirect_dma source(%arg8 : memref<128x16xf32, #tpu.memory_space<vmem>>) target(%dma_start3A_145 : memref<10112x16xf32, #tpu.memory_space<vmem_shared>>) offsets(%dma_start3A_142 : memref<128xi32, #tpu.memory_space<vmem>>) semaphore(%arg18 : memref<!tpu.dma_semaphore, #tpu.memory_space<semaphore_mem>>) {add = true}
      %dma_wait3A_146 = arith.constant 0 : i32
      %dma_wait3A_147 = arith.constant 0 : i32
      %dma_wait3A_148 = tpu.memref_slice %arg6[%dma_wait3A_146, %dma_wait3A_147] : memref<80x128xi32, #tpu.memory_space<vmem>> -> memref<1x128xi32, #tpu.memory_space<vmem>>
      %dma_wait3A_149 = tpu.memref_squeeze %dma_wait3A_148 : memref<1x128xi32, #tpu.memory_space<vmem>> -> memref<128xi32, #tpu.memory_space<vmem>>
      %dma_wait3A_150 = arith.constant 0 : i32
      %dma_wait3A_151 = arith.constant 0 : i32
      %dma_wait3A_152 = tpu.memref_slice %arg2[%dma_wait3A_150, %dma_wait3A_151] : memref<10112x16xf32, #tpu.memory_space<hbm>> -> memref<10112x16xf32, #tpu.memory_space<hbm>>
      tpu.wait_indirect_dma semaphore(%arg15 : memref<!tpu.dma_semaphore, #tpu.memory_space<semaphore_mem>>) src(%dma_wait3A_152 : memref<10112x16xf32, #tpu.memory_space<hbm>>) dst(%arg9 : memref<128x16xf32, #tpu.memory_space<vmem>>)
      %add3A_153 = arith.constant 1 : i32
      %add3A_154 = arith.addi %mul3A_130, %add3A_153 : i32
      %dma_start3A_155 = arith.constant 0 : i32
      %dma_start3A_156 = tpu.memref_slice %arg7[%add3A_154, %dma_start3A_155] : memref<80x128xi32, #tpu.memory_space<vmem>> -> memref<1x128xi32, #tpu.memory_space<vmem>>
      %dma_start3A_157 = tpu.memref_squeeze %dma_start3A_156 : memref<1x128xi32, #tpu.memory_space<vmem>> -> memref<128xi32, #tpu.memory_space<vmem>>
      %dma_start3A_158 = arith.constant 0 : i32
      %dma_start3A_159 = arith.constant 0 : i32
      %dma_start3A_160 = tpu.memref_slice %arg13[%dma_start3A_158, %dma_start3A_159] : memref<10112x16xf32, #tpu.memory_space<vmem_shared>> -> memref<10112x16xf32, #tpu.memory_space<vmem_shared>>
      tpu.enqueue_indirect_dma source(%arg9 : memref<128x16xf32, #tpu.memory_space<vmem>>) target(%dma_start3A_160 : memref<10112x16xf32, #tpu.memory_space<vmem_shared>>) offsets(%dma_start3A_157 : memref<128xi32, #tpu.memory_space<vmem>>) semaphore(%arg19 : memref<!tpu.dma_semaphore, #tpu.memory_space<semaphore_mem>>) {add = true}
      %dma_wait3A_161 = arith.constant 0 : i32
      %dma_wait3A_162 = arith.constant 0 : i32
      %dma_wait3A_163 = tpu.memref_slice %arg6[%dma_wait3A_161, %dma_wait3A_162] : memref<80x128xi32, #tpu.memory_space<vmem>> -> memref<1x128xi32, #tpu.memory_space<vmem>>
      %dma_wait3A_164 = tpu.memref_squeeze %dma_wait3A_163 : memref<1x128xi32, #tpu.memory_space<vmem>> -> memref<128xi32, #tpu.memory_space<vmem>>
      %dma_wait3A_165 = arith.constant 0 : i32
      %dma_wait3A_166 = arith.constant 0 : i32
      %dma_wait3A_167 = tpu.memref_slice %arg2[%dma_wait3A_165, %dma_wait3A_166] : memref<10112x16xf32, #tpu.memory_space<hbm>> -> memref<10112x16xf32, #tpu.memory_space<hbm>>
      tpu.wait_indirect_dma semaphore(%arg16 : memref<!tpu.dma_semaphore, #tpu.memory_space<semaphore_mem>>) src(%dma_wait3A_167 : memref<10112x16xf32, #tpu.memory_space<hbm>>) dst(%arg10 : memref<128x16xf32, #tpu.memory_space<vmem>>)
      %add3A_168 = arith.constant 2 : i32
      %add3A_169 = arith.addi %mul3A_130, %add3A_168 : i32
      %dma_start3A_170 = arith.constant 0 : i32
      %dma_start3A_171 = tpu.memref_slice %arg7[%add3A_169, %dma_start3A_170] : memref<80x128xi32, #tpu.memory_space<vmem>> -> memref<1x128xi32, #tpu.memory_space<vmem>>
      %dma_start3A_172 = tpu.memref_squeeze %dma_start3A_171 : memref<1x128xi32, #tpu.memory_space<vmem>> -> memref<128xi32, #tpu.memory_space<vmem>>
      %dma_start3A_173 = arith.constant 0 : i32
      %dma_start3A_174 = arith.constant 0 : i32
      %dma_start3A_175 = tpu.memref_slice %arg13[%dma_start3A_173, %dma_start3A_174] : memref<10112x16xf32, #tpu.memory_space<vmem_shared>> -> memref<10112x16xf32, #tpu.memory_space<vmem_shared>>
      tpu.enqueue_indirect_dma source(%arg10 : memref<128x16xf32, #tpu.memory_space<vmem>>) target(%dma_start3A_175 : memref<10112x16xf32, #tpu.memory_space<vmem_shared>>) offsets(%dma_start3A_172 : memref<128xi32, #tpu.memory_space<vmem>>) semaphore(%arg20 : memref<!tpu.dma_semaphore, #tpu.memory_space<semaphore_mem>>) {add = true}
      %dma_wait3A_176 = arith.constant 0 : i32
      %dma_wait3A_177 = arith.constant 0 : i32
      %dma_wait3A_178 = tpu.memref_slice %arg6[%dma_wait3A_176, %dma_wait3A_177] : memref<80x128xi32, #tpu.memory_space<vmem>> -> memref<1x128xi32, #tpu.memory_space<vmem>>
      %dma_wait3A_179 = tpu.memref_squeeze %dma_wait3A_178 : memref<1x128xi32, #tpu.memory_space<vmem>> -> memref<128xi32, #tpu.memory_space<vmem>>
      %dma_wait3A_180 = arith.constant 0 : i32
      %dma_wait3A_181 = arith.constant 0 : i32
      %dma_wait3A_182 = tpu.memref_slice %arg2[%dma_wait3A_180, %dma_wait3A_181] : memref<10112x16xf32, #tpu.memory_space<hbm>> -> memref<10112x16xf32, #tpu.memory_space<hbm>>
      tpu.wait_indirect_dma semaphore(%arg17 : memref<!tpu.dma_semaphore, #tpu.memory_space<semaphore_mem>>) src(%dma_wait3A_182 : memref<10112x16xf32, #tpu.memory_space<hbm>>) dst(%arg11 : memref<128x16xf32, #tpu.memory_space<vmem>>)
      %add3A_183 = arith.constant 3 : i32
      %add3A_184 = arith.addi %mul3A_130, %add3A_183 : i32
      %dma_start3A_185 = arith.constant 0 : i32
      %dma_start3A_186 = tpu.memref_slice %arg7[%add3A_184, %dma_start3A_185] : memref<80x128xi32, #tpu.memory_space<vmem>> -> memref<1x128xi32, #tpu.memory_space<vmem>>
      %dma_start3A_187 = tpu.memref_squeeze %dma_start3A_186 : memref<1x128xi32, #tpu.memory_space<vmem>> -> memref<128xi32, #tpu.memory_space<vmem>>
      %dma_start3A_188 = arith.constant 0 : i32
      %dma_start3A_189 = arith.constant 0 : i32
      %dma_start3A_190 = tpu.memref_slice %arg13[%dma_start3A_188, %dma_start3A_189] : memref<10112x16xf32, #tpu.memory_space<vmem_shared>> -> memref<10112x16xf32, #tpu.memory_space<vmem_shared>>
      tpu.enqueue_indirect_dma source(%arg11 : memref<128x16xf32, #tpu.memory_space<vmem>>) target(%dma_start3A_190 : memref<10112x16xf32, #tpu.memory_space<vmem_shared>>) offsets(%dma_start3A_187 : memref<128xi32, #tpu.memory_space<vmem>>) semaphore(%arg21 : memref<!tpu.dma_semaphore, #tpu.memory_space<semaphore_mem>>) {add = true}
      %dma_wait3A_191 = arith.constant 0 : i32
      %dma_wait3A_192 = arith.constant 0 : i32
      %dma_wait3A_193 = tpu.memref_slice %arg7[%dma_wait3A_191, %dma_wait3A_192] : memref<80x128xi32, #tpu.memory_space<vmem>> -> memref<1x128xi32, #tpu.memory_space<vmem>>
      %dma_wait3A_194 = tpu.memref_squeeze %dma_wait3A_193 : memref<1x128xi32, #tpu.memory_space<vmem>> -> memref<128xi32, #tpu.memory_space<vmem>>
      %dma_wait3A_195 = arith.constant 0 : i32
      %dma_wait3A_196 = arith.constant 0 : i32
      %dma_wait3A_197 = tpu.memref_slice %arg13[%dma_wait3A_195, %dma_wait3A_196] : memref<10112x16xf32, #tpu.memory_space<vmem_shared>> -> memref<10112x16xf32, #tpu.memory_space<vmem_shared>>
      tpu.wait_indirect_dma semaphore(%arg18 : memref<!tpu.dma_semaphore, #tpu.memory_space<semaphore_mem>>) src(%arg8 : memref<128x16xf32, #tpu.memory_space<vmem>>) dst(%dma_wait3A_197 : memref<10112x16xf32, #tpu.memory_space<vmem_shared>>)
      %add3A_198 = arith.constant 4 : i32
      %add3A_199 = arith.addi %mul3A_130, %add3A_198 : i32
      %add3A_200 = arith.constant 0 : i32
      %add3A_201 = arith.addi %add3A_199, %add3A_200 : i32
      %dma_start3A_202 = arith.constant 0 : i32
      %dma_start3A_203 = tpu.memref_slice %arg6[%add3A_201, %dma_start3A_202] : memref<80x128xi32, #tpu.memory_space<vmem>> -> memref<1x128xi32, #tpu.memory_space<vmem>>
      %dma_start3A_204 = tpu.memref_squeeze %dma_start3A_203 : memref<1x128xi32, #tpu.memory_space<vmem>> -> memref<128xi32, #tpu.memory_space<vmem>>
      %dma_start3A_205 = arith.constant 0 : i32
      %dma_start3A_206 = arith.constant 0 : i32
      %dma_start3A_207 = tpu.memref_slice %arg2[%dma_start3A_205, %dma_start3A_206] : memref<10112x16xf32, #tpu.memory_space<hbm>> -> memref<10112x16xf32, #tpu.memory_space<hbm>>
      tpu.enqueue_indirect_dma source(%dma_start3A_207 : memref<10112x16xf32, #tpu.memory_space<hbm>>) target(%arg8 : memref<128x16xf32, #tpu.memory_space<vmem>>) offsets(%dma_start3A_204 : memref<128xi32, #tpu.memory_space<vmem>>) semaphore(%arg14 : memref<!tpu.dma_semaphore, #tpu.memory_space<semaphore_mem>>)
      %dma_wait3A_208 = arith.constant 0 : i32
      %dma_wait3A_209 = arith.constant 0 : i32
      %dma_wait3A_210 = tpu.memref_slice %arg7[%dma_wait3A_208, %dma_wait3A_209] : memref<80x128xi32, #tpu.memory_space<vmem>> -> memref<1x128xi32, #tpu.memory_space<vmem>>
      %dma_wait3A_211 = tpu.memref_squeeze %dma_wait3A_210 : memref<1x128xi32, #tpu.memory_space<vmem>> -> memref<128xi32, #tpu.memory_space<vmem>>
      %dma_wait3A_212 = arith.constant 0 : i32
      %dma_wait3A_213 = arith.constant 0 : i32
      %dma_wait3A_214 = tpu.memref_slice %arg13[%dma_wait3A_212, %dma_wait3A_213] : memref<10112x16xf32, #tpu.memory_space<vmem_shared>> -> memref<10112x16xf32, #tpu.memory_space<vmem_shared>>
      tpu.wait_indirect_dma semaphore(%arg19 : memref<!tpu.dma_semaphore, #tpu.memory_space<semaphore_mem>>) src(%arg9 : memref<128x16xf32, #tpu.memory_space<vmem>>) dst(%dma_wait3A_214 : memref<10112x16xf32, #tpu.memory_space<vmem_shared>>)
      %add3A_215 = arith.constant 4 : i32
      %add3A_216 = arith.addi %mul3A_130, %add3A_215 : i32
      %add3A_217 = arith.constant 1 : i32
      %add3A_218 = arith.addi %add3A_216, %add3A_217 : i32
      %dma_start3A_219 = arith.constant 0 : i32
      %dma_start3A_220 = tpu.memref_slice %arg6[%add3A_218, %dma_start3A_219] : memref<80x128xi32, #tpu.memory_space<vmem>> -> memref<1x128xi32, #tpu.memory_space<vmem>>
      %dma_start3A_221 = tpu.memref_squeeze %dma_start3A_220 : memref<1x128xi32, #tpu.memory_space<vmem>> -> memref<128xi32, #tpu.memory_space<vmem>>
      %dma_start3A_222 = arith.constant 0 : i32
      %dma_start3A_223 = arith.constant 0 : i32
      %dma_start3A_224 = tpu.memref_slice %arg2[%dma_start3A_222, %dma_start3A_223] : memref<10112x16xf32, #tpu.memory_space<hbm>> -> memref<10112x16xf32, #tpu.memory_space<hbm>>
      tpu.enqueue_indirect_dma source(%dma_start3A_224 : memref<10112x16xf32, #tpu.memory_space<hbm>>) target(%arg9 : memref<128x16xf32, #tpu.memory_space<vmem>>) offsets(%dma_start3A_221 : memref<128xi32, #tpu.memory_space<vmem>>) semaphore(%arg15 : memref<!tpu.dma_semaphore, #tpu.memory_space<semaphore_mem>>)
      %dma_wait3A_225 = arith.constant 0 : i32
      %dma_wait3A_226 = arith.constant 0 : i32
      %dma_wait3A_227 = tpu.memref_slice %arg7[%dma_wait3A_225, %dma_wait3A_226] : memref<80x128xi32, #tpu.memory_space<vmem>> -> memref<1x128xi32, #tpu.memory_space<vmem>>
      %dma_wait3A_228 = tpu.memref_squeeze %dma_wait3A_227 : memref<1x128xi32, #tpu.memory_space<vmem>> -> memref<128xi32, #tpu.memory_space<vmem>>
      %dma_wait3A_229 = arith.constant 0 : i32
      %dma_wait3A_230 = arith.constant 0 : i32
      %dma_wait3A_231 = tpu.memref_slice %arg13[%dma_wait3A_229, %dma_wait3A_230] : memref<10112x16xf32, #tpu.memory_space<vmem_shared>> -> memref<10112x16xf32, #tpu.memory_space<vmem_shared>>
      tpu.wait_indirect_dma semaphore(%arg20 : memref<!tpu.dma_semaphore, #tpu.memory_space<semaphore_mem>>) src(%arg10 : memref<128x16xf32, #tpu.memory_space<vmem>>) dst(%dma_wait3A_231 : memref<10112x16xf32, #tpu.memory_space<vmem_shared>>)
      %add3A_232 = arith.constant 4 : i32
      %add3A_233 = arith.addi %mul3A_130, %add3A_232 : i32
      %add3A_234 = arith.constant 2 : i32
      %add3A_235 = arith.addi %add3A_233, %add3A_234 : i32
      %dma_start3A_236 = arith.constant 0 : i32
      %dma_start3A_237 = tpu.memref_slice %arg6[%add3A_235, %dma_start3A_236] : memref<80x128xi32, #tpu.memory_space<vmem>> -> memref<1x128xi32, #tpu.memory_space<vmem>>
      %dma_start3A_238 = tpu.memref_squeeze %dma_start3A_237 : memref<1x128xi32, #tpu.memory_space<vmem>> -> memref<128xi32, #tpu.memory_space<vmem>>
      %dma_start3A_239 = arith.constant 0 : i32
      %dma_start3A_240 = arith.constant 0 : i32
      %dma_start3A_241 = tpu.memref_slice %arg2[%dma_start3A_239, %dma_start3A_240] : memref<10112x16xf32, #tpu.memory_space<hbm>> -> memref<10112x16xf32, #tpu.memory_space<hbm>>
      tpu.enqueue_indirect_dma source(%dma_start3A_241 : memref<10112x16xf32, #tpu.memory_space<hbm>>) target(%arg10 : memref<128x16xf32, #tpu.memory_space<vmem>>) offsets(%dma_start3A_238 : memref<128xi32, #tpu.memory_space<vmem>>) semaphore(%arg16 : memref<!tpu.dma_semaphore, #tpu.memory_space<semaphore_mem>>)
      %dma_wait3A_242 = arith.constant 0 : i32
      %dma_wait3A_243 = arith.constant 0 : i32
      %dma_wait3A_244 = tpu.memref_slice %arg7[%dma_wait3A_242, %dma_wait3A_243] : memref<80x128xi32, #tpu.memory_space<vmem>> -> memref<1x128xi32, #tpu.memory_space<vmem>>
      %dma_wait3A_245 = tpu.memref_squeeze %dma_wait3A_244 : memref<1x128xi32, #tpu.memory_space<vmem>> -> memref<128xi32, #tpu.memory_space<vmem>>
      %dma_wait3A_246 = arith.constant 0 : i32
      %dma_wait3A_247 = arith.constant 0 : i32
      %dma_wait3A_248 = tpu.memref_slice %arg13[%dma_wait3A_246, %dma_wait3A_247] : memref<10112x16xf32, #tpu.memory_space<vmem_shared>> -> memref<10112x16xf32, #tpu.memory_space<vmem_shared>>
      tpu.wait_indirect_dma semaphore(%arg21 : memref<!tpu.dma_semaphore, #tpu.memory_space<semaphore_mem>>) src(%arg11 : memref<128x16xf32, #tpu.memory_space<vmem>>) dst(%dma_wait3A_248 : memref<10112x16xf32, #tpu.memory_space<vmem_shared>>)
      %add3A_249 = arith.constant 4 : i32
      %add3A_250 = arith.addi %mul3A_130, %add3A_249 : i32
      %add3A_251 = arith.constant 3 : i32
      %add3A_252 = arith.addi %add3A_250, %add3A_251 : i32
      %dma_start3A_253 = arith.constant 0 : i32
      %dma_start3A_254 = tpu.memref_slice %arg6[%add3A_252, %dma_start3A_253] : memref<80x128xi32, #tpu.memory_space<vmem>> -> memref<1x128xi32, #tpu.memory_space<vmem>>
      %dma_start3A_255 = tpu.memref_squeeze %dma_start3A_254 : memref<1x128xi32, #tpu.memory_space<vmem>> -> memref<128xi32, #tpu.memory_space<vmem>>
      %dma_start3A_256 = arith.constant 0 : i32
      %dma_start3A_257 = arith.constant 0 : i32
      %dma_start3A_258 = tpu.memref_slice %arg2[%dma_start3A_256, %dma_start3A_257] : memref<10112x16xf32, #tpu.memory_space<hbm>> -> memref<10112x16xf32, #tpu.memory_space<hbm>>
      tpu.enqueue_indirect_dma source(%dma_start3A_258 : memref<10112x16xf32, #tpu.memory_space<hbm>>) target(%arg11 : memref<128x16xf32, #tpu.memory_space<vmem>>) offsets(%dma_start3A_255 : memref<128xi32, #tpu.memory_space<vmem>>) semaphore(%arg17 : memref<!tpu.dma_semaphore, #tpu.memory_space<semaphore_mem>>)
    }
    %scan3A_39 = arith.constant 19 : i32
    %dma_wait3A = arith.constant 0 : i32
    %dma_wait3A_40 = arith.constant 0 : i32
    %dma_wait3A_41 = tpu.memref_slice %arg6[%dma_wait3A, %dma_wait3A_40] : memref<80x128xi32, #tpu.memory_space<vmem>> -> memref<1x128xi32, #tpu.memory_space<vmem>>
    %dma_wait3A_42 = tpu.memref_squeeze %dma_wait3A_41 : memref<1x128xi32, #tpu.memory_space<vmem>> -> memref<128xi32, #tpu.memory_space<vmem>>
    %dma_wait3A_43 = arith.constant 0 : i32
    %dma_wait3A_44 = arith.constant 0 : i32
    %dma_wait3A_45 = tpu.memref_slice %arg2[%dma_wait3A_43, %dma_wait3A_44] : memref<10112x16xf32, #tpu.memory_space<hbm>> -> memref<10112x16xf32, #tpu.memory_space<hbm>>
    tpu.wait_indirect_dma semaphore(%arg14 : memref<!tpu.dma_semaphore, #tpu.memory_space<semaphore_mem>>) src(%dma_wait3A_45 : memref<10112x16xf32, #tpu.memory_space<hbm>>) dst(%arg8 : memref<128x16xf32, #tpu.memory_space<vmem>>)
    %dma_start3A_46 = arith.constant 76 : i32
    %dma_start3A_47 = arith.constant 0 : i32
    %dma_start3A_48 = tpu.memref_slice %arg7[%dma_start3A_46, %dma_start3A_47] : memref<80x128xi32, #tpu.memory_space<vmem>> -> memref<1x128xi32, #tpu.memory_space<vmem>>
    %dma_start3A_49 = tpu.memref_squeeze %dma_start3A_48 : memref<1x128xi32, #tpu.memory_space<vmem>> -> memref<128xi32, #tpu.memory_space<vmem>>
    %dma_start3A_50 = arith.constant 0 : i32
    %dma_start3A_51 = arith.constant 0 : i32
    %dma_start3A_52 = tpu.memref_slice %arg13[%dma_start3A_50, %dma_start3A_51] : memref<10112x16xf32, #tpu.memory_space<vmem_shared>> -> memref<10112x16xf32, #tpu.memory_space<vmem_shared>>
    tpu.enqueue_indirect_dma source(%arg8 : memref<128x16xf32, #tpu.memory_space<vmem>>) target(%dma_start3A_52 : memref<10112x16xf32, #tpu.memory_space<vmem_shared>>) offsets(%dma_start3A_49 : memref<128xi32, #tpu.memory_space<vmem>>) semaphore(%arg18 : memref<!tpu.dma_semaphore, #tpu.memory_space<semaphore_mem>>) {add = true}
    %dma_wait3A_53 = arith.constant 0 : i32
    %dma_wait3A_54 = arith.constant 0 : i32
    %dma_wait3A_55 = tpu.memref_slice %arg6[%dma_wait3A_53, %dma_wait3A_54] : memref<80x128xi32, #tpu.memory_space<vmem>> -> memref<1x128xi32, #tpu.memory_space<vmem>>
    %dma_wait3A_56 = tpu.memref_squeeze %dma_wait3A_55 : memref<1x128xi32, #tpu.memory_space<vmem>> -> memref<128xi32, #tpu.memory_space<vmem>>
    %dma_wait3A_57 = arith.constant 0 : i32
    %dma_wait3A_58 = arith.constant 0 : i32
    %dma_wait3A_59 = tpu.memref_slice %arg2[%dma_wait3A_57, %dma_wait3A_58] : memref<10112x16xf32, #tpu.memory_space<hbm>> -> memref<10112x16xf32, #tpu.memory_space<hbm>>
    tpu.wait_indirect_dma semaphore(%arg15 : memref<!tpu.dma_semaphore, #tpu.memory_space<semaphore_mem>>) src(%dma_wait3A_59 : memref<10112x16xf32, #tpu.memory_space<hbm>>) dst(%arg9 : memref<128x16xf32, #tpu.memory_space<vmem>>)
    %dma_start3A_60 = arith.constant 77 : i32
    %dma_start3A_61 = arith.constant 0 : i32
    %dma_start3A_62 = tpu.memref_slice %arg7[%dma_start3A_60, %dma_start3A_61] : memref<80x128xi32, #tpu.memory_space<vmem>> -> memref<1x128xi32, #tpu.memory_space<vmem>>
    %dma_start3A_63 = tpu.memref_squeeze %dma_start3A_62 : memref<1x128xi32, #tpu.memory_space<vmem>> -> memref<128xi32, #tpu.memory_space<vmem>>
    %dma_start3A_64 = arith.constant 0 : i32
    %dma_start3A_65 = arith.constant 0 : i32
    %dma_start3A_66 = tpu.memref_slice %arg13[%dma_start3A_64, %dma_start3A_65] : memref<10112x16xf32, #tpu.memory_space<vmem_shared>> -> memref<10112x16xf32, #tpu.memory_space<vmem_shared>>
    tpu.enqueue_indirect_dma source(%arg9 : memref<128x16xf32, #tpu.memory_space<vmem>>) target(%dma_start3A_66 : memref<10112x16xf32, #tpu.memory_space<vmem_shared>>) offsets(%dma_start3A_63 : memref<128xi32, #tpu.memory_space<vmem>>) semaphore(%arg19 : memref<!tpu.dma_semaphore, #tpu.memory_space<semaphore_mem>>) {add = true}
    %dma_wait3A_67 = arith.constant 0 : i32
    %dma_wait3A_68 = arith.constant 0 : i32
    %dma_wait3A_69 = tpu.memref_slice %arg6[%dma_wait3A_67, %dma_wait3A_68] : memref<80x128xi32, #tpu.memory_space<vmem>> -> memref<1x128xi32, #tpu.memory_space<vmem>>
    %dma_wait3A_70 = tpu.memref_squeeze %dma_wait3A_69 : memref<1x128xi32, #tpu.memory_space<vmem>> -> memref<128xi32, #tpu.memory_space<vmem>>
    %dma_wait3A_71 = arith.constant 0 : i32
    %dma_wait3A_72 = arith.constant 0 : i32
    %dma_wait3A_73 = tpu.memref_slice %arg2[%dma_wait3A_71, %dma_wait3A_72] : memref<10112x16xf32, #tpu.memory_space<hbm>> -> memref<10112x16xf32, #tpu.memory_space<hbm>>
    tpu.wait_indirect_dma semaphore(%arg16 : memref<!tpu.dma_semaphore, #tpu.memory_space<semaphore_mem>>) src(%dma_wait3A_73 : memref<10112x16xf32, #tpu.memory_space<hbm>>) dst(%arg10 : memref<128x16xf32, #tpu.memory_space<vmem>>)
    %dma_start3A_74 = arith.constant 78 : i32
    %dma_start3A_75 = arith.constant 0 : i32
    %dma_start3A_76 = tpu.memref_slice %arg7[%dma_start3A_74, %dma_start3A_75] : memref<80x128xi32, #tpu.memory_space<vmem>> -> memref<1x128xi32, #tpu.memory_space<vmem>>
    %dma_start3A_77 = tpu.memref_squeeze %dma_start3A_76 : memref<1x128xi32, #tpu.memory_space<vmem>> -> memref<128xi32, #tpu.memory_space<vmem>>
    %dma_start3A_78 = arith.constant 0 : i32
    %dma_start3A_79 = arith.constant 0 : i32
    %dma_start3A_80 = tpu.memref_slice %arg13[%dma_start3A_78, %dma_start3A_79] : memref<10112x16xf32, #tpu.memory_space<vmem_shared>> -> memref<10112x16xf32, #tpu.memory_space<vmem_shared>>
    tpu.enqueue_indirect_dma source(%arg10 : memref<128x16xf32, #tpu.memory_space<vmem>>) target(%dma_start3A_80 : memref<10112x16xf32, #tpu.memory_space<vmem_shared>>) offsets(%dma_start3A_77 : memref<128xi32, #tpu.memory_space<vmem>>) semaphore(%arg20 : memref<!tpu.dma_semaphore, #tpu.memory_space<semaphore_mem>>) {add = true}
    %dma_wait3A_81 = arith.constant 0 : i32
    %dma_wait3A_82 = arith.constant 0 : i32
    %dma_wait3A_83 = tpu.memref_slice %arg6[%dma_wait3A_81, %dma_wait3A_82] : memref<80x128xi32, #tpu.memory_space<vmem>> -> memref<1x128xi32, #tpu.memory_space<vmem>>
    %dma_wait3A_84 = tpu.memref_squeeze %dma_wait3A_83 : memref<1x128xi32, #tpu.memory_space<vmem>> -> memref<128xi32, #tpu.memory_space<vmem>>
    %dma_wait3A_85 = arith.constant 0 : i32
    %dma_wait3A_86 = arith.constant 0 : i32
    %dma_wait3A_87 = tpu.memref_slice %arg2[%dma_wait3A_85, %dma_wait3A_86] : memref<10112x16xf32, #tpu.memory_space<hbm>> -> memref<10112x16xf32, #tpu.memory_space<hbm>>
    tpu.wait_indirect_dma semaphore(%arg17 : memref<!tpu.dma_semaphore, #tpu.memory_space<semaphore_mem>>) src(%dma_wait3A_87 : memref<10112x16xf32, #tpu.memory_space<hbm>>) dst(%arg11 : memref<128x16xf32, #tpu.memory_space<vmem>>)
    %dma_start3A_88 = arith.constant 79 : i32
    %dma_start3A_89 = arith.constant 0 : i32
    %dma_start3A_90 = tpu.memref_slice %arg7[%dma_start3A_88, %dma_start3A_89] : memref<80x128xi32, #tpu.memory_space<vmem>> -> memref<1x128xi32, #tpu.memory_space<vmem>>
    %dma_start3A_91 = tpu.memref_squeeze %dma_start3A_90 : memref<1x128xi32, #tpu.memory_space<vmem>> -> memref<128xi32, #tpu.memory_space<vmem>>
    %dma_start3A_92 = arith.constant 0 : i32
    %dma_start3A_93 = arith.constant 0 : i32
    %dma_start3A_94 = tpu.memref_slice %arg13[%dma_start3A_92, %dma_start3A_93] : memref<10112x16xf32, #tpu.memory_space<vmem_shared>> -> memref<10112x16xf32, #tpu.memory_space<vmem_shared>>
    tpu.enqueue_indirect_dma source(%arg11 : memref<128x16xf32, #tpu.memory_space<vmem>>) target(%dma_start3A_94 : memref<10112x16xf32, #tpu.memory_space<vmem_shared>>) offsets(%dma_start3A_91 : memref<128xi32, #tpu.memory_space<vmem>>) semaphore(%arg21 : memref<!tpu.dma_semaphore, #tpu.memory_space<semaphore_mem>>) {add = true}
    %dma_wait3A_95 = arith.constant 0 : i32
    %dma_wait3A_96 = arith.constant 0 : i32
    %dma_wait3A_97 = tpu.memref_slice %arg7[%dma_wait3A_95, %dma_wait3A_96] : memref<80x128xi32, #tpu.memory_space<vmem>> -> memref<1x128xi32, #tpu.memory_space<vmem>>
    %dma_wait3A_98 = tpu.memref_squeeze %dma_wait3A_97 : memref<1x128xi32, #tpu.memory_space<vmem>> -> memref<128xi32, #tpu.memory_space<vmem>>
    %dma_wait3A_99 = arith.constant 0 : i32
    %dma_wait3A_100 = arith.constant 0 : i32
    %dma_wait3A_101 = tpu.memref_slice %arg13[%dma_wait3A_99, %dma_wait3A_100] : memref<10112x16xf32, #tpu.memory_space<vmem_shared>> -> memref<10112x16xf32, #tpu.memory_space<vmem_shared>>
    tpu.wait_indirect_dma semaphore(%arg18 : memref<!tpu.dma_semaphore, #tpu.memory_space<semaphore_mem>>) src(%arg8 : memref<128x16xf32, #tpu.memory_space<vmem>>) dst(%dma_wait3A_101 : memref<10112x16xf32, #tpu.memory_space<vmem_shared>>)
    %dma_wait3A_102 = arith.constant 0 : i32
    %dma_wait3A_103 = arith.constant 0 : i32
    %dma_wait3A_104 = tpu.memref_slice %arg7[%dma_wait3A_102, %dma_wait3A_103] : memref<80x128xi32, #tpu.memory_space<vmem>> -> memref<1x128xi32, #tpu.memory_space<vmem>>
    %dma_wait3A_105 = tpu.memref_squeeze %dma_wait3A_104 : memref<1x128xi32, #tpu.memory_space<vmem>> -> memref<128xi32, #tpu.memory_space<vmem>>
    %dma_wait3A_106 = arith.constant 0 : i32
    %dma_wait3A_107 = arith.constant 0 : i32
    %dma_wait3A_108 = tpu.memref_slice %arg13[%dma_wait3A_106, %dma_wait3A_107] : memref<10112x16xf32, #tpu.memory_space<vmem_shared>> -> memref<10112x16xf32, #tpu.memory_space<vmem_shared>>
    tpu.wait_indirect_dma semaphore(%arg19 : memref<!tpu.dma_semaphore, #tpu.memory_space<semaphore_mem>>) src(%arg9 : memref<128x16xf32, #tpu.memory_space<vmem>>) dst(%dma_wait3A_108 : memref<10112x16xf32, #tpu.memory_space<vmem_shared>>)
    %dma_wait3A_109 = arith.constant 0 : i32
    %dma_wait3A_110 = arith.constant 0 : i32
    %dma_wait3A_111 = tpu.memref_slice %arg7[%dma_wait3A_109, %dma_wait3A_110] : memref<80x128xi32, #tpu.memory_space<vmem>> -> memref<1x128xi32, #tpu.memory_space<vmem>>
    %dma_wait3A_112 = tpu.memref_squeeze %dma_wait3A_111 : memref<1x128xi32, #tpu.memory_space<vmem>> -> memref<128xi32, #tpu.memory_space<vmem>>
    %dma_wait3A_113 = arith.constant 0 : i32
    %dma_wait3A_114 = arith.constant 0 : i32
    %dma_wait3A_115 = tpu.memref_slice %arg13[%dma_wait3A_113, %dma_wait3A_114] : memref<10112x16xf32, #tpu.memory_space<vmem_shared>> -> memref<10112x16xf32, #tpu.memory_space<vmem_shared>>
    tpu.wait_indirect_dma semaphore(%arg20 : memref<!tpu.dma_semaphore, #tpu.memory_space<semaphore_mem>>) src(%arg10 : memref<128x16xf32, #tpu.memory_space<vmem>>) dst(%dma_wait3A_115 : memref<10112x16xf32, #tpu.memory_space<vmem_shared>>)
    %dma_wait3A_116 = arith.constant 0 : i32
    %dma_wait3A_117 = arith.constant 0 : i32
    %dma_wait3A_118 = tpu.memref_slice %arg7[%dma_wait3A_116, %dma_wait3A_117] : memref<80x128xi32, #tpu.memory_space<vmem>> -> memref<1x128xi32, #tpu.memory_space<vmem>>
    %dma_wait3A_119 = tpu.memref_squeeze %dma_wait3A_118 : memref<1x128xi32, #tpu.memory_space<vmem>> -> memref<128xi32, #tpu.memory_space<vmem>>
    %dma_wait3A_120 = arith.constant 0 : i32
    %dma_wait3A_121 = arith.constant 0 : i32
    %dma_wait3A_122 = tpu.memref_slice %arg13[%dma_wait3A_120, %dma_wait3A_121] : memref<10112x16xf32, #tpu.memory_space<vmem_shared>> -> memref<10112x16xf32, #tpu.memory_space<vmem_shared>>
    tpu.wait_indirect_dma semaphore(%arg21 : memref<!tpu.dma_semaphore, #tpu.memory_space<semaphore_mem>>) src(%arg11 : memref<128x16xf32, #tpu.memory_space<vmem>>) dst(%dma_wait3A_122 : memref<10112x16xf32, #tpu.memory_space<vmem_shared>>)
    %barrier3A_123 = arith.constant 0 : index
    tpu.barrier barrier_id(%barrier3A_123)
    "tpu.region"() ({
      %run_scoped3A = tpu.sem_alloc : memref<!tpu.dma_semaphore, #tpu.memory_space<semaphore_mem>>
      %dma_start3A_124 = arith.constant 0 : i32
      %dma_start3A_125 = tpu.memref_slice %arg5[%arg0, %mul3A_7, %dma_start3A_124] : memref<2x10112x16xf32, #tpu.memory_space<hbm>> -> memref<1x632x16xf32, #tpu.memory_space<hbm>>
      %dma_start3A_126 = tpu.memref_squeeze %dma_start3A_125 : memref<1x632x16xf32, #tpu.memory_space<hbm>> -> memref<632x16xf32, #tpu.memory_space<hbm>>
      %dma_start3A_127 = arith.constant 0 : i32
      %dma_start3A_128 = tpu.memref_slice %arg13[%mul3A_7, %dma_start3A_127] : memref<10112x16xf32, #tpu.memory_space<vmem_shared>> -> memref<632x16xf32, #tpu.memory_space<vmem_shared>>
      tpu.enqueue_dma source(%dma_start3A_128 : memref<632x16xf32, #tpu.memory_space<vmem_shared>>) target(%dma_start3A_126 : memref<632x16xf32, #tpu.memory_space<hbm>>) target_semaphore(%run_scoped3A : memref<!tpu.dma_semaphore, #tpu.memory_space<semaphore_mem>>)
      %dma_wait3A_129 = arith.constant 0 : i32
      %dma_wait3A_130 = tpu.memref_slice %arg5[%arg0, %mul3A_7, %dma_wait3A_129] : memref<2x10112x16xf32, #tpu.memory_space<hbm>> -> memref<1x632x16xf32, #tpu.memory_space<hbm>>
      %dma_wait3A_131 = tpu.memref_squeeze %dma_wait3A_130 : memref<1x632x16xf32, #tpu.memory_space<hbm>> -> memref<632x16xf32, #tpu.memory_space<hbm>>
      %dma_wait3A_132 = arith.constant 0 : i32
      %dma_wait3A_133 = tpu.memref_slice %arg13[%mul3A_7, %dma_wait3A_132] : memref<10112x16xf32, #tpu.memory_space<vmem_shared>> -> memref<632x16xf32, #tpu.memory_space<vmem_shared>>
      tpu.wait_dma2 semaphore(%run_scoped3A : memref<!tpu.dma_semaphore, #tpu.memory_space<semaphore_mem>>) src(%dma_wait3A_133 : memref<632x16xf32, #tpu.memory_space<vmem_shared>>) dst(%dma_wait3A_131 : memref<632x16xf32, #tpu.memory_space<hbm>>)
      tpu.yield
    }) : () -> ()
    return
  }
}

module attributes {stable_mosaic.version = 14 : i64} {
  func.func @_mm1_body(%arg0: i32, %arg1: memref<1264x128xf32, #tpu.memory_space<vmem>>, %arg2: memref<128x16xf32, #tpu.memory_space<vmem>>, %arg3: memref<2x1264x16xf32, #tpu.memory_space<vmem>>, %arg4: memref<1264x16xf32, #tpu.memory_space<vmem>>) attributes {dimension_semantics = [#tpu.dimension_semantics<arbitrary>], iteration_bounds = array<i64: 8>, scalar_prefetch = 0 : i64, scratch_operands = 0 : i64, tpu.core_type = #tpu.core_type<tc>, window_params = [{transform_indices = @transform_0, window_bounds = array<i64: 1264, 128>}, {pipeline_mode = #tpu.pipeline_mode<synchronous>, transform_indices = @transform_1, window_bounds = array<i64: 128, 16>}, {transform_indices = @transform_2, window_bounds = array<i64: 2, 1264, 16>}, {transform_indices = @transform_3, window_bounds = array<i64: 1264, 16>}]} {
    %get3A = arith.constant 0 : index
    %get3A_0 = arith.constant 0 : index
    %get3A_1 = arith.constant 0 : index
    %get3A_2 = vector.load %arg3[%get3A, %get3A_0, %get3A_1] : memref<2x1264x16xf32, #tpu.memory_space<vmem>>, vector<1x1264x16xf32>
    %get3A_3 = vector.shape_cast %get3A_2 : vector<1x1264x16xf32> to vector<1264x16xf32>
    %get3A_4 = arith.constant 1 : index
    %get3A_5 = arith.constant 0 : index
    %get3A_6 = arith.constant 0 : index
    %get3A_7 = vector.load %arg3[%get3A_4, %get3A_5, %get3A_6] : memref<2x1264x16xf32, #tpu.memory_space<vmem>>, vector<1x1264x16xf32>
    %get3A_8 = vector.shape_cast %get3A_7 : vector<1x1264x16xf32> to vector<1264x16xf32>
    %add3A = arith.addf %get3A_3, %get3A_8 : vector<1264x16xf32>
    %max3A = arith.constant 1.000000e+00 : f32
    %max3A_9 = vector.broadcast %max3A : f32 to vector<1264x16xf32>
    %max3A_10 = arith.maximumf %add3A, %max3A_9 : vector<1264x16xf32>
    %rsqrt3A = math.rsqrt %max3A_10 : vector<1264x16xf32>
    %get3A_11 = arith.constant 0 : index
    %get3A_12 = arith.constant 0 : index
    %get3A_13 = vector.load %arg1[%get3A_11, %get3A_12] : memref<1264x128xf32, #tpu.memory_space<vmem>>, vector<1264x128xf32>
    %get3A_14 = arith.constant 0 : index
    %get3A_15 = arith.constant 0 : index
    %get3A_16 = vector.load %arg2[%get3A_14, %get3A_15] : memref<128x16xf32, #tpu.memory_space<vmem>>, vector<128x16xf32>
    %dot_general3A = arith.constant dense<0.000000e+00> : vector<1264x16xf32>
    %dot_general3A_17 = tpu.matmul %get3A_13, %get3A_16, %dot_general3A {dimension_numbers = #tpu.dot_dimension_numbers<[1], [0], [0], [1], [0, 0, 1, 1], [], []>, transpose_lhs_hint = false} : vector<1264x128xf32>, vector<128x16xf32>, vector<1264x16xf32> -> vector<1264x16xf32>
    %mul3A = arith.mulf %dot_general3A_17, %rsqrt3A : vector<1264x16xf32>
    %swap3A = arith.constant 0 : index
    %swap3A_18 = arith.constant 0 : index
    %swap3A_19 = vector.load %arg4[%swap3A, %swap3A_18] : memref<1264x16xf32, #tpu.memory_space<vmem>>, vector<1264x16xf32>
    tpu.vector_store %arg4[%swap3A, %swap3A_18], %mul3A {strides = array<i32>} : memref<1264x16xf32, #tpu.memory_space<vmem>>, vector<1264x16xf32>,
    return
  }
  func.func @transform_0(%arg0: i32) -> (i32, i32) {
    %c0_i32 = arith.constant 0 : i32
    %c0_i32_0 = arith.constant 0 : i32
    return %arg0, %c0_i32 : i32, i32
  }
  func.func @transform_1(%arg0: i32) -> (i32, i32) {
    %c0_i32 = arith.constant 0 : i32
    %c0_i32_0 = arith.constant 0 : i32
    %c0_i32_1 = arith.constant 0 : i32
    return %c0_i32, %c0_i32_0 : i32, i32
  }
  func.func @transform_2(%arg0: i32) -> (i32, i32, i32) {
    %c0_i32 = arith.constant 0 : i32
    %c0_i32_0 = arith.constant 0 : i32
    %c0_i32_1 = arith.constant 0 : i32
    return %c0_i32, %arg0, %c0_i32_0 : i32, i32, i32
  }
  func.func @transform_3(%arg0: i32) -> (i32, i32) {
    %c0_i32 = arith.constant 0 : i32
    %c0_i32_0 = arith.constant 0 : i32
    return %arg0, %c0_i32 : i32, i32
  }
}

module attributes {stable_mosaic.version = 14 : i64} {
  func.func @_mid_body(%arg0: i32, %arg1: memref<2x1264x16xf32, #tpu.memory_space<vmem>>, %arg2: memref<2x1264x16xf32, #tpu.memory_space<vmem>>, %arg3: memref<2x1264x16xf32, #tpu.memory_space<vmem>>, %arg4: memref<1x16xf32, #tpu.memory_space<vmem>>, %arg5: memref<1264x16xf32, #tpu.memory_space<vmem>>) attributes {dimension_semantics = [#tpu.dimension_semantics<arbitrary>], iteration_bounds = array<i64: 8>, scalar_prefetch = 0 : i64, scratch_operands = 0 : i64, tpu.core_type = #tpu.core_type<tc>, window_params = [{transform_indices = @transform_0, window_bounds = array<i64: 2, 1264, 16>}, {transform_indices = @transform_1, window_bounds = array<i64: 2, 1264, 16>}, {transform_indices = @transform_2, window_bounds = array<i64: 2, 1264, 16>}, {pipeline_mode = #tpu.pipeline_mode<synchronous>, transform_indices = @transform_3, window_bounds = array<i64: 1, 16>}, {transform_indices = @transform_4, window_bounds = array<i64: 1264, 16>}]} {
    %get3A = arith.constant 0 : index
    %get3A_0 = arith.constant 0 : index
    %get3A_1 = arith.constant 0 : index
    %get3A_2 = vector.load %arg1[%get3A, %get3A_0, %get3A_1] : memref<2x1264x16xf32, #tpu.memory_space<vmem>>, vector<1x1264x16xf32>
    %get3A_3 = vector.shape_cast %get3A_2 : vector<1x1264x16xf32> to vector<1264x16xf32>
    %get3A_4 = arith.constant 1 : index
    %get3A_5 = arith.constant 0 : index
    %get3A_6 = arith.constant 0 : index
    %get3A_7 = vector.load %arg1[%get3A_4, %get3A_5, %get3A_6] : memref<2x1264x16xf32, #tpu.memory_space<vmem>>, vector<1x1264x16xf32>
    %get3A_8 = vector.shape_cast %get3A_7 : vector<1x1264x16xf32> to vector<1264x16xf32>
    %add3A = arith.addf %get3A_3, %get3A_8 : vector<1264x16xf32>
    %get3A_9 = arith.constant 0 : index
    %get3A_10 = arith.constant 0 : index
    %get3A_11 = arith.constant 0 : index
    %get3A_12 = vector.load %arg2[%get3A_9, %get3A_10, %get3A_11] : memref<2x1264x16xf32, #tpu.memory_space<vmem>>, vector<1x1264x16xf32>
    %get3A_13 = vector.shape_cast %get3A_12 : vector<1x1264x16xf32> to vector<1264x16xf32>
    %get3A_14 = arith.constant 1 : index
    %get3A_15 = arith.constant 0 : index
    %get3A_16 = arith.constant 0 : index
    %get3A_17 = vector.load %arg2[%get3A_14, %get3A_15, %get3A_16] : memref<2x1264x16xf32, #tpu.memory_space<vmem>>, vector<1x1264x16xf32>
    %get3A_18 = vector.shape_cast %get3A_17 : vector<1x1264x16xf32> to vector<1264x16xf32>
    %add3A_19 = arith.addf %get3A_13, %get3A_18 : vector<1264x16xf32>
    %max3A = arith.constant 1.000000e+00 : f32
    %max3A_20 = vector.broadcast %max3A : f32 to vector<1264x16xf32>
    %max3A_21 = arith.maximumf %add3A_19, %max3A_20 : vector<1264x16xf32>
    %rsqrt3A = math.rsqrt %max3A_21 : vector<1264x16xf32>
    %get3A_22 = arith.constant 0 : index
    %get3A_23 = arith.constant 0 : index
    %get3A_24 = arith.constant 0 : index
    %get3A_25 = vector.load %arg3[%get3A_22, %get3A_23, %get3A_24] : memref<2x1264x16xf32, #tpu.memory_space<vmem>>, vector<1x1264x16xf32>
    %get3A_26 = vector.shape_cast %get3A_25 : vector<1x1264x16xf32> to vector<1264x16xf32>
    %get3A_27 = arith.constant 1 : index
    %get3A_28 = arith.constant 0 : index
    %get3A_29 = arith.constant 0 : index
    %get3A_30 = vector.load %arg3[%get3A_27, %get3A_28, %get3A_29] : memref<2x1264x16xf32, #tpu.memory_space<vmem>>, vector<1x1264x16xf32>
    %get3A_31 = vector.shape_cast %get3A_30 : vector<1x1264x16xf32> to vector<1264x16xf32>
    %add3A_32 = arith.addf %get3A_26, %get3A_31 : vector<1264x16xf32>
    %max3A_33 = arith.constant 1.000000e+00 : f32
    %max3A_34 = vector.broadcast %max3A_33 : f32 to vector<1264x16xf32>
    %max3A_35 = arith.maximumf %add3A_32, %max3A_34 : vector<1264x16xf32>
    %rsqrt3A_36 = math.rsqrt %max3A_35 : vector<1264x16xf32>
    %mul3A = arith.mulf %add3A, %rsqrt3A : vector<1264x16xf32>
    %get3A_37 = arith.constant 0 : index
    %get3A_38 = arith.constant 0 : index
    %get3A_39 = vector.load %arg4[%get3A_37, %get3A_38] : memref<1x16xf32, #tpu.memory_space<vmem>>, vector<1x16xf32>
    %add3A_40 = vector.broadcast %get3A_39 : vector<1x16xf32> to vector<1264x16xf32>
    %add3A_41 = arith.addf %mul3A, %add3A_40 : vector<1264x16xf32>
    %max3A_42 = arith.constant 0.000000e+00 : f32
    %max3A_43 = vector.broadcast %max3A_42 : f32 to vector<1264x16xf32>
    %max3A_44 = arith.maximumf %add3A_41, %max3A_43 : vector<1264x16xf32>
    %mul3A_45 = arith.mulf %max3A_44, %rsqrt3A_36 : vector<1264x16xf32>
    %swap3A = arith.constant 0 : index
    %swap3A_46 = arith.constant 0 : index
    %swap3A_47 = vector.load %arg5[%swap3A, %swap3A_46] : memref<1264x16xf32, #tpu.memory_space<vmem>>, vector<1264x16xf32>
    tpu.vector_store %arg5[%swap3A, %swap3A_46], %mul3A_45 {strides = array<i32>} : memref<1264x16xf32, #tpu.memory_space<vmem>>, vector<1264x16xf32>,
    return
  }
  func.func @transform_0(%arg0: i32) -> (i32, i32, i32) {
    %c0_i32 = arith.constant 0 : i32
    %c0_i32_0 = arith.constant 0 : i32
    %c0_i32_1 = arith.constant 0 : i32
    return %c0_i32, %arg0, %c0_i32_0 : i32, i32, i32
  }
  func.func @transform_1(%arg0: i32) -> (i32, i32, i32) {
    %c0_i32 = arith.constant 0 : i32
    %c0_i32_0 = arith.constant 0 : i32
    %c0_i32_1 = arith.constant 0 : i32
    return %c0_i32, %arg0, %c0_i32_0 : i32, i32, i32
  }
  func.func @transform_2(%arg0: i32) -> (i32, i32, i32) {
    %c0_i32 = arith.constant 0 : i32
    %c0_i32_0 = arith.constant 0 : i32
    %c0_i32_1 = arith.constant 0 : i32
    return %c0_i32, %arg0, %c0_i32_0 : i32, i32, i32
  }
  func.func @transform_3(%arg0: i32) -> (i32, i32) {
    %c0_i32 = arith.constant 0 : i32
    %c0_i32_0 = arith.constant 0 : i32
    %c0_i32_1 = arith.constant 0 : i32
    return %c0_i32, %c0_i32_0 : i32, i32
  }
  func.func @transform_4(%arg0: i32) -> (i32, i32) {
    %c0_i32 = arith.constant 0 : i32
    %c0_i32_0 = arith.constant 0 : i32
    return %arg0, %c0_i32 : i32, i32
  }
}

module attributes {stable_mosaic.version = 14 : i64} {
  func.func @_out_body(%arg0: i32, %arg1: memref<2x1264x16xf32, #tpu.memory_space<vmem>>, %arg2: memref<2x1264x16xf32, #tpu.memory_space<vmem>>, %arg3: memref<16x128xf32, #tpu.memory_space<vmem>>, %arg4: memref<1x128xf32, #tpu.memory_space<vmem>>, %arg5: memref<1264x128xf32, #tpu.memory_space<vmem>>) attributes {dimension_semantics = [#tpu.dimension_semantics<arbitrary>], iteration_bounds = array<i64: 8>, scalar_prefetch = 0 : i64, scratch_operands = 0 : i64, tpu.core_type = #tpu.core_type<tc>, window_params = [{transform_indices = @transform_0, window_bounds = array<i64: 2, 1264, 16>}, {transform_indices = @transform_1, window_bounds = array<i64: 2, 1264, 16>}, {pipeline_mode = #tpu.pipeline_mode<synchronous>, transform_indices = @transform_2, window_bounds = array<i64: 16, 128>}, {pipeline_mode = #tpu.pipeline_mode<synchronous>, transform_indices = @transform_3, window_bounds = array<i64: 1, 128>}, {transform_indices = @transform_4, window_bounds = array<i64: 1264, 128>}]} {
    %get3A = arith.constant 0 : index
    %get3A_0 = arith.constant 0 : index
    %get3A_1 = arith.constant 0 : index
    %get3A_2 = vector.load %arg1[%get3A, %get3A_0, %get3A_1] : memref<2x1264x16xf32, #tpu.memory_space<vmem>>, vector<1x1264x16xf32>
    %get3A_3 = vector.shape_cast %get3A_2 : vector<1x1264x16xf32> to vector<1264x16xf32>
    %get3A_4 = arith.constant 1 : index
    %get3A_5 = arith.constant 0 : index
    %get3A_6 = arith.constant 0 : index
    %get3A_7 = vector.load %arg1[%get3A_4, %get3A_5, %get3A_6] : memref<2x1264x16xf32, #tpu.memory_space<vmem>>, vector<1x1264x16xf32>
    %get3A_8 = vector.shape_cast %get3A_7 : vector<1x1264x16xf32> to vector<1264x16xf32>
    %add3A = arith.addf %get3A_3, %get3A_8 : vector<1264x16xf32>
    %get3A_9 = arith.constant 0 : index
    %get3A_10 = arith.constant 0 : index
    %get3A_11 = arith.constant 0 : index
    %get3A_12 = vector.load %arg2[%get3A_9, %get3A_10, %get3A_11] : memref<2x1264x16xf32, #tpu.memory_space<vmem>>, vector<1x1264x16xf32>
    %get3A_13 = vector.shape_cast %get3A_12 : vector<1x1264x16xf32> to vector<1264x16xf32>
    %get3A_14 = arith.constant 1 : index
    %get3A_15 = arith.constant 0 : index
    %get3A_16 = arith.constant 0 : index
    %get3A_17 = vector.load %arg2[%get3A_14, %get3A_15, %get3A_16] : memref<2x1264x16xf32, #tpu.memory_space<vmem>>, vector<1x1264x16xf32>
    %get3A_18 = vector.shape_cast %get3A_17 : vector<1x1264x16xf32> to vector<1264x16xf32>
    %add3A_19 = arith.addf %get3A_13, %get3A_18 : vector<1264x16xf32>
    %max3A = arith.constant 1.000000e+00 : f32
    %max3A_20 = vector.broadcast %max3A : f32 to vector<1264x16xf32>
    %max3A_21 = arith.maximumf %add3A_19, %max3A_20 : vector<1264x16xf32>
    %rsqrt3A = math.rsqrt %max3A_21 : vector<1264x16xf32>
    %slice3A = vector.extract_strided_slice %rsqrt3A {offsets = [0, 0], sizes = [1264, 1], strides = [1, 1]} : vector<1264x16xf32> to vector<1264x1xf32>
    %get3A_22 = arith.constant 0 : index
    %get3A_23 = arith.constant 0 : index
    %get3A_24 = vector.load %arg3[%get3A_22, %get3A_23] : memref<16x128xf32, #tpu.memory_space<vmem>>, vector<16x128xf32>
    %dot_general3A = arith.constant dense<0.000000e+00> : vector<1264x128xf32>
    %dot_general3A_25 = tpu.matmul %add3A, %get3A_24, %dot_general3A {dimension_numbers = #tpu.dot_dimension_numbers<[1], [0], [0], [1], [0, 0, 1, 1], [], []>, transpose_lhs_hint = false} : vector<1264x16xf32>, vector<16x128xf32>, vector<1264x128xf32> -> vector<1264x128xf32>
    %mul3A = vector.broadcast %slice3A : vector<1264x1xf32> to vector<1264x128xf32>
    %mul3A_26 = arith.mulf %dot_general3A_25, %mul3A : vector<1264x128xf32>
    %get3A_27 = arith.constant 0 : index
    %get3A_28 = arith.constant 0 : index
    %get3A_29 = vector.load %arg4[%get3A_27, %get3A_28] : memref<1x128xf32, #tpu.memory_space<vmem>>, vector<1x128xf32>
    %add3A_30 = vector.broadcast %get3A_29 : vector<1x128xf32> to vector<1264x128xf32>
    %add3A_31 = arith.addf %mul3A_26, %add3A_30 : vector<1264x128xf32>
    %swap3A = arith.constant 0 : index
    %swap3A_32 = arith.constant 0 : index
    %swap3A_33 = vector.load %arg5[%swap3A, %swap3A_32] : memref<1264x128xf32, #tpu.memory_space<vmem>>, vector<1264x128xf32>
    tpu.vector_store %arg5[%swap3A, %swap3A_32], %add3A_31 {strides = array<i32>} : memref<1264x128xf32, #tpu.memory_space<vmem>>, vector<1264x128xf32>,
    return
  }
  func.func @transform_0(%arg0: i32) -> (i32, i32, i32) {
    %c0_i32 = arith.constant 0 : i32
    %c0_i32_0 = arith.constant 0 : i32
    %c0_i32_1 = arith.constant 0 : i32
    return %c0_i32, %arg0, %c0_i32_0 : i32, i32, i32
  }
  func.func @transform_1(%arg0: i32) -> (i32, i32, i32) {
    %c0_i32 = arith.constant 0 : i32
    %c0_i32_0 = arith.constant 0 : i32
    %c0_i32_1 = arith.constant 0 : i32
    return %c0_i32, %arg0, %c0_i32_0 : i32, i32, i32
  }
  func.func @transform_2(%arg0: i32) -> (i32, i32) {
    %c0_i32 = arith.constant 0 : i32
    %c0_i32_0 = arith.constant 0 : i32
    %c0_i32_1 = arith.constant 0 : i32
    return %c0_i32, %c0_i32_0 : i32, i32
  }
  func.func @transform_3(%arg0: i32) -> (i32, i32) {
    %c0_i32 = arith.constant 0 : i32
    %c0_i32_0 = arith.constant 0 : i32
    %c0_i32_1 = arith.constant 0 : i32
    return %c0_i32, %c0_i32_0 : i32, i32
  }
  func.func @transform_4(%arg0: i32) -> (i32, i32) {
    %c0_i32 = arith.constant 0 : i32
    %c0_i32_0 = arith.constant 0 : i32
    return %arg0, %c0_i32 : i32, i32
  }
}

</mosaic_0001>

<sc_bundles>
// kernel: kernel.11.cloned.1.call-start
scs
__scs_entry_jumppad:
0x0: {  	(pc) =	sbr.rel $0x88, $3  }
0x1: {  	(tag) =	ssettag $0x0;
	lr =	simm.s32 $0x1  }
0x2: {  	[smem:$0x3F9B] =	sst lr;
	_ =	strace $0xD0000000  }
0x3: {  	_ = 	snop  }
0x4: {  	_ = 	snop  }
0x5: {  	_ = 	snop  }
0x6: {  	_ = 	snop  }
0x7: {  	_ = 	snop  }
__scs_overlays_trampoline_lowered:
0x8: {  	[smem:$0x3FAA] =	sst s0  }
0x9: {  	[smem:$0x3FAB] =	sst s1  }
0xa: {  	[smem:$0x3FAC] =	sst s2  }
0xb: {  	[smem:$0x3FAD] =	sst s3  }
0xc: {  	[smem:$0x3FAE] =	sst s4  }
0xd: {  	[smem:$0x3FAF] =	sst s5  }
0xe: {  	[smem:$0x3FB0] =	sst s6  }
0xf: {  	[smem:$0x3FB1] =	sst s7  }
0x10: {  	[smem:$0x3FB2] =	sst s8  }
0x11: {  	[smem:$0x3FB3] =	sst s9;
	s0 =	simm.s32 @!p0 $0x0  }
0x12: {  	s1 =	sld [smem:$0x3F99];
	s0 =	simm.s32 @p0 $0x1  }
0x13: {  	[smem:$0x3FB4] =	sst s0;
	s0 =	simm.s32 @!p1 $0x0  }
0x14: {  	s2 =	sld [smem:$0x3F98];
	s0 =	simm.s32 @p1 $0x1  }
0x15: {  	[smem:$0x3FB5] =	sst s0;
	s0 =	simm.s32 @!p2 $0x0  }
0x16: {  	s3 =	sld [smem:$0x3FDB];
	s0 =	simm.s32 @p2 $0x1  }
0x17: {  	s4 =	simm.s32 $0x1BF5;
	[smem:$0x3FB7] =	sst s0  }
0x18: {  	s0 =	sld [smem:$0x3F9A];
	_ =	swait.ge [sflag:s4], $0x0  }
0x19: {  	s7 =	sld [smem:$0x3F9B]  }
0x1a: {  	s8 =	sadd.s32 $0xFFFFE003, lr  }
0x1b: {  	s9 =	sadd.s32 $0xFFFFFEF7, lr;
	s5 =	simm.s32 $0xFFFFFFFF;
	p2 =	slt.u32 s8, $0xFFFFF086  }
0x1c: {  	p1 =	slt.u32 s9, $0xF7A;
	s5 =	simm.s32 @!p2 $0x0  }
0x1d: {  	s5 =	simm.s32 @p1 $0x1;
	p0 =	seq.s32 s7, s2  }
0x1e: {  	s7 =	smul.u32 @!p0 $0xF7A, s2;
	p2 =	seq.s32 @!p0 s5, $0x0  }
0x1f: {  	s9 =	smul.u32 $0xF7A, s1;
	s8 =	simm.s32 @!p0 $0x1BF5;
	p2 =	por !p2, p0  }
0x20: {  	[sflag:s8] =	ssyncset.s32 @!p0 $0xFFFFF086;
	s6 =	sadd.s32 @!p0 s3, s7;
	s7 =	simm.s32 @!p0 $0x108  }
0x21: {  	s3 =	sadd.s32 s3, s9;
	s6 =	sadd.s32 @!p0 $0x88, s6;
	s7 =	simm.s32 @p2 $0x1082  }
0x22: {  	[simem:s7], [sflag:s8] =	dma.local @!p0 [hbm:s6], $0xF7A  }
0x23: {  	s9 =	sor.u32 $0xD0000000, s2;
	s6 =	simm.s32 $0x108;
	_ =	swait.ge @!p0 [sflag:s8], $0x0  }
0x24: {  	s3 =	sadd.s32 $0x88, s3;
	s6 =	simm.s32 @!p1 $0x1082;
	[sflag:s4] =	ssyncset.s32 $0xFFFFF086  }
0x25: {  	[simem:s6], [sflag:s4] =	dma.local [hbm:s3], $0xF7A  }
0x26: {  	[smem:$0x3F9B] =	sst s1;
	(tag) =	ssettag s2;
	_ =	strace s9  }
0x27: {  	s1 =	sld [smem:$0x3FAB]  }
0x28: {  	s2 =	sld [smem:$0x3FAC]  }
0x29: {  	s4 =	sld [smem:$0x3FAE]  }
0x2a: {  	p0 =	seq.s32 s5, $0x0;
	s5 =	sld [smem:$0x3FAF]  }
0x2b: {  	s6 =	sld [smem:$0x3FB0]  }
0x2c: {  	s7 =	sld [smem:$0x3FB1]  }
0x2d: {  	s3 =	simm.s32 $0x108;
	s8 =	sld [smem:$0x3FB2]  }
0x2e: {  	s3 =	simm.s32 @!p0 $0x1082;
	s9 =	sld [smem:$0x3FB3]  }
0x2f: {  	lr =	sadd.s32 s0, s3;
	s0 =	sld [smem:$0x3FAA]  }
0x30: {  	s3 =	sld [smem:$0x3FAD]  }
0x31: {  	[smem:$0x3FB6] =	sst s10  }
0x32: {  	s10 =	sld [smem:$0x3FB4];
	_ =	sdelay $0x3  }
0x33: {  	p0 =	seq.s32 s10, $0x1;
	s10 =	sld [smem:$0x3FB6];
	_ =	sdelay $0x3  }
0x34: {  	[smem:$0x3FB6] =	sst s10  }
0x35: {  	s10 =	sld [smem:$0x3FB5];
	_ =	sdelay $0x3  }
0x36: {  	p1 =	seq.s32 s10, $0x1;
	s10 =	sld [smem:$0x3FB6];
	_ =	sdelay $0x3  }
0x37: {  	[smem:$0x3FB6] =	sst s10  }
0x38: {  	s10 =	sld [smem:$0x3FB7]  }
0x39: {  	_ = 	snop;
	(pc) =	sbr.ind lr, $3  }
0x3a: {  	_ = 	snop  }
0x3b: {  	_ = 	snop  }
0x3c: {  	p2 =	seq.s32 s10, $0x1;
	s10 =	sld [smem:$0x3FB6]  }
0x3d: {  	_ =	shalt  }
0x3e: {  	_ =	shalt  }
0x3f: {  	_ =	shalt  }
0x40: {  	_ =	shalt  }
0x41: {  	_ =	shalt  }
0x42: {  	_ =	shalt  }
0x43: {  	_ =	shalt  }
0x44: {  	_ =	shalt  }
0x45: {  	_ =	shalt  }
0x46: {  	_ =	shalt  }
0x47: {  	_ =	shalt  }
0x48: {  	_ =	shalt  }
0x49: {  	_ =	shalt  }
0x4a: {  	_ =	shalt  }
0x4b: {  	_ =	shalt  }
0x4c: {  	_ =	shalt  }
0x4d: {  	_ =	shalt  }
0x4e: {  	_ =	shalt  }
0x4f: {  	_ =	shalt  }
0x50: {  	_ =	shalt  }
0x51: {  	_ =	shalt  }
0x52: {  	_ =	shalt  }
0x53: {  	_ =	shalt  }
0x54: {  	_ =	shalt  }
0x55: {  	_ =	shalt  }
0x56: {  	_ =	shalt  }
0x57: {  	_ =	shalt  }
0x58: {  	_ =	shalt  }
0x59: {  	_ =	shalt  }
0x5a: {  	_ =	shalt  }
0x5b: {  	_ =	shalt  }
0x5c: {  	_ =	shalt  }
0x5d: {  	_ =	shalt  }
0x5e: {  	_ =	shalt  }
0x5f: {  	_ =	shalt  }
0x60: {  	_ =	shalt  }
0x61: {  	_ =	shalt  }
0x62: {  	_ =	shalt  }
0x63: {  	_ =	shalt  }
0x64: {  	_ =	shalt  }
0x65: {  	_ =	shalt  }
0x66: {  	_ =	shalt  }
0x67: {  	_ =	shalt  }
0x68: {  	_ =	shalt  }
0x69: {  	_ =	shalt  }
0x6a: {  	_ =	shalt  }
0x6b: {  	_ =	shalt  }
0x6c: {  	_ =	shalt  }
0x6d: {  	_ =	shalt  }
0x6e: {  	_ =	shalt  }
0x6f: {  	_ =	shalt  }
0x70: {  	_ =	shalt  }
0x71: {  	_ =	shalt  }
0x72: {  	_ =	shalt  }
0x73: {  	_ =	shalt  }
0x74: {  	_ =	shalt  }
0x75: {  	_ =	shalt  }
0x76: {  	_ =	shalt  }
0x77: {  	_ =	shalt  }
0x78: {  	_ =	shalt  }
0x79: {  	_ =	shalt  }
0x7a: {  	_ =	shalt  }
0x7b: {  	_ =	shalt  }
0x7c: {  	_ =	shalt  }
0x7d: {  	_ =	shalt  }
0x7e: {  	_ =	shalt  }
0x7f: {  	_ =	shalt  }
0x80: {  	_ =	shalt  }
0x81: {  	_ =	shalt  }
0x82: {  	_ =	shalt  }
0x83: {  	_ =	shalt  }
0x84: {  	_ =	shalt  }
0x85: {  	_ =	shalt  }
0x86: {  	_ =	shalt  }
0x87: {  	_ =	shalt  }
.Lfunc_end0:
.L_simem_size_0:
called_computation.1_lowered:
.L_overlay_start_0:
0x88: {  	s2 =	sld [smem:$0x3FD9]  }
0x89: {  	s3 =	sld [smem:$0x3FFE];
	_ =	sdelay $0x1  }
0x8a: {  	s1 =	srdreg.scid  }
0x8b: {  	s0 =	sand.u32 $0x1, s1  }
0x8c: {  	s17 =	sshll.u32 s0, $0xA;
	s2 =	sadd.s32 s3, s2  }
0x8d: {  	s2 =	sadd.s32 s2, s17  }
0x8e: {  	[smem:$0x3FC2] =	sst s2  }
0x8f: {  	_ = 	snop  }
0x90: {  	s2 =	sld [smem:$0x3FD0];
	(tm) =	ssettm $0x1  }
0x91: {  	s18 =	sld [smem:$0x3FFB];
	_ =	sdelay $0x3  }
0x92: {  	_ =	strace s18  }
0x93: {  	s3 =	sld [smem:$0x3FFC];
	_ =	sdelay $0x3  }
0x94: {  	_ =	strace s3  }
0x95: {  	s3 =	sld [smem:$0x3FFD];
	_ =	sdelay $0x3  }
0x96: {  	_ =	strace s3  }
0x97: {  	_ =	strace $0x8FFFFFFF  }
0x98: {  	s19 =	sld [smem:$0x3FDB];
	_ =	sdelay $0x1  }
0x99: {  	s4 =	simm.s32 $_scs_section_size  }
0x9a: {  	s5 =	simm.s32 $_size__tile_overlayer_lowered;
	s6 =	simm.s32 $_tile_overlayer_lowered  }
0x9b: {  	s22 =	simm.s32 $0x1BFF;
	s21 =	sshll.u32 s6, $0x1;
	s3 =	sadd.s32 s4, s19  }
0x9c: {  	s7 =	simm.s32 $0x0;
	s20 =	sshll.u32 s5, $0x1;
	s5 =	sadd.s32 s21, s3  }
0x9d: {  	[timem:s7], [sflag:s22] =	dma.local [hbm:s5], s20  }
0x9e: {  	_ =	swait.ge [sflag:s22], s20  }
0x9f: {  	s4 =	ssub.s32 $0x0, s20;
	[sflag:s22] =	ssyncset.done $0x0  }
0xa0: {  	[sflag:s22] =	ssyncadd.s32 s4;
	_ =	sdelay $0x1  }
0xa1: {  	s23 =	simm.s32 $0x1B8B  }
0xa2: {  	_ =	swait.ge [sflag:s23], $0x1  }
0xa3: {  	[sflag:s23] =	ssyncset.done $0x0  }
0xa4: {  	s25 =	simm.s32 $0x1B8E;
	s24 =	sld [smem:$0x3FFE];
	[sflag:s23] =	ssyncadd.s32 $0xFFFFFFFF  }
0xa5: {  	s26 =	simm.s32 $execute0_lowered;
	[smem:$0x3FD2] =	sst s25  }
0xa6: {  	s5 =	sshll.u32 s26, $0x1;
	_ =	strace $0x80000049;
	[dreg:$0x1] =	wrdreg $0xFFFFFFFF  }
0xa7: {  	s28 =	simm.s32 $_size_execute0_lowered;
	s3 =	sadd.s32 s3, s5;
	[dreg:$0x0] =	wrdreg $0x0  }
0xa8: {  	s5 =	sshll.u32 s28, $0x1;
	[dreg:$0x2] =	wrdreg s3  }
0xa9: {  	[dreg:$0x3] =	wrdreg s5  }
0xaa: {  	[dreg:$0x4] =	wrdreg $0xC0  }
0xab: {  	_ =	task [dreg:s7], $0x5FFFF  }
0xac: {  	[dreg:$0x1] =	wrdreg $0xFFFFFFFF  }
0xad: {  	[dreg:$0x0] =	wrdreg $0x60  }
0xae: {  	[dreg:$0x2] =	wrdreg s24  }
0xaf: {  	[dreg:$0x3] =	wrdreg s2  }
0xb0: {  	[dreg:$0x4] =	wrdreg $0x97800  }
0xb1: {  	[dreg:$0x5] =	wrdreg $0x9  }
0xb2: {  	_ =	task.clear_ibuf [dreg:s7], $0x6FFFF;
	_ =	strace $0x90000049  }
0xb3: {  	s29 =	simm.s32 $0x9;
	_ =	strace $0x8000004B  }
0xb4: {  	_ =	swait.ge [sflag:s29], $0x1  }
0xb5: {  	[sflag:s29] =	ssyncadd.s32 $0xFFFFFFFF  }
0xb6: {  	_ =	strace $0x9000004B  }
0xb7: {  	_ =	sfence  }
0xb8: {  	s30 =	sld [smem:$0x0];
	_ =	sdelay $0x2  }
0xb9: {  	s31 =	sshll.u32 s1, $0xD;
	s1 =	sshrl.u32 s1, $0x2  }
0xba: {  	s3 =	sand.u32 $0x4000, s31;
	s1 =	sadd.s32 s1, s30  }
0xbb: {  	s0 =	sor.u32 s3, s0;
	s1 =	sshll.u32 s1, $0x11  }
0xbc: {  	s0 =	sor.u32 s1, s0  }
0xbd: {  	s0 =	sadd.s32 $0x8F2B, s0  }
0xbe: {  	[sflag:s0] =	ssyncadd.remote.s32 $0x1  }
0xbf: {  	_ =	sfence.sel $0xFFFF  }
0xc0: {  	[dreg:$0x0] =	wrdreg $0xFFFFFFFF;
	(pc) =	sbr.abs _section_cstart, $3  }
0xc1: {  	[dreg:$0x1] =	wrdreg $0xFFFFFFFF  }
0xc2: {  	_ =	task.clear_ibuf [dreg:s7], $0x2FFFF;
	_ =	strace $0x9FFFFFFF  }
0xc3: {  	(tm) =	ssettm $0x7FFFFFFF  }
tec
execute0_lowered:
.L_overlay_start_1:
0x0: {  	(tag) =	ssettag $0x1  }
0x1: {  	s0 =	rddreg [dreg:$0x0]  }
0x2: {  	s1 =	rddreg [dreg:$0x1]  }
0x3: {  	s2 =	rddreg [dreg:$0x2]  }
0x4: {  	s4 =	srdreg.scid;
	s5 =	stileid.u32  }
0x5: {  	s3 =	simm.s32 $0x0;
	s13 =	simm.s32 $0x80;
	s14 =	simm.s32 $0x5000  }
0x6: {  	s15 =	simm.s32 $0x5800;
	s16 =	simm.s32 $0x100;
	s17 =	simm.s32 $0x6000  }
0x7: {  	s18 =	simm.s32 $0x180;
	s19 =	simm.s32 $0x6800;
	s20 =	simm.s32 $0x1  }
0x8: {  	s21 =	simm.s32 $0x2;
	s22 =	simm.s32 $0x3;
	s23 =	simm.s32 $0x4  }
0x9: {  	s24 =	simm.s32 $0x5;
	s25 =	simm.s32 $0x6;
	s26 =	simm.s32 $0x7  }
0xa: {  	s28 =	simm.s32 $0x8;
	s29 =	simm.s32 $0x4E00;
	s30 =	simm.s32 $0x4E80  }
0xb: {  	s31 =	simm.s32 $0x4F00;
	s4 =	sand.u32 $0x1, s4;
	s7 =	smul.u32 $0x2780, s5  }
0xc: {  	[smem:$0x7FF] =	sst s3;
	s5 =	sshll.u32 s5, $0x1;
	s6 =	smul.u32 $0x27800, s4  }
0xd: {  	_ =	strace $0x8000004A;
	s5 =	sor.u32 s4, s5;
	s8 =	ssub.s32 $0x2, s4  }
0xe: {  	s4 =	sadd.s32 $0xBC00, s0;
	s5 =	smul.u32 $0x500, s5;
	s9 =	sshrl.u32 s8, $0x1  }
0xf: {  	s6 =	sadd.s32 s7, s6;
	s9 =	ssub.s32 s8, s9;
	s7 =	sadd.s32 s7, s2  }
0x10: {  	s6 =	sshrl.u32 s6, $0x3;
	s10 =	sadd.s32 s5, s0;
	s5 =	sadd.s32 s1, s5  }
0x11: {  	s9 =	smax.u32 s9, $0x1;
	s0 =	sadd.s32 s6, s0;
	s6 =	sadd.s32 $0x1C00, s10  }
0x12: {  	v0 =	vimm.f32 $0.0e+00;
	s10 =	simm.s32 $0x9;
	s8 =	sadd.s32 $0x6E800, s0;
	s0 =	simm.s32 $0x4F80  }
.LBB2_1:
0x13: {  	s1 =	simm.s32 $0x40;
	s11 =	simm.s32 $0x0  }
.LBB2_2:
0x14: {  	p0 =	sne.s32 s1, $0x9DC0;
	[tilespmem:s11+$0x7000] =	vst v0;
	s11 =	smov.u32 s1;
	s1 =	sadd.s32 $0x40, s1  }
.Ltmp0:
0x15: {  	(pc) =	sbr.rel @p0 .LBB2_2-.Ltmp0, $2  }
0x16: {  	_ =	sdelay $0x2  }
0x17: {  	s11 =	sshra.s32 s11, $0x2  }
0x18: {  	[tilespmem:s11+$0x7000] =	vst v0;
	s1 =	simm.s32 $0x0  }
0x19: {  	[tilespmem:s1], [sflag:$0x9] =	stream.linear.gather [hbm4b:s5+s1], $0x2800, $0x38;
	[tilespmem:$0xBF00] =	vst v63  }
0x1a: {  	_ =	swait.ge [sflag:s10], $0x2800  }
0x1b: {  	[sflag:s10] =	ssyncset.done $0x0  }
0x1c: {  	s12 =	simm.s32 $0x2800;
	[sflag:s10] =	ssyncadd.s32 $0xFFFFD800  }
0x1d: {  	[tilespmem:s12], [sflag:$0x9] =	stream.linear.gather [hbm4b:s6+s1], $0x2800, $0x38;
	[tilespmem:$0xBF00] =	vst v63  }
0x1e: {  	_ =	swait.ge [sflag:s10], $0x2800  }
0x1f: {  	[sflag:s10] =	ssyncset.done $0x0  }
0x20: {  	s12 =	simm.s32 $0x7000;
	[sflag:s10] =	ssyncadd.s32 $0xFFFFD800  }
0x21: {  	[spmem:s7] =	stream.linear.scatter [tilespmem:s12], [sflag:$0x9], $0x2780, $0x38;
	[tilespmem:$0xBF00] =	vst v63  }
0x22: {  	_ =	swait.ge [sflag:s10], $0x2780  }
0x23: {  	[sflag:s10] =	ssyncset.done $0x0  }
0x24: {  	[sflag:s10] =	ssyncadd.s32 $0xFFFFD880  }
0x25: {  	[bflag:$0x0] =	sbarrier.arrive $0xFFFF  }
0x26: {  	[tilespmem:s14], [sflag:$0x1] =	stream.indirect.gather [hbm4b:s4+s13], $0x10, s1, s13, $0xb8;
	[tilespmem:$0xBF00] =	vst v63  }
0x27: {  	_ = 	snop  }
0x28: {  	[tilespmem:s15], [sflag:$0x2] =	stream.indirect.gather [hbm4b:s4+s13], $0x10, s13, s13, $0xb8;
	[tilespmem:$0xBF00] =	vst v63  }
0x29: {  	_ = 	snop  }
0x2a: {  	[tilespmem:s17], [sflag:$0x3] =	stream.indirect.gather [hbm4b:s4+s13], $0x10, s16, s13, $0xb8;
	[tilespmem:$0xBF00] =	vst v63  }
0x2b: {  	_ = 	snop  }
0x2c: {  	[tilespmem:s19], [sflag:$0x4] =	stream.indirect.gather [hbm4b:s4+s13], $0x10, s18, s13, $0xb8;
	[tilespmem:$0xBF00] =	vst v63  }
0x2d: {  	_ =	swait.ge [sflag:s20], $0x800  }
0x2e: {  	[sflag:s20] =	ssyncset.done $0x0  }
0x2f: {  	s12 =	simm.s32 $0x2800;
	[sflag:s20] =	ssyncadd.s32 $0xFFFFF800  }
0x30: {  	[spmem:s2] =	stream.indirect.scatter.add.f32 [tilespmem:s14], [sflag:$0x5], $0x10, s12, s13, $0xb8;
	[tilespmem:$0xBF00] =	vst v63  }
0x31: {  	_ =	swait.ge [sflag:s21], $0x800  }
0x32: {  	[sflag:s21] =	ssyncset.done $0x0  }
0x33: {  	s11 =	simm.s32 $0x2880;
	[sflag:s21] =	ssyncadd.s32 $0xFFFFF800  }
0x34: {  	[spmem:s2] =	stream.indirect.scatter.add.f32 [tilespmem:s15], [sflag:$0x6], $0x10, s11, s13, $0xb8;
	[tilespmem:$0xBF00] =	vst v63  }
0x35: {  	_ =	swait.ge [sflag:s22], $0x800  }
0x36: {  	[sflag:s22] =	ssyncset.done $0x0  }
0x37: {  	s12 =	simm.s32 $0x2900;
	[sflag:s22] =	ssyncadd.s32 $0xFFFFF800  }
0x38: {  	[spmem:s2] =	stream.indirect.scatter.add.f32 [tilespmem:s17], [sflag:$0x7], $0x10, s12, s13, $0xb8;
	[tilespmem:$0xBF00] =	vst v63  }
0x39: {  	_ =	swait.ge [sflag:s23], $0x800  }
0x3a: {  	[sflag:s23] =	ssyncset.done $0x0  }
0x3b: {  	s11 =	simm.s32 $0x2980;
	[sflag:s23] =	ssyncadd.s32 $0xFFFFF800  }
0x3c: {  	[spmem:s2] =	stream.indirect.scatter.add.f32 [tilespmem:s19], [sflag:$0x8], $0x10, s11, s13, $0xb8;
	[tilespmem:$0xBF00] =	vst v63  }
0x3d: {  	_ =	swait.ge [sflag:s24], $0x800  }
0x3e: {  	[sflag:s24] =	ssyncset.done $0x0  }
0x3f: {  	s12 =	simm.s32 $0x200;
	[sflag:s24] =	ssyncadd.s32 $0xFFFFF800  }
0x40: {  	[tilespmem:s14], [sflag:$0x1] =	stream.indirect.gather [hbm4b:s4+s13], $0x10, s12, s13, $0xb8;
	[tilespmem:$0xBF00] =	vst v63  }
0x41: {  	_ =	swait.ge [sflag:s25], $0x800  }
0x42: {  	[sflag:s25] =	ssyncset.done $0x0  }
0x43: {  	s11 =	simm.s32 $0x280;
	[sflag:s25] =	ssyncadd.s32 $0xFFFFF800  }
0x44: {  	[tilespmem:s15], [sflag:$0x2] =	stream.indirect.gather [hbm4b:s4+s13], $0x10, s11, s13, $0xb8;
	[tilespmem:$0xBF00] =	vst v63  }
0x45: {  	_ =	swait.ge [sflag:s26], $0x800  }
0x46: {  	[sflag:s26] =	ssyncset.done $0x0  }
0x47: {  	s12 =	simm.s32 $0x300;
	[sflag:s26] =	ssyncadd.s32 $0xFFFFF800  }
0x48: {  	[tilespmem:s17], [sflag:$0x3] =	stream.indirect.gather [hbm4b:s4+s13], $0x10, s12, s13, $0xb8;
	[tilespmem:$0xBF00] =	vst v63  }
0x49: {  	_ =	swait.ge [sflag:s28], $0x800  }
0x4a: {  	[sflag:s28] =	ssyncset.done $0x0  }
0x4b: {  	s1 =	simm.s32 $0x800;
	s11 =	simm.s32 $0x380;
	[sflag:s28] =	ssyncadd.s32 $0xFFFFF800  }
.LBB2_4:
0x4c: {  	[tilespmem:s19], [sflag:$0x4] =	stream.indirect.gather [hbm4b:s4+s13], $0x10, s11, s13, $0xb8;
	[tilespmem:$0xBF00] =	vst v63  }
0x4d: {  	s11 =	smov.u32 s1  }
0x4e: {  	p0 =	sne.s32 s1, $0x9000;
	s1 =	sadd.s32 $0x800, s1;
	_ =	swait.ge [sflag:s20], $0x800  }
0x4f: {  	s11 =	sshra.s32 s11, $0x2;
	[sflag:s20] =	ssyncset.done $0x0  }
0x50: {  	s12 =	sadd.s32 $0x2800, s11;
	[sflag:s20] =	ssyncadd.s32 $0xFFFFF800  }
0x51: {  	[spmem:s2] =	stream.indirect.scatter.add.f32 [tilespmem:s14], [sflag:$0x5], $0x10, s12, s13, $0xb8;
	[tilespmem:$0xBF00] =	vst v63  }
0x52: {  	_ =	swait.ge [sflag:s21], $0x800  }
0x53: {  	[sflag:s21] =	ssyncset.done $0x0  }
0x54: {  	s12 =	sadd.s32 $0x2880, s11;
	[sflag:s21] =	ssyncadd.s32 $0xFFFFF800  }
0x55: {  	[spmem:s2] =	stream.indirect.scatter.add.f32 [tilespmem:s15], [sflag:$0x6], $0x10, s12, s13, $0xb8;
	[tilespmem:$0xBF00] =	vst v63  }
0x56: {  	_ =	swait.ge [sflag:s22], $0x800  }
0x57: {  	[sflag:s22] =	ssyncset.done $0x0  }
0x58: {  	s12 =	sadd.s32 $0x2900, s11;
	[sflag:s22] =	ssyncadd.s32 $0xFFFFF800  }
0x59: {  	[spmem:s2] =	stream.indirect.scatter.add.f32 [tilespmem:s17], [sflag:$0x7], $0x10, s12, s13, $0xb8;
	[tilespmem:$0xBF00] =	vst v63  }
0x5a: {  	_ =	swait.ge [sflag:s23], $0x800  }
0x5b: {  	[sflag:s23] =	ssyncset.done $0x0  }
0x5c: {  	s12 =	sadd.s32 $0x2980, s11;
	[sflag:s23] =	ssyncadd.s32 $0xFFFFF800  }
0x5d: {  	[spmem:s2] =	stream.indirect.scatter.add.f32 [tilespmem:s19], [sflag:$0x8], $0x10, s12, s13, $0xb8;
	[tilespmem:$0xBF00] =	vst v63  }
0x5e: {  	_ =	swait.ge [sflag:s24], $0x800  }
0x5f: {  	[sflag:s24] =	ssyncset.done $0x0  }
0x60: {  	s12 =	sadd.s32 $0x200, s11;
	[sflag:s24] =	ssyncadd.s32 $0xFFFFF800  }
0x61: {  	[tilespmem:s14], [sflag:$0x1] =	stream.indirect.gather [hbm4b:s4+s13], $0x10, s12, s13, $0xb8;
	[tilespmem:$0xBF00] =	vst v63  }
0x62: {  	_ =	swait.ge [sflag:s25], $0x800  }
0x63: {  	[sflag:s25] =	ssyncset.done $0x0  }
0x64: {  	s12 =	sadd.s32 $0x280, s11;
	[sflag:s25] =	ssyncadd.s32 $0xFFFFF800  }
0x65: {  	[tilespmem:s15], [sflag:$0x2] =	stream.indirect.gather [hbm4b:s4+s13], $0x10, s12, s13, $0xb8;
	[tilespmem:$0xBF00] =	vst v63  }
0x66: {  	_ =	swait.ge [sflag:s26], $0x800  }
0x67: {  	[sflag:s26] =	ssyncset.done $0x0  }
.Ltmp1:
0x68: {  	s12 =	sadd.s32 $0x300, s11;
	[sflag:s26] =	ssyncadd.s32 $0xFFFFF800;
	(pc) =	sbr.rel @p0 .LBB2_4-.Ltmp1, $4  }
0x69: {  	[tilespmem:s17], [sflag:$0x3] =	stream.indirect.gather [hbm4b:s4+s13], $0x10, s12, s13, $0xb8;
	[tilespmem:$0xBF00] =	vst v63  }
0x6a: {  	_ =	swait.ge [sflag:s28], $0x800  }
0x6b: {  	[sflag:s28] =	ssyncset.done $0x0  }
0x6c: {  	s11 =	sadd.s32 $0x380, s11;
	[sflag:s28] =	ssyncadd.s32 $0xFFFFF800  }
0x6d: {  	[tilespmem:s19], [sflag:$0x4] =	stream.indirect.gather [hbm4b:s4+s13], $0x10, s11, s13, $0xb8;
	[tilespmem:$0xBF00] =	vst v63  }
0x6e: {  	_ =	swait.ge [sflag:s20], $0x800  }
0x6f: {  	[sflag:s20] =	ssyncset.done $0x0  }
0x70: {  	[sflag:s20] =	ssyncadd.s32 $0xFFFFF800  }
0x71: {  	[spmem:s2] =	stream.indirect.scatter.add.f32 [tilespmem:s14], [sflag:$0x5], $0x10, s29, s13, $0xb8;
	[tilespmem:$0xBF00] =	vst v63  }
0x72: {  	_ =	swait.ge [sflag:s21], $0x800  }
0x73: {  	[sflag:s21] =	ssyncset.done $0x0  }
0x74: {  	[sflag:s21] =	ssyncadd.s32 $0xFFFFF800  }
0x75: {  	[spmem:s2] =	stream.indirect.scatter.add.f32 [tilespmem:s15], [sflag:$0x6], $0x10, s30, s13, $0xb8;
	[tilespmem:$0xBF00] =	vst v63  }
0x76: {  	_ =	swait.ge [sflag:s22], $0x800  }
0x77: {  	[sflag:s22] =	ssyncset.done $0x0  }
0x78: {  	[sflag:s22] =	ssyncadd.s32 $0xFFFFF800  }
0x79: {  	[spmem:s2] =	stream.indirect.scatter.add.f32 [tilespmem:s17], [sflag:$0x7], $0x10, s31, s13, $0xb8;
	[tilespmem:$0xBF00] =	vst v63  }
0x7a: {  	_ =	swait.ge [sflag:s23], $0x800  }
0x7b: {  	[sflag:s23] =	ssyncset.done $0x0  }
0x7c: {  	[sflag:s23] =	ssyncadd.s32 $0xFFFFF800  }
0x7d: {  	[spmem:s2] =	stream.indirect.scatter.add.f32 [tilespmem:s19], [sflag:$0x8], $0x10, s0, s13, $0xb8;
	[tilespmem:$0xBF00] =	vst v63  }
0x7e: {  	_ =	swait.ge [sflag:s24], $0x800  }
0x7f: {  	[sflag:s24] =	ssyncset.done $0x0  }
0x80: {  	[sflag:s24] =	ssyncadd.s32 $0xFFFFF800  }
0x81: {  	_ =	swait.ge [sflag:s25], $0x800  }
0x82: {  	[sflag:s25] =	ssyncset.done $0x0  }
0x83: {  	[sflag:s25] =	ssyncadd.s32 $0xFFFFF800  }
0x84: {  	_ =	swait.ge [sflag:s26], $0x800  }
0x85: {  	[sflag:s26] =	ssyncset.done $0x0  }
0x86: {  	[sflag:s26] =	ssyncadd.s32 $0xFFFFF800  }
0x87: {  	s1 =	stileid.u32;
	_ =	swait.ge [sflag:s28], $0x800  }
0x88: {  	s12 =	sshrl.u32 s7, $0x3;
	s3 =	sadd.s32 $0x1, s3;
	[sflag:s28] =	ssyncset.done $0x0  }
0x89: {  	s1 =	sshll.u32 s1, $0x6;
	p0 =	sne.s32 s3, s9;
	[sflag:s28] =	ssyncadd.s32 $0xFFFFF800  }
.Ltmp2:
0x8a: {  	s1 =	sor.u32 $0x1C09, s1;
	[bflag:$0x0] =	sbarrier.arrive $0xFFFF;
	(pc) =	sbr.rel @p0 .LBB2_1-.Ltmp2, $4  }
0x8b: {  	[hbm:s8], [sflag:s1] =	dma.local [spmem:s12], $0x4F0  }
0x8c: {  	_ =	swait.ge [sflag:s10], $0x4F0  }
0x8d: {  	[sflag:s10] =	ssyncset.done $0x0  }
0x8e: {  	[sflag:s10] =	ssyncadd.s32 $0xFFFFFB10  }
0x8f: {  	_ =	sfence.sel $0x180000  }
0x90: {  	[bflag:$0x0] =	sbarrier.arrive $0xFFFF  }
0x91: {  	_ =	strace $0x9000004A  }
0x92: {  	s0 =	stileid.u32;
	[bflag:$0x2] =	sbarrier.arrive $0xFFFF  }
0x93: {  	p0 =	sne.s32 s0, $0x0;
	s0 =	rddreg [dreg:$0x3]  }
0x94: {  	s0 =	sadd.s32 @!p0 $0x100000, s0  }
0x95: {  	[sflag:s0] =	ssyncadd.tile.s32 @!p0 $0x1;
	_ =	shalt  }
.Lfunc_end2:
_tile_overlayer_lowered:
.L_overlay_start_2:
0x96: {  	(tag) =	ssettag $0x2  }
0x97: {  	s0 =	rddreg [dreg:$0x0];
	s2 =	stileid.u32  }
0x98: {  	s1 =	rddreg [dreg:$0x1];
	p0 =	sne.s32 s2, $0x0  }
0x99: {  	s3 =	rddreg [dreg:$0x2];
	[bflag:$0x3] =	sbarrier.arrive $0xFFFF;
	s2 =	simm.s32 @!p0 $0x1C09  }
0x9a: {  	[timem:s3], [sflag:s2] =	dma.local @!p0 [hbm:s0], s1  }
0x9b: {  	s0 =	simm.s32 @!p0 $0x9  }
0x9c: {  	_ =	swait.ge @!p0 [sflag:s0], s1  }
0x9d: {  	s1 =	ssub.s32 @!p0 $0x0, s1;
	[sflag:s0] =	ssyncset.done @!p0 $0x0  }
0x9e: {  	[sflag:s0] =	ssyncadd.s32 @!p0 s1  }
0x9f: {  	[bflag:$0x3] =	sbarrier.arrive $0xFFFF  }
0xa0: {  	_ =	shalt  }

// kernel: kernel.14.cloned.1.call-start
scs
__scs_entry_jumppad:
0x0: {  	(pc) =	sbr.rel $0x88, $3  }
0x1: {  	(tag) =	ssettag $0x0;
	lr =	simm.s32 $0x1  }
0x2: {  	[smem:$0x3F9B] =	sst lr;
	_ =	strace $0xD0000000  }
0x3: {  	_ = 	snop  }
0x4: {  	_ = 	snop  }
0x5: {  	_ = 	snop  }
0x6: {  	_ = 	snop  }
0x7: {  	_ = 	snop  }
__scs_overlays_trampoline_lowered:
0x8: {  	[smem:$0x3FAA] =	sst s0  }
0x9: {  	[smem:$0x3FAB] =	sst s1  }
0xa: {  	[smem:$0x3FAC] =	sst s2  }
0xb: {  	[smem:$0x3FAD] =	sst s3  }
0xc: {  	[smem:$0x3FAE] =	sst s4  }
0xd: {  	[smem:$0x3FAF] =	sst s5  }
0xe: {  	[smem:$0x3FB0] =	sst s6  }
0xf: {  	[smem:$0x3FB1] =	sst s7  }
0x10: {  	[smem:$0x3FB2] =	sst s8  }
0x11: {  	[smem:$0x3FB3] =	sst s9;
	s0 =	simm.s32 @!p0 $0x0  }
0x12: {  	s1 =	sld [smem:$0x3F99];
	s0 =	simm.s32 @p0 $0x1  }
0x13: {  	[smem:$0x3FB4] =	sst s0;
	s0 =	simm.s32 @!p1 $0x0  }
0x14: {  	s2 =	sld [smem:$0x3F98];
	s0 =	simm.s32 @p1 $0x1  }
0x15: {  	[smem:$0x3FB5] =	sst s0;
	s0 =	simm.s32 @!p2 $0x0  }
0x16: {  	s3 =	sld [smem:$0x3FDB];
	s0 =	simm.s32 @p2 $0x1  }
0x17: {  	s4 =	simm.s32 $0x1BF5;
	[smem:$0x3FB7] =	sst s0  }
0x18: {  	s0 =	sld [smem:$0x3F9A];
	_ =	swait.ge [sflag:s4], $0x0  }
0x19: {  	s7 =	sld [smem:$0x3F9B]  }
0x1a: {  	s8 =	sadd.s32 $0xFFFFE003, lr  }
0x1b: {  	s9 =	sadd.s32 $0xFFFFFEF7, lr;
	s5 =	simm.s32 $0xFFFFFFFF;
	p2 =	slt.u32 s8, $0xFFFFF086  }
0x1c: {  	p1 =	slt.u32 s9, $0xF7A;
	s5 =	simm.s32 @!p2 $0x0  }
0x1d: {  	s5 =	simm.s32 @p1 $0x1;
	p0 =	seq.s32 s7, s2  }
0x1e: {  	s7 =	smul.u32 @!p0 $0xF7A, s2;
	p2 =	seq.s32 @!p0 s5, $0x0  }
0x1f: {  	s9 =	smul.u32 $0xF7A, s1;
	s8 =	simm.s32 @!p0 $0x1BF5;
	p2 =	por !p2, p0  }
0x20: {  	[sflag:s8] =	ssyncset.s32 @!p0 $0xFFFFF086;
	s6 =	sadd.s32 @!p0 s3, s7;
	s7 =	simm.s32 @!p0 $0x108  }
0x21: {  	s3 =	sadd.s32 s3, s9;
	s6 =	sadd.s32 @!p0 $0x88, s6;
	s7 =	simm.s32 @p2 $0x1082  }
0x22: {  	[simem:s7], [sflag:s8] =	dma.local @!p0 [hbm:s6], $0xF7A  }
0x23: {  	s9 =	sor.u32 $0xD0000000, s2;
	s6 =	simm.s32 $0x108;
	_ =	swait.ge @!p0 [sflag:s8], $0x0  }
0x24: {  	s3 =	sadd.s32 $0x88, s3;
	s6 =	simm.s32 @!p1 $0x1082;
	[sflag:s4] =	ssyncset.s32 $0xFFFFF086  }
0x25: {  	[simem:s6], [sflag:s4] =	dma.local [hbm:s3], $0xF7A  }
0x26: {  	[smem:$0x3F9B] =	sst s1;
	(tag) =	ssettag s2;
	_ =	strace s9  }
0x27: {  	s1 =	sld [smem:$0x3FAB]  }
0x28: {  	s2 =	sld [smem:$0x3FAC]  }
0x29: {  	s4 =	sld [smem:$0x3FAE]  }
0x2a: {  	p0 =	seq.s32 s5, $0x0;
	s5 =	sld [smem:$0x3FAF]  }
0x2b: {  	s6 =	sld [smem:$0x3FB0]  }
0x2c: {  	s7 =	sld [smem:$0x3FB1]  }
0x2d: {  	s3 =	simm.s32 $0x108;
	s8 =	sld [smem:$0x3FB2]  }
0x2e: {  	s3 =	simm.s32 @!p0 $0x1082;
	s9 =	sld [smem:$0x3FB3]  }
0x2f: {  	lr =	sadd.s32 s0, s3;
	s0 =	sld [smem:$0x3FAA]  }
0x30: {  	s3 =	sld [smem:$0x3FAD]  }
0x31: {  	[smem:$0x3FB6] =	sst s10  }
0x32: {  	s10 =	sld [smem:$0x3FB4];
	_ =	sdelay $0x3  }
0x33: {  	p0 =	seq.s32 s10, $0x1;
	s10 =	sld [smem:$0x3FB6];
	_ =	sdelay $0x3  }
0x34: {  	[smem:$0x3FB6] =	sst s10  }
0x35: {  	s10 =	sld [smem:$0x3FB5];
	_ =	sdelay $0x3  }
0x36: {  	p1 =	seq.s32 s10, $0x1;
	s10 =	sld [smem:$0x3FB6];
	_ =	sdelay $0x3  }
0x37: {  	[smem:$0x3FB6] =	sst s10  }
0x38: {  	s10 =	sld [smem:$0x3FB7]  }
0x39: {  	_ = 	snop;
	(pc) =	sbr.ind lr, $3  }
0x3a: {  	_ = 	snop  }
0x3b: {  	_ = 	snop  }
0x3c: {  	p2 =	seq.s32 s10, $0x1;
	s10 =	sld [smem:$0x3FB6]  }
0x3d: {  	_ =	shalt  }
0x3e: {  	_ =	shalt  }
0x3f: {  	_ =	shalt  }
0x40: {  	_ =	shalt  }
0x41: {  	_ =	shalt  }
0x42: {  	_ =	shalt  }
0x43: {  	_ =	shalt  }
0x44: {  	_ =	shalt  }
0x45: {  	_ =	shalt  }
0x46: {  	_ =	shalt  }
0x47: {  	_ =	shalt  }
0x48: {  	_ =	shalt  }
0x49: {  	_ =	shalt  }
0x4a: {  	_ =	shalt  }
0x4b: {  	_ =	shalt  }
0x4c: {  	_ =	shalt  }
0x4d: {  	_ =	shalt  }
0x4e: {  	_ =	shalt  }
0x4f: {  	_ =	shalt  }
0x50: {  	_ =	shalt  }
0x51: {  	_ =	shalt  }
0x52: {  	_ =	shalt  }
0x53: {  	_ =	shalt  }
0x54: {  	_ =	shalt  }
0x55: {  	_ =	shalt  }
0x56: {  	_ =	shalt  }
0x57: {  	_ =	shalt  }
0x58: {  	_ =	shalt  }
0x59: {  	_ =	shalt  }
0x5a: {  	_ =	shalt  }
0x5b: {  	_ =	shalt  }
0x5c: {  	_ =	shalt  }
0x5d: {  	_ =	shalt  }
0x5e: {  	_ =	shalt  }
0x5f: {  	_ =	shalt  }
0x60: {  	_ =	shalt  }
0x61: {  	_ =	shalt  }
0x62: {  	_ =	shalt  }
0x63: {  	_ =	shalt  }
0x64: {  	_ =	shalt  }
0x65: {  	_ =	shalt  }
0x66: {  	_ =	shalt  }
0x67: {  	_ =	shalt  }
0x68: {  	_ =	shalt  }
0x69: {  	_ =	shalt  }
0x6a: {  	_ =	shalt  }
0x6b: {  	_ =	shalt  }
0x6c: {  	_ =	shalt  }
0x6d: {  	_ =	shalt  }
0x6e: {  	_ =	shalt  }
0x6f: {  	_ =	shalt  }
0x70: {  	_ =	shalt  }
0x71: {  	_ =	shalt  }
0x72: {  	_ =	shalt  }
0x73: {  	_ =	shalt  }
0x74: {  	_ =	shalt  }
0x75: {  	_ =	shalt  }
0x76: {  	_ =	shalt  }
0x77: {  	_ =	shalt  }
0x78: {  	_ =	shalt  }
0x79: {  	_ =	shalt  }
0x7a: {  	_ =	shalt  }
0x7b: {  	_ =	shalt  }
0x7c: {  	_ =	shalt  }
0x7d: {  	_ =	shalt  }
0x7e: {  	_ =	shalt  }
0x7f: {  	_ =	shalt  }
0x80: {  	_ =	shalt  }
0x81: {  	_ =	shalt  }
0x82: {  	_ =	shalt  }
0x83: {  	_ =	shalt  }
0x84: {  	_ =	shalt  }
0x85: {  	_ =	shalt  }
0x86: {  	_ =	shalt  }
0x87: {  	_ =	shalt  }
.Lfunc_end0:
.L_simem_size_0:
called_computation.2_lowered:
.L_overlay_start_0:
0x88: {  	s2 =	sld [smem:$0x3FD9]  }
0x89: {  	s3 =	sld [smem:$0x3FFE];
	_ =	sdelay $0x1  }
0x8a: {  	s1 =	srdreg.scid  }
0x8b: {  	s0 =	sand.u32 $0x1, s1  }
0x8c: {  	s17 =	sshll.u32 s0, $0xA;
	s2 =	sadd.s32 s3, s2  }
0x8d: {  	s2 =	sadd.s32 s2, s17  }
0x8e: {  	[smem:$0x3FC2] =	sst s2  }
0x8f: {  	_ = 	snop  }
0x90: {  	s2 =	sld [smem:$0x3FD0];
	(tm) =	ssettm $0x1  }
0x91: {  	s18 =	sld [smem:$0x3FFB];
	_ =	sdelay $0x3  }
0x92: {  	_ =	strace s18  }
0x93: {  	s3 =	sld [smem:$0x3FFC];
	_ =	sdelay $0x3  }
0x94: {  	_ =	strace s3  }
0x95: {  	s3 =	sld [smem:$0x3FFD];
	_ =	sdelay $0x3  }
0x96: {  	_ =	strace s3  }
0x97: {  	_ =	strace $0x8FFFFFFF  }
0x98: {  	s19 =	sld [smem:$0x3FDB];
	_ =	sdelay $0x1  }
0x99: {  	s4 =	simm.s32 $_scs_section_size  }
0x9a: {  	s5 =	simm.s32 $_size__tile_overlayer_lowered;
	s6 =	simm.s32 $_tile_overlayer_lowered  }
0x9b: {  	s22 =	simm.s32 $0x1BFF;
	s21 =	sshll.u32 s6, $0x1;
	s3 =	sadd.s32 s4, s19  }
0x9c: {  	s7 =	simm.s32 $0x0;
	s20 =	sshll.u32 s5, $0x1;
	s5 =	sadd.s32 s21, s3  }
0x9d: {  	[timem:s7], [sflag:s22] =	dma.local [hbm:s5], s20  }
0x9e: {  	_ =	swait.ge [sflag:s22], s20  }
0x9f: {  	s4 =	ssub.s32 $0x0, s20;
	[sflag:s22] =	ssyncset.done $0x0  }
0xa0: {  	[sflag:s22] =	ssyncadd.s32 s4;
	_ =	sdelay $0x1  }
0xa1: {  	s23 =	simm.s32 $0x1B8B  }
0xa2: {  	_ =	swait.ge [sflag:s23], $0x1  }
0xa3: {  	[sflag:s23] =	ssyncset.done $0x0  }
0xa4: {  	s25 =	simm.s32 $0x1B8E;
	s24 =	sld [smem:$0x3FFE];
	[sflag:s23] =	ssyncadd.s32 $0xFFFFFFFF  }
0xa5: {  	s26 =	simm.s32 $execute0_lowered;
	[smem:$0x3FD2] =	sst s25  }
0xa6: {  	s5 =	sshll.u32 s26, $0x1;
	_ =	strace $0x8000004C;
	[dreg:$0x1] =	wrdreg $0xFFFFFFFF  }
0xa7: {  	s28 =	simm.s32 $_size_execute0_lowered;
	s3 =	sadd.s32 s3, s5;
	[dreg:$0x0] =	wrdreg $0x0  }
0xa8: {  	s5 =	sshll.u32 s28, $0x1;
	[dreg:$0x2] =	wrdreg s3  }
0xa9: {  	[dreg:$0x3] =	wrdreg s5  }
0xaa: {  	[dreg:$0x4] =	wrdreg $0xC0  }
0xab: {  	_ =	task [dreg:s7], $0x5FFFF  }
0xac: {  	[dreg:$0x1] =	wrdreg $0xFFFFFFFF  }
0xad: {  	[dreg:$0x0] =	wrdreg $0x60  }
0xae: {  	[dreg:$0x2] =	wrdreg s24  }
0xaf: {  	[dreg:$0x3] =	wrdreg s2  }
0xb0: {  	[dreg:$0x4] =	wrdreg $0x97800  }
0xb1: {  	[dreg:$0x5] =	wrdreg $0x9  }
0xb2: {  	_ =	task.clear_ibuf [dreg:s7], $0x6FFFF;
	_ =	strace $0x9000004C  }
0xb3: {  	s29 =	simm.s32 $0x9;
	_ =	strace $0x8000004E  }
0xb4: {  	_ =	swait.ge [sflag:s29], $0x1  }
0xb5: {  	[sflag:s29] =	ssyncadd.s32 $0xFFFFFFFF  }
0xb6: {  	_ =	strace $0x9000004E  }
0xb7: {  	_ =	sfence  }
0xb8: {  	s30 =	sld [smem:$0x0];
	_ =	sdelay $0x2  }
0xb9: {  	s31 =	sshll.u32 s1, $0xD;
	s1 =	sshrl.u32 s1, $0x2  }
0xba: {  	s3 =	sand.u32 $0x4000, s31;
	s1 =	sadd.s32 s1, s30  }
0xbb: {  	s0 =	sor.u32 s3, s0;
	s1 =	sshll.u32 s1, $0x11  }
0xbc: {  	s0 =	sor.u32 s1, s0  }
0xbd: {  	s0 =	sadd.s32 $0x8F2B, s0  }
0xbe: {  	[sflag:s0] =	ssyncadd.remote.s32 $0x1  }
0xbf: {  	_ =	sfence.sel $0xFFFF  }
0xc0: {  	[dreg:$0x0] =	wrdreg $0xFFFFFFFF;
	(pc) =	sbr.abs _section_cstart, $3  }
0xc1: {  	[dreg:$0x1] =	wrdreg $0xFFFFFFFF  }
0xc2: {  	_ =	task.clear_ibuf [dreg:s7], $0x2FFFF;
	_ =	strace $0x9FFFFFFF  }
0xc3: {  	(tm) =	ssettm $0x7FFFFFFF  }
tec
execute0_lowered:
.L_overlay_start_1:
0x0: {  	(tag) =	ssettag $0x1  }
0x1: {  	s0 =	rddreg [dreg:$0x0]  }
0x2: {  	s1 =	rddreg [dreg:$0x1]  }
0x3: {  	s2 =	rddreg [dreg:$0x2]  }
0x4: {  	s4 =	srdreg.scid;
	s5 =	stileid.u32  }
0x5: {  	s3 =	simm.s32 $0x0;
	s13 =	simm.s32 $0x80;
	s14 =	simm.s32 $0x5000  }
0x6: {  	s15 =	simm.s32 $0x5800;
	s16 =	simm.s32 $0x100;
	s17 =	simm.s32 $0x6000  }
0x7: {  	s18 =	simm.s32 $0x180;
	s19 =	simm.s32 $0x6800;
	s20 =	simm.s32 $0x1  }
0x8: {  	s21 =	simm.s32 $0x2;
	s22 =	simm.s32 $0x3;
	s23 =	simm.s32 $0x4  }
0x9: {  	s24 =	simm.s32 $0x5;
	s25 =	simm.s32 $0x6;
	s26 =	simm.s32 $0x7  }
0xa: {  	s28 =	simm.s32 $0x8;
	s29 =	simm.s32 $0x4E00;
	s30 =	simm.s32 $0x4E80  }
0xb: {  	s31 =	simm.s32 $0x4F00;
	s4 =	sand.u32 $0x1, s4;
	s7 =	smul.u32 $0x2780, s5  }
0xc: {  	[smem:$0x7FF] =	sst s3;
	s5 =	sshll.u32 s5, $0x1;
	s6 =	smul.u32 $0x27800, s4  }
0xd: {  	_ =	strace $0x8000004D;
	s5 =	sor.u32 s4, s5;
	s8 =	ssub.s32 $0x2, s4  }
0xe: {  	s4 =	sadd.s32 $0xBC00, s0;
	s5 =	smul.u32 $0x500, s5;
	s9 =	sshrl.u32 s8, $0x1  }
0xf: {  	s6 =	sadd.s32 s7, s6;
	s9 =	ssub.s32 s8, s9;
	s7 =	sadd.s32 s7, s2  }
0x10: {  	s6 =	sshrl.u32 s6, $0x3;
	s10 =	sadd.s32 s5, s0;
	s5 =	sadd.s32 s1, s5  }
0x11: {  	s9 =	smax.u32 s9, $0x1;
	s0 =	sadd.s32 s6, s0;
	s6 =	sadd.s32 $0x1C00, s10  }
0x12: {  	v0 =	vimm.f32 $0.0e+00;
	s10 =	simm.s32 $0x9;
	s8 =	sadd.s32 $0x10C00, s0;
	s0 =	simm.s32 $0x4F80  }
.LBB2_1:
0x13: {  	s1 =	simm.s32 $0x40;
	s11 =	simm.s32 $0x0  }
.LBB2_2:
0x14: {  	p0 =	sne.s32 s1, $0x9DC0;
	[tilespmem:s11+$0x7000] =	vst v0;
	s11 =	smov.u32 s1;
	s1 =	sadd.s32 $0x40, s1  }
.Ltmp0:
0x15: {  	(pc) =	sbr.rel @p0 .LBB2_2-.Ltmp0, $2  }
0x16: {  	_ =	sdelay $0x2  }
0x17: {  	s11 =	sshra.s32 s11, $0x2  }
0x18: {  	[tilespmem:s11+$0x7000] =	vst v0;
	s1 =	simm.s32 $0x0  }
0x19: {  	[tilespmem:s1], [sflag:$0x9] =	stream.linear.gather [hbm4b:s5+s1], $0x2800, $0x38;
	[tilespmem:$0xBF00] =	vst v63  }
0x1a: {  	_ =	swait.ge [sflag:s10], $0x2800  }
0x1b: {  	[sflag:s10] =	ssyncset.done $0x0  }
0x1c: {  	s12 =	simm.s32 $0x2800;
	[sflag:s10] =	ssyncadd.s32 $0xFFFFD800  }
0x1d: {  	[tilespmem:s12], [sflag:$0x9] =	stream.linear.gather [hbm4b:s6+s1], $0x2800, $0x38;
	[tilespmem:$0xBF00] =	vst v63  }
0x1e: {  	_ =	swait.ge [sflag:s10], $0x2800  }
0x1f: {  	[sflag:s10] =	ssyncset.done $0x0  }
0x20: {  	s12 =	simm.s32 $0x7000;
	[sflag:s10] =	ssyncadd.s32 $0xFFFFD800  }
0x21: {  	[spmem:s7] =	stream.linear.scatter [tilespmem:s12], [sflag:$0x9], $0x2780, $0x38;
	[tilespmem:$0xBF00] =	vst v63  }
0x22: {  	_ =	swait.ge [sflag:s10], $0x2780  }
0x23: {  	[sflag:s10] =	ssyncset.done $0x0  }
0x24: {  	[sflag:s10] =	ssyncadd.s32 $0xFFFFD880  }
0x25: {  	[bflag:$0x0] =	sbarrier.arrive $0xFFFF  }
0x26: {  	[tilespmem:s14], [sflag:$0x1] =	stream.indirect.gather [hbm4b:s4+s13], $0x10, s1, s13, $0xb8;
	[tilespmem:$0xBF00] =	vst v63  }
0x27: {  	_ = 	snop  }
0x28: {  	[tilespmem:s15], [sflag:$0x2] =	stream.indirect.gather [hbm4b:s4+s13], $0x10, s13, s13, $0xb8;
	[tilespmem:$0xBF00] =	vst v63  }
0x29: {  	_ = 	snop  }
0x2a: {  	[tilespmem:s17], [sflag:$0x3] =	stream.indirect.gather [hbm4b:s4+s13], $0x10, s16, s13, $0xb8;
	[tilespmem:$0xBF00] =	vst v63  }
0x2b: {  	_ = 	snop  }
0x2c: {  	[tilespmem:s19], [sflag:$0x4] =	stream.indirect.gather [hbm4b:s4+s13], $0x10, s18, s13, $0xb8;
	[tilespmem:$0xBF00] =	vst v63  }
0x2d: {  	_ =	swait.ge [sflag:s20], $0x800  }
0x2e: {  	[sflag:s20] =	ssyncset.done $0x0  }
0x2f: {  	s12 =	simm.s32 $0x2800;
	[sflag:s20] =	ssyncadd.s32 $0xFFFFF800  }
0x30: {  	[spmem:s2] =	stream.indirect.scatter.add.f32 [tilespmem:s14], [sflag:$0x5], $0x10, s12, s13, $0xb8;
	[tilespmem:$0xBF00] =	vst v63  }
0x31: {  	_ =	swait.ge [sflag:s21], $0x800  }
0x32: {  	[sflag:s21] =	ssyncset.done $0x0  }
0x33: {  	s11 =	simm.s32 $0x2880;
	[sflag:s21] =	ssyncadd.s32 $0xFFFFF800  }
0x34: {  	[spmem:s2] =	stream.indirect.scatter.add.f32 [tilespmem:s15], [sflag:$0x6], $0x10, s11, s13, $0xb8;
	[tilespmem:$0xBF00] =	vst v63  }
0x35: {  	_ =	swait.ge [sflag:s22], $0x800  }
0x36: {  	[sflag:s22] =	ssyncset.done $0x0  }
0x37: {  	s12 =	simm.s32 $0x2900;
	[sflag:s22] =	ssyncadd.s32 $0xFFFFF800  }
0x38: {  	[spmem:s2] =	stream.indirect.scatter.add.f32 [tilespmem:s17], [sflag:$0x7], $0x10, s12, s13, $0xb8;
	[tilespmem:$0xBF00] =	vst v63  }
0x39: {  	_ =	swait.ge [sflag:s23], $0x800  }
0x3a: {  	[sflag:s23] =	ssyncset.done $0x0  }
0x3b: {  	s11 =	simm.s32 $0x2980;
	[sflag:s23] =	ssyncadd.s32 $0xFFFFF800  }
0x3c: {  	[spmem:s2] =	stream.indirect.scatter.add.f32 [tilespmem:s19], [sflag:$0x8], $0x10, s11, s13, $0xb8;
	[tilespmem:$0xBF00] =	vst v63  }
0x3d: {  	_ =	swait.ge [sflag:s24], $0x800  }
0x3e: {  	[sflag:s24] =	ssyncset.done $0x0  }
0x3f: {  	s12 =	simm.s32 $0x200;
	[sflag:s24] =	ssyncadd.s32 $0xFFFFF800  }
0x40: {  	[tilespmem:s14], [sflag:$0x1] =	stream.indirect.gather [hbm4b:s4+s13], $0x10, s12, s13, $0xb8;
	[tilespmem:$0xBF00] =	vst v63  }
0x41: {  	_ =	swait.ge [sflag:s25], $0x800  }
0x42: {  	[sflag:s25] =	ssyncset.done $0x0  }
0x43: {  	s11 =	simm.s32 $0x280;
	[sflag:s25] =	ssyncadd.s32 $0xFFFFF800  }
0x44: {  	[tilespmem:s15], [sflag:$0x2] =	stream.indirect.gather [hbm4b:s4+s13], $0x10, s11, s13, $0xb8;
	[tilespmem:$0xBF00] =	vst v63  }
0x45: {  	_ =	swait.ge [sflag:s26], $0x800  }
0x46: {  	[sflag:s26] =	ssyncset.done $0x0  }
0x47: {  	s12 =	simm.s32 $0x300;
	[sflag:s26] =	ssyncadd.s32 $0xFFFFF800  }
0x48: {  	[tilespmem:s17], [sflag:$0x3] =	stream.indirect.gather [hbm4b:s4+s13], $0x10, s12, s13, $0xb8;
	[tilespmem:$0xBF00] =	vst v63  }
0x49: {  	_ =	swait.ge [sflag:s28], $0x800  }
0x4a: {  	[sflag:s28] =	ssyncset.done $0x0  }
0x4b: {  	s1 =	simm.s32 $0x800;
	s11 =	simm.s32 $0x380;
	[sflag:s28] =	ssyncadd.s32 $0xFFFFF800  }
.LBB2_4:
0x4c: {  	[tilespmem:s19], [sflag:$0x4] =	stream.indirect.gather [hbm4b:s4+s13], $0x10, s11, s13, $0xb8;
	[tilespmem:$0xBF00] =	vst v63  }
0x4d: {  	s11 =	smov.u32 s1  }
0x4e: {  	p0 =	sne.s32 s1, $0x9000;
	s1 =	sadd.s32 $0x800, s1;
	_ =	swait.ge [sflag:s20], $0x800  }
0x4f: {  	s11 =	sshra.s32 s11, $0x2;
	[sflag:s20] =	ssyncset.done $0x0  }
0x50: {  	s12 =	sadd.s32 $0x2800, s11;
	[sflag:s20] =	ssyncadd.s32 $0xFFFFF800  }
0x51: {  	[spmem:s2] =	stream.indirect.scatter.add.f32 [tilespmem:s14], [sflag:$0x5], $0x10, s12, s13, $0xb8;
	[tilespmem:$0xBF00] =	vst v63  }
0x52: {  	_ =	swait.ge [sflag:s21], $0x800  }
0x53: {  	[sflag:s21] =	ssyncset.done $0x0  }
0x54: {  	s12 =	sadd.s32 $0x2880, s11;
	[sflag:s21] =	ssyncadd.s32 $0xFFFFF800  }
0x55: {  	[spmem:s2] =	stream.indirect.scatter.add.f32 [tilespmem:s15], [sflag:$0x6], $0x10, s12, s13, $0xb8;
	[tilespmem:$0xBF00] =	vst v63  }
0x56: {  	_ =	swait.ge [sflag:s22], $0x800  }
0x57: {  	[sflag:s22] =	ssyncset.done $0x0  }
0x58: {  	s12 =	sadd.s32 $0x2900, s11;
	[sflag:s22] =	ssyncadd.s32 $0xFFFFF800  }
0x59: {  	[spmem:s2] =	stream.indirect.scatter.add.f32 [tilespmem:s17], [sflag:$0x7], $0x10, s12, s13, $0xb8;
	[tilespmem:$0xBF00] =	vst v63  }
0x5a: {  	_ =	swait.ge [sflag:s23], $0x800  }
0x5b: {  	[sflag:s23] =	ssyncset.done $0x0  }
0x5c: {  	s12 =	sadd.s32 $0x2980, s11;
	[sflag:s23] =	ssyncadd.s32 $0xFFFFF800  }
0x5d: {  	[spmem:s2] =	stream.indirect.scatter.add.f32 [tilespmem:s19], [sflag:$0x8], $0x10, s12, s13, $0xb8;
	[tilespmem:$0xBF00] =	vst v63  }
0x5e: {  	_ =	swait.ge [sflag:s24], $0x800  }
0x5f: {  	[sflag:s24] =	ssyncset.done $0x0  }
0x60: {  	s12 =	sadd.s32 $0x200, s11;
	[sflag:s24] =	ssyncadd.s32 $0xFFFFF800  }
0x61: {  	[tilespmem:s14], [sflag:$0x1] =	stream.indirect.gather [hbm4b:s4+s13], $0x10, s12, s13, $0xb8;
	[tilespmem:$0xBF00] =	vst v63  }
0x62: {  	_ =	swait.ge [sflag:s25], $0x800  }
0x63: {  	[sflag:s25] =	ssyncset.done $0x0  }
0x64: {  	s12 =	sadd.s32 $0x280, s11;
	[sflag:s25] =	ssyncadd.s32 $0xFFFFF800  }
0x65: {  	[tilespmem:s15], [sflag:$0x2] =	stream.indirect.gather [hbm4b:s4+s13], $0x10, s12, s13, $0xb8;
	[tilespmem:$0xBF00] =	vst v63  }
0x66: {  	_ =	swait.ge [sflag:s26], $0x800  }
0x67: {  	[sflag:s26] =	ssyncset.done $0x0  }
.Ltmp1:
0x68: {  	s12 =	sadd.s32 $0x300, s11;
	[sflag:s26] =	ssyncadd.s32 $0xFFFFF800;
	(pc) =	sbr.rel @p0 .LBB2_4-.Ltmp1, $4  }
0x69: {  	[tilespmem:s17], [sflag:$0x3] =	stream.indirect.gather [hbm4b:s4+s13], $0x10, s12, s13, $0xb8;
	[tilespmem:$0xBF00] =	vst v63  }
0x6a: {  	_ =	swait.ge [sflag:s28], $0x800  }
0x6b: {  	[sflag:s28] =	ssyncset.done $0x0  }
0x6c: {  	s11 =	sadd.s32 $0x380, s11;
	[sflag:s28] =	ssyncadd.s32 $0xFFFFF800  }
0x6d: {  	[tilespmem:s19], [sflag:$0x4] =	stream.indirect.gather [hbm4b:s4+s13], $0x10, s11, s13, $0xb8;
	[tilespmem:$0xBF00] =	vst v63  }
0x6e: {  	_ =	swait.ge [sflag:s20], $0x800  }
0x6f: {  	[sflag:s20] =	ssyncset.done $0x0  }
0x70: {  	[sflag:s20] =	ssyncadd.s32 $0xFFFFF800  }
0x71: {  	[spmem:s2] =	stream.indirect.scatter.add.f32 [tilespmem:s14], [sflag:$0x5], $0x10, s29, s13, $0xb8;
	[tilespmem:$0xBF00] =	vst v63  }
0x72: {  	_ =	swait.ge [sflag:s21], $0x800  }
0x73: {  	[sflag:s21] =	ssyncset.done $0x0  }
0x74: {  	[sflag:s21] =	ssyncadd.s32 $0xFFFFF800  }
0x75: {  	[spmem:s2] =	stream.indirect.scatter.add.f32 [tilespmem:s15], [sflag:$0x6], $0x10, s30, s13, $0xb8;
	[tilespmem:$0xBF00] =	vst v63  }
0x76: {  	_ =	swait.ge [sflag:s22], $0x800  }
0x77: {  	[sflag:s22] =	ssyncset.done $0x0  }
0x78: {  	[sflag:s22] =	ssyncadd.s32 $0xFFFFF800  }
0x79: {  	[spmem:s2] =	stream.indirect.scatter.add.f32 [tilespmem:s17], [sflag:$0x7], $0x10, s31, s13, $0xb8;
	[tilespmem:$0xBF00] =	vst v63  }
0x7a: {  	_ =	swait.ge [sflag:s23], $0x800  }
0x7b: {  	[sflag:s23] =	ssyncset.done $0x0  }
0x7c: {  	[sflag:s23] =	ssyncadd.s32 $0xFFFFF800  }
0x7d: {  	[spmem:s2] =	stream.indirect.scatter.add.f32 [tilespmem:s19], [sflag:$0x8], $0x10, s0, s13, $0xb8;
	[tilespmem:$0xBF00] =	vst v63  }
0x7e: {  	_ =	swait.ge [sflag:s24], $0x800  }
0x7f: {  	[sflag:s24] =	ssyncset.done $0x0  }
0x80: {  	[sflag:s24] =	ssyncadd.s32 $0xFFFFF800  }
0x81: {  	_ =	swait.ge [sflag:s25], $0x800  }
0x82: {  	[sflag:s25] =	ssyncset.done $0x0  }
0x83: {  	[sflag:s25] =	ssyncadd.s32 $0xFFFFF800  }
0x84: {  	_ =	swait.ge [sflag:s26], $0x800  }
0x85: {  	[sflag:s26] =	ssyncset.done $0x0  }
0x86: {  	[sflag:s26] =	ssyncadd.s32 $0xFFFFF800  }
0x87: {  	s1 =	stileid.u32;
	_ =	swait.ge [sflag:s28], $0x800  }
0x88: {  	s12 =	sshrl.u32 s7, $0x3;
	s3 =	sadd.s32 $0x1, s3;
	[sflag:s28] =	ssyncset.done $0x0  }
0x89: {  	s1 =	sshll.u32 s1, $0x6;
	p0 =	sne.s32 s3, s9;
	[sflag:s28] =	ssyncadd.s32 $0xFFFFF800  }
.Ltmp2:
0x8a: {  	s1 =	sor.u32 $0x1C09, s1;
	[bflag:$0x0] =	sbarrier.arrive $0xFFFF;
	(pc) =	sbr.rel @p0 .LBB2_1-.Ltmp2, $4  }
0x8b: {  	[hbm:s8], [sflag:s1] =	dma.local [spmem:s12], $0x4F0  }
0x8c: {  	_ =	swait.ge [sflag:s10], $0x4F0  }
0x8d: {  	[sflag:s10] =	ssyncset.done $0x0  }
0x8e: {  	[sflag:s10] =	ssyncadd.s32 $0xFFFFFB10  }
0x8f: {  	_ =	sfence.sel $0x180000  }
0x90: {  	[bflag:$0x0] =	sbarrier.arrive $0xFFFF  }
0x91: {  	_ =	strace $0x9000004D  }
0x92: {  	s0 =	stileid.u32;
	[bflag:$0x2] =	sbarrier.arrive $0xFFFF  }
0x93: {  	p0 =	sne.s32 s0, $0x0;
	s0 =	rddreg [dreg:$0x3]  }
0x94: {  	s0 =	sadd.s32 @!p0 $0x100000, s0  }
0x95: {  	[sflag:s0] =	ssyncadd.tile.s32 @!p0 $0x1;
	_ =	shalt  }
.Lfunc_end2:
_tile_overlayer_lowered:
.L_overlay_start_2:
0x96: {  	(tag) =	ssettag $0x2  }
0x97: {  	s0 =	rddreg [dreg:$0x0];
	s2 =	stileid.u32  }
0x98: {  	s1 =	rddreg [dreg:$0x1];
	p0 =	sne.s32 s2, $0x0  }
0x99: {  	s3 =	rddreg [dreg:$0x2];
	[bflag:$0x3] =	sbarrier.arrive $0xFFFF;
	s2 =	simm.s32 @!p0 $0x1C09  }
0x9a: {  	[timem:s3], [sflag:s2] =	dma.local @!p0 [hbm:s0], s1  }
0x9b: {  	s0 =	simm.s32 @!p0 $0x9  }
0x9c: {  	_ =	swait.ge @!p0 [sflag:s0], s1  }
0x9d: {  	s1 =	ssub.s32 @!p0 $0x0, s1;
	[sflag:s0] =	ssyncset.done @!p0 $0x0  }
0x9e: {  	[sflag:s0] =	ssyncadd.s32 @!p0 s1  }
0x9f: {  	[bflag:$0x3] =	sbarrier.arrive $0xFFFF  }
0xa0: {  	_ =	shalt  }

// kernel: kernel.8.cloned.1.call-start
scs
__scs_entry_jumppad:
0x0: {  	(pc) =	sbr.rel $0x88, $3  }
0x1: {  	(tag) =	ssettag $0x0;
	lr =	simm.s32 $0x1  }
0x2: {  	[smem:$0x3F9B] =	sst lr;
	_ =	strace $0xD0000000  }
0x3: {  	_ = 	snop  }
0x4: {  	_ = 	snop  }
0x5: {  	_ = 	snop  }
0x6: {  	_ = 	snop  }
0x7: {  	_ = 	snop  }
__scs_overlays_trampoline_lowered:
0x8: {  	[smem:$0x3FAA] =	sst s0  }
0x9: {  	[smem:$0x3FAB] =	sst s1  }
0xa: {  	[smem:$0x3FAC] =	sst s2  }
0xb: {  	[smem:$0x3FAD] =	sst s3  }
0xc: {  	[smem:$0x3FAE] =	sst s4  }
0xd: {  	[smem:$0x3FAF] =	sst s5  }
0xe: {  	[smem:$0x3FB0] =	sst s6  }
0xf: {  	[smem:$0x3FB1] =	sst s7  }
0x10: {  	[smem:$0x3FB2] =	sst s8  }
0x11: {  	[smem:$0x3FB3] =	sst s9;
	s0 =	simm.s32 @!p0 $0x0  }
0x12: {  	s1 =	sld [smem:$0x3F99];
	s0 =	simm.s32 @p0 $0x1  }
0x13: {  	[smem:$0x3FB4] =	sst s0;
	s0 =	simm.s32 @!p1 $0x0  }
0x14: {  	s2 =	sld [smem:$0x3F98];
	s0 =	simm.s32 @p1 $0x1  }
0x15: {  	[smem:$0x3FB5] =	sst s0;
	s0 =	simm.s32 @!p2 $0x0  }
0x16: {  	s3 =	sld [smem:$0x3FDB];
	s0 =	simm.s32 @p2 $0x1  }
0x17: {  	s4 =	simm.s32 $0x1BF5;
	[smem:$0x3FB7] =	sst s0  }
0x18: {  	s0 =	sld [smem:$0x3F9A];
	_ =	swait.ge [sflag:s4], $0x0  }
0x19: {  	s7 =	sld [smem:$0x3F9B]  }
0x1a: {  	s8 =	sadd.s32 $0xFFFFE003, lr  }
0x1b: {  	s9 =	sadd.s32 $0xFFFFFEF7, lr;
	s5 =	simm.s32 $0xFFFFFFFF;
	p2 =	slt.u32 s8, $0xFFFFF086  }
0x1c: {  	p1 =	slt.u32 s9, $0xF7A;
	s5 =	simm.s32 @!p2 $0x0  }
0x1d: {  	s5 =	simm.s32 @p1 $0x1;
	p0 =	seq.s32 s7, s2  }
0x1e: {  	s7 =	smul.u32 @!p0 $0xF7A, s2;
	p2 =	seq.s32 @!p0 s5, $0x0  }
0x1f: {  	s9 =	smul.u32 $0xF7A, s1;
	s8 =	simm.s32 @!p0 $0x1BF5;
	p2 =	por !p2, p0  }
0x20: {  	[sflag:s8] =	ssyncset.s32 @!p0 $0xFFFFF086;
	s6 =	sadd.s32 @!p0 s3, s7;
	s7 =	simm.s32 @!p0 $0x108  }
0x21: {  	s3 =	sadd.s32 s3, s9;
	s6 =	sadd.s32 @!p0 $0x88, s6;
	s7 =	simm.s32 @p2 $0x1082  }
0x22: {  	[simem:s7], [sflag:s8] =	dma.local @!p0 [hbm:s6], $0xF7A  }
0x23: {  	s9 =	sor.u32 $0xD0000000, s2;
	s6 =	simm.s32 $0x108;
	_ =	swait.ge @!p0 [sflag:s8], $0x0  }
0x24: {  	s3 =	sadd.s32 $0x88, s3;
	s6 =	simm.s32 @!p1 $0x1082;
	[sflag:s4] =	ssyncset.s32 $0xFFFFF086  }
0x25: {  	[simem:s6], [sflag:s4] =	dma.local [hbm:s3], $0xF7A  }
0x26: {  	[smem:$0x3F9B] =	sst s1;
	(tag) =	ssettag s2;
	_ =	strace s9  }
0x27: {  	s1 =	sld [smem:$0x3FAB]  }
0x28: {  	s2 =	sld [smem:$0x3FAC]  }
0x29: {  	s4 =	sld [smem:$0x3FAE]  }
0x2a: {  	p0 =	seq.s32 s5, $0x0;
	s5 =	sld [smem:$0x3FAF]  }
0x2b: {  	s6 =	sld [smem:$0x3FB0]  }
0x2c: {  	s7 =	sld [smem:$0x3FB1]  }
0x2d: {  	s3 =	simm.s32 $0x108;
	s8 =	sld [smem:$0x3FB2]  }
0x2e: {  	s3 =	simm.s32 @!p0 $0x1082;
	s9 =	sld [smem:$0x3FB3]  }
0x2f: {  	lr =	sadd.s32 s0, s3;
	s0 =	sld [smem:$0x3FAA]  }
0x30: {  	s3 =	sld [smem:$0x3FAD]  }
0x31: {  	[smem:$0x3FB6] =	sst s10  }
0x32: {  	s10 =	sld [smem:$0x3FB4];
	_ =	sdelay $0x3  }
0x33: {  	p0 =	seq.s32 s10, $0x1;
	s10 =	sld [smem:$0x3FB6];
	_ =	sdelay $0x3  }
0x34: {  	[smem:$0x3FB6] =	sst s10  }
0x35: {  	s10 =	sld [smem:$0x3FB5];
	_ =	sdelay $0x3  }
0x36: {  	p1 =	seq.s32 s10, $0x1;
	s10 =	sld [smem:$0x3FB6];
	_ =	sdelay $0x3  }
0x37: {  	[smem:$0x3FB6] =	sst s10  }
0x38: {  	s10 =	sld [smem:$0x3FB7]  }
0x39: {  	_ = 	snop;
	(pc) =	sbr.ind lr, $3  }
0x3a: {  	_ = 	snop  }
0x3b: {  	_ = 	snop  }
0x3c: {  	p2 =	seq.s32 s10, $0x1;
	s10 =	sld [smem:$0x3FB6]  }
0x3d: {  	_ =	shalt  }
0x3e: {  	_ =	shalt  }
0x3f: {  	_ =	shalt  }
0x40: {  	_ =	shalt  }
0x41: {  	_ =	shalt  }
0x42: {  	_ =	shalt  }
0x43: {  	_ =	shalt  }
0x44: {  	_ =	shalt  }
0x45: {  	_ =	shalt  }
0x46: {  	_ =	shalt  }
0x47: {  	_ =	shalt  }
0x48: {  	_ =	shalt  }
0x49: {  	_ =	shalt  }
0x4a: {  	_ =	shalt  }
0x4b: {  	_ =	shalt  }
0x4c: {  	_ =	shalt  }
0x4d: {  	_ =	shalt  }
0x4e: {  	_ =	shalt  }
0x4f: {  	_ =	shalt  }
0x50: {  	_ =	shalt  }
0x51: {  	_ =	shalt  }
0x52: {  	_ =	shalt  }
0x53: {  	_ =	shalt  }
0x54: {  	_ =	shalt  }
0x55: {  	_ =	shalt  }
0x56: {  	_ =	shalt  }
0x57: {  	_ =	shalt  }
0x58: {  	_ =	shalt  }
0x59: {  	_ =	shalt  }
0x5a: {  	_ =	shalt  }
0x5b: {  	_ =	shalt  }
0x5c: {  	_ =	shalt  }
0x5d: {  	_ =	shalt  }
0x5e: {  	_ =	shalt  }
0x5f: {  	_ =	shalt  }
0x60: {  	_ =	shalt  }
0x61: {  	_ =	shalt  }
0x62: {  	_ =	shalt  }
0x63: {  	_ =	shalt  }
0x64: {  	_ =	shalt  }
0x65: {  	_ =	shalt  }
0x66: {  	_ =	shalt  }
0x67: {  	_ =	shalt  }
0x68: {  	_ =	shalt  }
0x69: {  	_ =	shalt  }
0x6a: {  	_ =	shalt  }
0x6b: {  	_ =	shalt  }
0x6c: {  	_ =	shalt  }
0x6d: {  	_ =	shalt  }
0x6e: {  	_ =	shalt  }
0x6f: {  	_ =	shalt  }
0x70: {  	_ =	shalt  }
0x71: {  	_ =	shalt  }
0x72: {  	_ =	shalt  }
0x73: {  	_ =	shalt  }
0x74: {  	_ =	shalt  }
0x75: {  	_ =	shalt  }
0x76: {  	_ =	shalt  }
0x77: {  	_ =	shalt  }
0x78: {  	_ =	shalt  }
0x79: {  	_ =	shalt  }
0x7a: {  	_ =	shalt  }
0x7b: {  	_ =	shalt  }
0x7c: {  	_ =	shalt  }
0x7d: {  	_ =	shalt  }
0x7e: {  	_ =	shalt  }
0x7f: {  	_ =	shalt  }
0x80: {  	_ =	shalt  }
0x81: {  	_ =	shalt  }
0x82: {  	_ =	shalt  }
0x83: {  	_ =	shalt  }
0x84: {  	_ =	shalt  }
0x85: {  	_ =	shalt  }
0x86: {  	_ =	shalt  }
0x87: {  	_ =	shalt  }
.Lfunc_end0:
.L_simem_size_0:
called_computation_lowered:
.L_overlay_start_0:
0x88: {  	s2 =	sld [smem:$0x3FD9]  }
0x89: {  	s3 =	sld [smem:$0x3FFE];
	_ =	sdelay $0x1  }
0x8a: {  	s1 =	srdreg.scid  }
0x8b: {  	s0 =	sand.u32 $0x1, s1  }
0x8c: {  	s17 =	sshll.u32 s0, $0xA;
	s2 =	sadd.s32 s3, s2  }
0x8d: {  	s2 =	sadd.s32 s2, s17  }
0x8e: {  	[smem:$0x3FC2] =	sst s2  }
0x8f: {  	_ = 	snop  }
0x90: {  	s2 =	sld [smem:$0x3FD0];
	(tm) =	ssettm $0x1  }
0x91: {  	s18 =	sld [smem:$0x3FFB];
	_ =	sdelay $0x3  }
0x92: {  	_ =	strace s18  }
0x93: {  	s3 =	sld [smem:$0x3FFC];
	_ =	sdelay $0x3  }
0x94: {  	_ =	strace s3  }
0x95: {  	s3 =	sld [smem:$0x3FFD];
	_ =	sdelay $0x3  }
0x96: {  	_ =	strace s3  }
0x97: {  	_ =	strace $0x8FFFFFFF  }
0x98: {  	s19 =	sld [smem:$0x3FDB];
	_ =	sdelay $0x1  }
0x99: {  	s4 =	simm.s32 $_scs_section_size  }
0x9a: {  	s5 =	simm.s32 $_size__tile_overlayer_lowered;
	s6 =	simm.s32 $_tile_overlayer_lowered  }
0x9b: {  	s22 =	simm.s32 $0x1BFF;
	s21 =	sshll.u32 s6, $0x1;
	s3 =	sadd.s32 s4, s19  }
0x9c: {  	s7 =	simm.s32 $0x0;
	s20 =	sshll.u32 s5, $0x1;
	s5 =	sadd.s32 s21, s3  }
0x9d: {  	[timem:s7], [sflag:s22] =	dma.local [hbm:s5], s20  }
0x9e: {  	_ =	swait.ge [sflag:s22], s20  }
0x9f: {  	s4 =	ssub.s32 $0x0, s20;
	[sflag:s22] =	ssyncset.done $0x0  }
0xa0: {  	[sflag:s22] =	ssyncadd.s32 s4;
	_ =	sdelay $0x1  }
0xa1: {  	s23 =	simm.s32 $0x1B8B  }
0xa2: {  	_ =	swait.ge [sflag:s23], $0x1  }
0xa3: {  	[sflag:s23] =	ssyncset.done $0x0  }
0xa4: {  	s25 =	simm.s32 $0x1B8E;
	s24 =	sld [smem:$0x3FFE];
	[sflag:s23] =	ssyncadd.s32 $0xFFFFFFFF  }
0xa5: {  	s26 =	simm.s32 $execute0_lowered;
	[smem:$0x3FD2] =	sst s25  }
0xa6: {  	s5 =	sshll.u32 s26, $0x1;
	_ =	strace $0x80000046;
	[dreg:$0x1] =	wrdreg $0xFFFFFFFF  }
0xa7: {  	s28 =	simm.s32 $_size_execute0_lowered;
	s3 =	sadd.s32 s3, s5;
	[dreg:$0x0] =	wrdreg $0x0  }
0xa8: {  	s5 =	sshll.u32 s28, $0x1;
	[dreg:$0x2] =	wrdreg s3  }
0xa9: {  	[dreg:$0x3] =	wrdreg s5  }
0xaa: {  	[dreg:$0x4] =	wrdreg $0xC0  }
0xab: {  	_ =	task [dreg:s7], $0x5FFFF  }
0xac: {  	[dreg:$0x1] =	wrdreg $0xFFFFFFFF  }
0xad: {  	[dreg:$0x0] =	wrdreg $0x60  }
0xae: {  	[dreg:$0x2] =	wrdreg s2  }
0xaf: {  	[dreg:$0x3] =	wrdreg s24  }
0xb0: {  	[dreg:$0x4] =	wrdreg $0x7F800  }
0xb1: {  	[dreg:$0x5] =	wrdreg $0xA7000  }
0xb2: {  	[dreg:$0x6] =	wrdreg $0x9  }
0xb3: {  	_ =	task.clear_ibuf [dreg:s7], $0x7FFFF;
	_ =	strace $0x90000046  }
0xb4: {  	s29 =	simm.s32 $0x9;
	_ =	strace $0x80000048  }
0xb5: {  	_ =	swait.ge [sflag:s29], $0x1  }
0xb6: {  	[sflag:s29] =	ssyncadd.s32 $0xFFFFFFFF  }
0xb7: {  	_ =	strace $0x90000048  }
0xb8: {  	_ =	sfence  }
0xb9: {  	s30 =	sld [smem:$0x0];
	_ =	sdelay $0x2  }
0xba: {  	s31 =	sshll.u32 s1, $0xD;
	s1 =	sshrl.u32 s1, $0x2  }
0xbb: {  	s3 =	sand.u32 $0x4000, s31;
	s1 =	sadd.s32 s1, s30  }
0xbc: {  	s0 =	sor.u32 s3, s0;
	s1 =	sshll.u32 s1, $0x11  }
0xbd: {  	s0 =	sor.u32 s1, s0  }
0xbe: {  	s0 =	sadd.s32 $0x8F2B, s0  }
0xbf: {  	[sflag:s0] =	ssyncadd.remote.s32 $0x1  }
0xc0: {  	_ =	sfence.sel $0xFFFF  }
0xc1: {  	[dreg:$0x0] =	wrdreg $0xFFFFFFFF;
	(pc) =	sbr.abs _section_cstart, $3  }
0xc2: {  	[dreg:$0x1] =	wrdreg $0xFFFFFFFF  }
0xc3: {  	_ =	task.clear_ibuf [dreg:s7], $0x2FFFF;
	_ =	strace $0x9FFFFFFF  }
0xc4: {  	(tm) =	ssettm $0x7FFFFFFF  }
0xc5: {  	_ =	shalt  }
tec
execute0_lowered:
.L_overlay_start_1:
0x0: {  	(tag) =	ssettag $0x1  }
0x1: {  	s5 =	rddreg [dreg:$0x0]  }
0x2: {  	s6 =	rddreg [dreg:$0x1]  }
0x3: {  	s1 =	srdreg.scid;
	s2 =	rddreg [dreg:$0x2]  }
0x4: {  	s0 =	stileid.u32;
	s3 =	rddreg [dreg:$0x3];
	s4 =	simm.s32 $0x0  }
0x5: {  	s13 =	simm.s32 $0x2800;
	s14 =	simm.s32 $0x5800;
	s15 =	simm.s32 $0x80  }
0x6: {  	s16 =	simm.s32 $0x5000;
	s17 =	simm.s32 $0x2880;
	s18 =	simm.s32 $0x100  }
0x7: {  	s19 =	simm.s32 $0x2900;
	s20 =	simm.s32 $0x180;
	s21 =	simm.s32 $0x2980  }
0x8: {  	s22 =	simm.s32 $0x1;
	s23 =	simm.s32 $0x2;
	s24 =	simm.s32 $0x0  }
0x9: {  	s7 =	sand.u32 $0x1, s1;
	s8 =	smul.u32 $0x2780, s0;
	s1 =	rddreg [dreg:$0x4]  }
0xa: {  	s9 =	sshll.u32 s0, $0x1;
	[smem:$0x7FF] =	sst s4;
	s10 =	smul.u32 $0x27800, s7  }
0xb: {  	s9 =	sor.u32 s7, s9;
	_ =	strace $0x80000047;
	s7 =	ssub.s32 $0x2, s7  }
0xc: {  	s9 =	smul.u32 $0x500, s9;
	s31 =	sshrl.u32 s7, $0x1;
	s10 =	sadd.s32 s8, s10  }
0xd: {  	s12 =	ssub.s32 s7, s31;
	s7 =	sadd.s32 s8, s2;
	s8 =	sadd.s32 s8, s3  }
0xe: {  	s10 =	sshrl.u32 s10, $0x3;
	s11 =	sadd.s32 s9, s6;
	s5 =	sadd.s32 s5, s9  }
0xf: {  	s10 =	sadd.s32 s10, s6;
	s6 =	sadd.s32 $0x1C00, s11;
	s11 =	smax.u32 s12, $0x1  }
0x10: {  	v0 =	vimm.f32 $0.0e+00;
	v1 =	vimm.f32 $1.000000000e+00;
	s12 =	simm.s32 $0x3;
	s9 =	sadd.s32 $0xBC00, s10;
	s10 =	sadd.s32 $0x15A00, s10  }
.LBB2_1:
0x11: {  	s25 =	simm.s32 $0x0  }
.LBB2_2:
0x12: {  	p0 =	sne.s32 s25, $0x9DC0  }
.Ltmp0:
0x13: {  	_ = 	snop;
	(pc) =	sbr.rel @p0 .LBB2_2-.Ltmp0, $3  }
0x14: {  	_ =	sdelay $0x1  }
0x15: {  	s26 =	sshra.s32 s25, $0x2  }
0x16: {  	s25 =	sadd.s32 $0x40, s25;
	[tilespmem:s26+$0x5800] =	vst v0  }
0x17: {  	s25 =	simm.s32 $0x40;
	s26 =	simm.s32 $0x0  }
.LBB2_4:
0x18: {  	p0 =	sne.s32 s25, $0x1FC0;
	[tilespmem:s26+$0x5000] =	vst v1;
	s26 =	smov.u32 s25;
	s25 =	sadd.s32 $0x40, s25  }
.Ltmp1:
0x19: {  	(pc) =	sbr.rel @p0 .LBB2_4-.Ltmp1, $2  }
0x1a: {  	_ =	sdelay $0x2  }
0x1b: {  	s26 =	sshra.s32 s26, $0x2  }
0x1c: {  	[tilespmem:s26+$0x5000] =	vst v1  }
0x1d: {  	[tilespmem:s4], [sflag:$0x3] =	stream.linear.gather [hbm4b:s5+s4], $0x2800, $0x38;
	[tilespmem:$0xCE80] =	vst v63  }
0x1e: {  	_ =	swait.ge [sflag:s12], $0x2800  }
0x1f: {  	[sflag:s12] =	ssyncset.done $0x0  }
0x20: {  	[sflag:s12] =	ssyncadd.s32 $0xFFFFD800  }
0x21: {  	[tilespmem:s13], [sflag:$0x3] =	stream.linear.gather [hbm4b:s6+s4], $0x2800, $0x38;
	[tilespmem:$0xCE80] =	vst v63  }
0x22: {  	_ =	swait.ge [sflag:s12], $0x2800  }
0x23: {  	[sflag:s12] =	ssyncset.done $0x0  }
0x24: {  	[sflag:s12] =	ssyncadd.s32 $0xFFFFD800  }
0x25: {  	[spmem:s7] =	stream.linear.scatter [tilespmem:s14], [sflag:$0x3], $0x2780, $0x38;
	[tilespmem:$0xCE80] =	vst v63  }
0x26: {  	_ =	swait.ge [sflag:s12], $0x2780  }
0x27: {  	[sflag:s12] =	ssyncset.done $0x0  }
0x28: {  	[sflag:s12] =	ssyncadd.s32 $0xFFFFD880  }
0x29: {  	[spmem:s8] =	stream.linear.scatter [tilespmem:s14], [sflag:$0x3], $0x2780, $0x38;
	[tilespmem:$0xCE80] =	vst v63  }
0x2a: {  	_ =	swait.ge [sflag:s12], $0x2780  }
0x2b: {  	[sflag:s12] =	ssyncset.done $0x0  }
0x2c: {  	[sflag:s12] =	ssyncadd.s32 $0xFFFFD880  }
0x2d: {  	[bflag:$0x0] =	sbarrier.arrive $0xFFFF  }
0x2e: {  	[spmem:s2] =	stream.indirect.scatter.add.f32 [tilespmem:s16], [sflag:$0x1], $0x10, s4, s15, $0xb8;
	[tilespmem:$0xCE80] =	vst v63  }
0x2f: {  	_ = 	snop  }
0x30: {  	[spmem:s3] =	stream.indirect.scatter.add.f32 [tilespmem:s16], [sflag:$0x2], $0x10, s13, s15, $0xb8;
	[tilespmem:$0xCE80] =	vst v63  }
0x31: {  	_ = 	snop  }
0x32: {  	[spmem:s2] =	stream.indirect.scatter.add.f32 [tilespmem:s16], [sflag:$0x1], $0x10, s15, s15, $0xb8;
	[tilespmem:$0xCE80] =	vst v63  }
0x33: {  	_ = 	snop  }
0x34: {  	[spmem:s3] =	stream.indirect.scatter.add.f32 [tilespmem:s16], [sflag:$0x2], $0x10, s17, s15, $0xb8;
	[tilespmem:$0xCE80] =	vst v63  }
0x35: {  	_ = 	snop  }
0x36: {  	[spmem:s2] =	stream.indirect.scatter.add.f32 [tilespmem:s16], [sflag:$0x1], $0x10, s18, s15, $0xb8;
	[tilespmem:$0xCE80] =	vst v63  }
0x37: {  	_ = 	snop  }
0x38: {  	[spmem:s3] =	stream.indirect.scatter.add.f32 [tilespmem:s16], [sflag:$0x2], $0x10, s19, s15, $0xb8;
	[tilespmem:$0xCE80] =	vst v63  }
0x39: {  	_ = 	snop  }
0x3a: {  	[spmem:s2] =	stream.indirect.scatter.add.f32 [tilespmem:s16], [sflag:$0x1], $0x10, s20, s15, $0xb8;
	[tilespmem:$0xCE80] =	vst v63  }
0x3b: {  	_ = 	snop  }
0x3c: {  	[spmem:s3] =	stream.indirect.scatter.add.f32 [tilespmem:s16], [sflag:$0x2], $0x10, s21, s15, $0xb8;
	[tilespmem:$0xCE80] =	vst v63  }
0x3d: {  	s25 =	simm.s32 $0x200  }
0x3e: {  	[spmem:s2] =	stream.indirect.scatter.add.f32 [tilespmem:s16], [sflag:$0x1], $0x10, s25, s15, $0xb8;
	[tilespmem:$0xCE80] =	vst v63  }
0x3f: {  	s31 =	simm.s32 $0x2A00  }
0x40: {  	[spmem:s3] =	stream.indirect.scatter.add.f32 [tilespmem:s16], [sflag:$0x2], $0x10, s31, s15, $0xb8;
	[tilespmem:$0xCE80] =	vst v63  }
0x41: {  	_ =	swait.ge [sflag:s22], $0x800  }
0x42: {  	[sflag:s22] =	ssyncset.done $0x0  }
0x43: {  	[sflag:s22] =	ssyncadd.s32 $0xFFFFF800  }
0x44: {  	_ =	swait.ge [sflag:s23], $0x800  }
0x45: {  	s26 =	simm.s32 $0xC00;
	s25 =	simm.s32 $0xA00;
	[sflag:s23] =	ssyncset.done $0x0  }
.LBB2_6:
0x46: {  	s28 =	sshra.s32 s25, $0x2  }
0x47: {  	[sflag:s23] =	ssyncadd.s32 $0xFFFFF800;
	s25 =	smov.u32 s26;
	s29 =	sadd.s32 $0x200, s26  }
0x48: {  	[spmem:s2] =	stream.indirect.scatter.add.f32 [tilespmem:s16], [sflag:$0x1], $0x10, s28, s15, $0xb8;
	[tilespmem:$0xCE80] =	vst v63  }
0x49: {  	p0 =	sne.s32 s26, $0x9E00;
	s26 =	sadd.s32 $0x2800, s28  }
0x4a: {  	[spmem:s3] =	stream.indirect.scatter.add.f32 [tilespmem:s16], [sflag:$0x2], $0x10, s26, s15, $0xb8;
	[tilespmem:$0xCE80] =	vst v63  }
.Ltmp2:
0x4b: {  	_ =	swait.ge [sflag:s22], $0x800;
	(pc) =	sbr.rel @p0 .LBB2_6-.Ltmp2, $4  }
0x4c: {  	[sflag:s22] =	ssyncset.done $0x0  }
0x4d: {  	[sflag:s22] =	ssyncadd.s32 $0xFFFFF800  }
0x4e: {  	_ =	swait.ge [sflag:s23], $0x800  }
0x4f: {  	s26 =	smov.u32 s29;
	[sflag:s23] =	ssyncset.done $0x0  }
0x50: {  	s25 =	sshra.s32 s25, $0x2;
	[sflag:s23] =	ssyncadd.s32 $0xFFFFF800  }
0x51: {  	[spmem:s2] =	stream.indirect.scatter.add.f32 [tilespmem:s16], [sflag:$0x1], $0x10, s25, s15, $0xb8;
	[tilespmem:$0xCE80] =	vst v63  }
0x52: {  	s25 =	sadd.s32 $0x2800, s25  }
0x53: {  	[spmem:s3] =	stream.indirect.scatter.add.f32 [tilespmem:s16], [sflag:$0x2], $0x10, s25, s15, $0xb8;
	[tilespmem:$0xCE80] =	vst v63  }
0x54: {  	_ =	swait.ge [sflag:s22], $0x800  }
0x55: {  	[sflag:s22] =	ssyncset.done $0x0  }
0x56: {  	[sflag:s22] =	ssyncadd.s32 $0xFFFFF800  }
0x57: {  	_ =	swait.ge [sflag:s23], $0x800  }
0x58: {  	[sflag:s23] =	ssyncset.done $0x0  }
0x59: {  	[sflag:s23] =	ssyncadd.s32 $0xFFFFF800  }
0x5a: {  	_ =	swait.ge [sflag:s22], $0x800  }
0x5b: {  	[sflag:s22] =	ssyncset.done $0x0  }
0x5c: {  	[sflag:s22] =	ssyncadd.s32 $0xFFFFF800  }
0x5d: {  	_ =	swait.ge [sflag:s23], $0x800  }
0x5e: {  	[sflag:s23] =	ssyncset.done $0x0  }
0x5f: {  	[sflag:s23] =	ssyncadd.s32 $0xFFFFF800  }
0x60: {  	_ =	swait.ge [sflag:s22], $0x800  }
0x61: {  	[sflag:s22] =	ssyncset.done $0x0  }
0x62: {  	[sflag:s22] =	ssyncadd.s32 $0xFFFFF800  }
0x63: {  	_ =	swait.ge [sflag:s23], $0x800  }
0x64: {  	[sflag:s23] =	ssyncset.done $0x0  }
0x65: {  	[sflag:s23] =	ssyncadd.s32 $0xFFFFF800  }
0x66: {  	_ =	swait.ge [sflag:s22], $0x800  }
0x67: {  	[sflag:s22] =	ssyncset.done $0x0  }
0x68: {  	[sflag:s22] =	ssyncadd.s32 $0xFFFFF800  }
0x69: {  	_ =	swait.ge [sflag:s23], $0x800  }
0x6a: {  	[sflag:s23] =	ssyncset.done $0x0  }
0x6b: {  	[sflag:s23] =	ssyncadd.s32 $0xFFFFF800  }
0x6c: {  	_ =	swait.ge [sflag:s22], $0x800  }
0x6d: {  	[sflag:s22] =	ssyncset.done $0x0  }
0x6e: {  	[sflag:s22] =	ssyncadd.s32 $0xFFFFF800  }
0x6f: {  	_ =	swait.ge [sflag:s23], $0x800  }
0x70: {  	[sflag:s23] =	ssyncset.done $0x0  }
0x71: {  	s30 =	sshll.u32 s0, $0x6;
	[sflag:s23] =	ssyncadd.s32 $0xFFFFF800  }
0x72: {  	s26 =	sshrl.u32 s7, $0x3;
	s25 =	sor.u32 $0x1C03, s30;
	[bflag:$0x0] =	sbarrier.arrive $0xFFFF  }
0x73: {  	[hbm:s9], [sflag:s25] =	dma.local [spmem:s26], $0x4F0  }
0x74: {  	s24 =	sadd.s32 $0x1, s24;
	_ =	swait.ge [sflag:s12], $0x4F0  }
0x75: {  	p0 =	sne.s32 s24, s11;
	[sflag:s12] =	ssyncset.done $0x0  }
.Ltmp3:
0x76: {  	s31 =	sshrl.u32 s8, $0x3;
	[sflag:s12] =	ssyncadd.s32 $0xFFFFFB10;
	(pc) =	sbr.rel @p0 .LBB2_1-.Ltmp3, $4  }
0x77: {  	[hbm:s10], [sflag:s25] =	dma.local [spmem:s31], $0x4F0  }
0x78: {  	_ =	swait.ge [sflag:s12], $0x4F0  }
0x79: {  	[sflag:s12] =	ssyncset.done $0x0  }
0x7a: {  	[sflag:s12] =	ssyncadd.s32 $0xFFFFFB10  }
0x7b: {  	_ =	sfence.sel $0x180000  }
0x7c: {  	[bflag:$0x0] =	sbarrier.arrive $0xFFFF  }
0x7d: {  	p0 =	sne.s32 s0, $0x0;
	_ =	strace $0x90000047  }
0x7e: {  	s0 =	sadd.s32 @!p0 $0x100000, s1;
	[bflag:$0x2] =	sbarrier.arrive $0xFFFF  }
0x7f: {  	[sflag:s0] =	ssyncadd.tile.s32 @!p0 $0x1;
	_ =	shalt  }
.Lfunc_end2:
_tile_overlayer_lowered:
.L_overlay_start_2:
0x80: {  	(tag) =	ssettag $0x2  }
0x81: {  	s0 =	rddreg [dreg:$0x0];
	s2 =	stileid.u32  }
0x82: {  	s1 =	rddreg [dreg:$0x1];
	p0 =	sne.s32 s2, $0x0  }
0x83: {  	s3 =	rddreg [dreg:$0x2];
	[bflag:$0x3] =	sbarrier.arrive $0xFFFF;
	s2 =	simm.s32 @!p0 $0x1C03  }
0x84: {  	[timem:s3], [sflag:s2] =	dma.local @!p0 [hbm:s0], s1  }
0x85: {  	s0 =	simm.s32 @!p0 $0x3  }
0x86: {  	_ =	swait.ge @!p0 [sflag:s0], s1  }
0x87: {  	s1 =	ssub.s32 @!p0 $0x0, s1;
	[sflag:s0] =	ssyncset.done @!p0 $0x0  }
0x88: {  	[sflag:s0] =	ssyncadd.s32 @!p0 s1  }
0x89: {  	[bflag:$0x3] =	sbarrier.arrive $0xFFFF  }
0x8a: {  	_ =	shalt  }

</sc_bundles>
